<compile_context>
chip_gen: v7x
topology: tpu7x:2x2x1
jax: 0.10.2.dev20260603
libtpu: 0.0.44.dev20260713+nightly
codegen_flags: <defaults>
</compile_context>

<pallas_src>
import functools

import jax
import jax.numpy as jnp
from jax import lax
from jax.experimental import pallas as pl
from jax.experimental.pallas import tpu as pltpu
from jax.experimental.pallas import tpu_sc as plsc

DIM = 768
NV = DIM // 16
EPS = 1e-12
CH = 8


def _lane_sum(v):
    idx = lax.iota(jnp.int32, 16)
    for sh in (8, 4, 2, 1):
        v = v + v.at[idx ^ sh].get(mode="promise_in_bounds")
    return v


def _rsqrt_vec(x):
    i = lax.bitcast_convert_type(x, jnp.int32)
    i = jnp.int32(0x5F3759DF) - lax.shift_right_logical(i, 1)
    y = lax.bitcast_convert_type(i, jnp.float32)
    for _ in range(3):
        y = y * (1.5 - 0.5 * x * y * y)
    return y


@functools.lru_cache(maxsize=None)
def _build(B, S):
    info = plsc.get_sparse_core_info()
    NW = info.num_cores * info.num_subcores
    s_per_w = S // NW
    n_steps = s_per_w // CH
    RPS = B * CH
    mesh = plsc.VectorSubcoreMesh(core_axis_name="c", subcore_axis_name="s")

    @functools.partial(
        pl.kernel,
        mesh=mesh,
        out_type=jax.ShapeDtypeStruct((B * S, DIM), jnp.float32),
        scratch_types=[
            pltpu.VMEM((s_per_w * B,), jnp.int32),
            pltpu.VMEM((RPS, DIM), jnp.float32),
            pltpu.VMEM((RPS, DIM), jnp.float32),
            pltpu.VMEM((CH, DIM), jnp.float32),
            pltpu.VMEM((CH, DIM), jnp.float32),
            pltpu.VMEM((RPS,), jnp.int32),
            pltpu.VMEM((RPS,), jnp.int32),
            pltpu.VMEM((RPS,), jnp.int32),
            pltpu.VMEM((DIM,), jnp.float32),
            pltpu.VMEM((DIM,), jnp.float32),
            pltpu.SemaphoreType.DMA,
            pltpu.SemaphoreType.DMA,
            pltpu.SemaphoreType.DMA,
            pltpu.SemaphoreType.DMA,
            pltpu.SemaphoreType.DMA,
            pltpu.SemaphoreType.DMA,
        ],
    )
    def body(ids_hbm, word_hbm, pos_hbm, gamma_hbm, beta_hbm, out_hbm,
             idx_all, rows0, rows1, pos0, pos1, widx0, widx1, wstat,
             gamma_v, beta_v, gs0, gs1, ps0, ps1, ws0, ws1):
        rows = (rows0, rows1)
        posb = (pos0, pos1)
        widx = (widx0, widx1)
        gsem = (gs0, gs1)
        psem = (ps0, ps1)
        wsem = (ws0, ws1)

        wid = lax.axis_index("s") * info.num_cores + lax.axis_index("c")
        s_base = wid * s_per_w
        pltpu.sync_copy(gamma_hbm, gamma_v)
        pltpu.sync_copy(beta_hbm, beta_v)
        pltpu.sync_copy(ids_hbm.at[pl.ds(s_base * B, s_per_w * B)], idx_all)

        lane = lax.iota(jnp.int32, 16)
        for j in range(RPS // 16):
            i_vec = j * 16 + lane
            b_vec = i_vec & (B - 1)
            s_vec = lax.shift_right_logical(i_vec, B.bit_length() - 1)
            wstat[pl.ds(j * 16, 16)] = b_vec * S + s_vec

        def set_widx(k, g):
            s_off = s_base + g * CH
            for j in range(RPS // 16):
                sl = pl.ds(j * 16, 16)
                widx[k][sl] = wstat[sl] + s_off

        _SKIP_DMA = False

        def issue(k, g):
            if _SKIP_DMA:
                return
            idx = idx_all.at[pl.ds(g * RPS, RPS)]
            pltpu.make_async_copy(word_hbm.at[idx], rows[k], gsem[k]).start()
            pltpu.make_async_copy(
                pos_hbm.at[pl.ds(s_base + g * CH, CH)], posb[k], psem[k]
            ).start()

        def wait_in(k, g):
            if _SKIP_DMA:
                return
            idx = idx_all.at[pl.ds(g * RPS, RPS)]
            pltpu.make_async_copy(word_hbm.at[idx], rows[k], gsem[k]).wait()
            pltpu.make_async_copy(
                pos_hbm.at[pl.ds(s_base + g * CH, CH)], posb[k], psem[k]
            ).wait()

        def writeout(k):
            if _SKIP_DMA:
                return
            pltpu.make_async_copy(rows[k], out_hbm.at[widx[k]], wsem[k]).start()

        def drain_write(k):
            if _SKIP_DMA:
                return
            pltpu.make_async_copy(rows[k], out_hbm.at[widx[k]], wsem[k]).wait()

        def compute(k):
            rv = rows[k]
            pv = posb[k]

            @plsc.parallel_loop(0, CH, unroll=1)
            def group(si):
                r0 = si * B
                zeros = tuple(jnp.zeros((16,), jnp.float32) for _ in range(2 * B))

                @plsc.parallel_loop(0, DIM, step=32, unroll=1, carry=zeros)
                def pass1(off, accs):
                    out = list(accs)
                    for u in range(2):
                        sl = pl.ds(off + u * 16, 16)
                        p = pv[si, sl]
                        for b in range(B):
                            v = rv[r0 + b, sl] + p
                            out[2 * b] = out[2 * b] + v
                            out[2 * b + 1] = out[2 * b + 1] + v * v
                    return tuple(out)

                mean = [None] * B
                rstd = [None] * B
                for b in range(B):
                    mean[b] = _lane_sum(pass1[2 * b]) * (1.0 / DIM)
                    var = _lane_sum(pass1[2 * b + 1]) * (1.0 / DIM) - mean[b] * mean[b]
                    rstd[b] = _rsqrt_vec(var + EPS)

                @plsc.parallel_loop(0, DIM, step=32, unroll=1)
                def pass3(off):
                    for u in range(2):
                        sl = pl.ds(off + u * 16, 16)
                        g = gamma_v[sl]
                        be = beta_v[sl]
                        p = pv[si, sl]
                        for b in range(B):
                            v = (rv[r0 + b, sl] + p - mean[b]) * rstd[b]
                            rv[r0 + b, sl] = v * g + be

        set_widx(0, 0)
        issue(0, 0)

        def pair(go, _):
            g0 = go * 2
            @pl.when(go >= 1)
            def _():
                drain_write(1)
            set_widx(1, g0 + 1)
            issue(1, g0 + 1)
            wait_in(0, g0)
            compute(0)
            writeout(0)
            @pl.when(go < n_steps // 2 - 1)
            def _():
                drain_write(0)
                set_widx(0, g0 + 2)
                issue(0, g0 + 2)
            wait_in(1, g0 + 1)
            compute(1)
            writeout(1)
            return 0

        lax.fori_loop(0, n_steps // 2, pair, 0)
        drain_write(0)
        drain_write(1)

    return body


def kernel(input_ids, word_table, pos_table, gamma, beta):
    ids = input_ids.astype(jnp.int32)
    B, S = ids.shape
    ids_t = ids.T.reshape(-1)
    out = _build(B, S)(ids_t, word_table, pos_table, gamma, beta)
    return out.reshape(B, S, DIM)

# --- scband reference (transcript-rebuilt; emitter-appended) ---
"""Pipeline reference for scband-embeddings-49280454754895 (READ-ONLY COPY).

The authoritative reference and input builder live on the scoring server;
editing this copy changes nothing except your own understanding.
"""

import jax, jax.numpy as jnp
import numpy as np

VOCAB = 100000
MAX_POS = 8192
DIM = 768
B = 4
S = 8192
EPS = 1e-12


def setup_inputs(seed: int = 0) -> dict:
    key = jax.random.key(seed)
    k1, k2, k3, k4 = jax.random.split(key, 4)
    input_ids = jax.random.randint(k1, (B, S), 0, VOCAB, dtype=jnp.int64)
    word_table = jax.random.normal(k2, (VOCAB, DIM), dtype=jnp.float32) * 0.02
    pos_table = jax.random.normal(k3, (MAX_POS, DIM), dtype=jnp.float32) * 0.02
    gamma = jnp.ones((DIM,), dtype=jnp.float32)
    beta = jnp.zeros((DIM,), dtype=jnp.float32)
    return {"input_ids": input_ids, "word_table": word_table, "pos_table": pos_table, "gamma": gamma, "beta": beta}


def reference(input_ids, word_table, pos_table, gamma, beta):
    seq_length = input_ids.shape[1]
    # word embedding lookup (gather)
    word_embeddings = jnp.take(word_table, input_ids, axis=0)  # (B, S, D)
    # position embedding lookup: position_ids = arange(seq_length) broadcast over batch
    position_embeddings = pos_table[:seq_length][None, :, :]  # (1, S, D)
    embeddings = word_embeddings + position_embeddings
    # LayerNorm with eps=1e-12 (biased variance, matching torch LayerNorm)
    mean = jnp.mean(embeddings, axis=-1, keepdims=True)
    var = jnp.mean(jnp.square(embeddings - mean), axis=-1, keepdims=True)
    normed = (embeddings - mean) / jnp.sqrt(var + EPS)
    out = normed * gamma + beta
    # dropout is identity in eval mode
    return out

if __name__ == "__main__":
    import jax
    _d = setup_inputs()
    print(jax.jit(kernel)(*tuple(_d.values())))

</pallas_src>

<mosaic_0001>
#map = affine_map<(d0, d1) -> (0)>
#map1 = affine_map<(d0, d1) -> (0, 0)>
module attributes {stable_mosaic.version = 14 : i64} {
  func.func @body(%arg0: i32, %arg1: i32, %arg2: memref<32768xi32, #tpu.memory_space<hbm>>, %arg3: memref<100000x768xf32, #tpu.memory_space<hbm>>, %arg4: memref<8192x768xf32, #tpu.memory_space<hbm>>, %arg5: memref<768xf32, #tpu.memory_space<hbm>>, %arg6: memref<768xf32, #tpu.memory_space<hbm>>, %arg7: memref<32768x768xf32, #tpu.memory_space<hbm>>, %arg8: memref<1024xi32, #tpu.memory_space<vmem>>, %arg9: memref<32x768xf32, #tpu.memory_space<vmem>>, %arg10: memref<32x768xf32, #tpu.memory_space<vmem>>, %arg11: memref<8x768xf32, #tpu.memory_space<vmem>>, %arg12: memref<8x768xf32, #tpu.memory_space<vmem>>, %arg13: memref<32xi32, #tpu.memory_space<vmem>>, %arg14: memref<32xi32, #tpu.memory_space<vmem>>, %arg15: memref<32xi32, #tpu.memory_space<vmem>>, %arg16: memref<768xf32, #tpu.memory_space<vmem>>, %arg17: memref<768xf32, #tpu.memory_space<vmem>>, %arg18: memref<!tpu.dma_semaphore, #tpu.memory_space<semaphore_mem>>, %arg19: memref<!tpu.dma_semaphore, #tpu.memory_space<semaphore_mem>>, %arg20: memref<!tpu.dma_semaphore, #tpu.memory_space<semaphore_mem>>, %arg21: memref<!tpu.dma_semaphore, #tpu.memory_space<semaphore_mem>>, %arg22: memref<!tpu.dma_semaphore, #tpu.memory_space<semaphore_mem>>, %arg23: memref<!tpu.dma_semaphore, #tpu.memory_space<semaphore_mem>>) attributes {dimension_semantics = [#tpu.dimension_semantics<core_parallel>, #tpu.dimension_semantics<subcore_parallel>], iteration_bounds = array<i64: 2, 16>, scalar_prefetch = 0 : i64, scratch_operands = 16 : i64, tpu.core_type = #tpu.core_type<sc_vector_subcore>, window_params = [{transform_indices = #map}, {transform_indices = #map1}, {transform_indices = #map1}, {transform_indices = #map}, {transform_indices = #map}, {transform_indices = #map1}]} {
    %mul3A = arith.constant 2 : i32
    %mul3A_0 = arith.muli %arg1, %mul3A : i32
    %add3A = arith.addi %mul3A_0, %arg0 : i32
    %mul3A_1 = arith.constant 256 : i32
    %mul3A_2 = arith.muli %add3A, %mul3A_1 : i32
    "tpu.region"() ({
      %run_scoped3A = tpu.sem_alloc : memref<!tpu.dma_semaphore, #tpu.memory_space<semaphore_mem>>
      tpu.enqueue_dma source(%arg5 : memref<768xf32, #tpu.memory_space<hbm>>) target(%arg16 : memref<768xf32, #tpu.memory_space<vmem>>) target_semaphore(%run_scoped3A : memref<!tpu.dma_semaphore, #tpu.memory_space<semaphore_mem>>)
      tpu.wait_dma2 semaphore(%run_scoped3A : memref<!tpu.dma_semaphore, #tpu.memory_space<semaphore_mem>>) src(%arg5 : memref<768xf32, #tpu.memory_space<hbm>>) dst(%arg16 : memref<768xf32, #tpu.memory_space<vmem>>)
      tpu.yield
    }) : () -> ()
    "tpu.region"() ({
      %run_scoped3A = tpu.sem_alloc : memref<!tpu.dma_semaphore, #tpu.memory_space<semaphore_mem>>
      tpu.enqueue_dma source(%arg6 : memref<768xf32, #tpu.memory_space<hbm>>) target(%arg17 : memref<768xf32, #tpu.memory_space<vmem>>) target_semaphore(%run_scoped3A : memref<!tpu.dma_semaphore, #tpu.memory_space<semaphore_mem>>)
      tpu.wait_dma2 semaphore(%run_scoped3A : memref<!tpu.dma_semaphore, #tpu.memory_space<semaphore_mem>>) src(%arg6 : memref<768xf32, #tpu.memory_space<hbm>>) dst(%arg17 : memref<768xf32, #tpu.memory_space<vmem>>)
      tpu.yield
    }) : () -> ()
    %mul3A_3 = arith.constant 4 : i32
    %mul3A_4 = arith.muli %mul3A_2, %mul3A_3 : i32
    "tpu.region"() ({
      %run_scoped3A = tpu.sem_alloc : memref<!tpu.dma_semaphore, #tpu.memory_space<semaphore_mem>>
      %dma_start3A_76 = tpu.memref_slice %arg2[%mul3A_4] : memref<32768xi32, #tpu.memory_space<hbm>> -> memref<1024xi32, #tpu.memory_space<hbm>>
      %dma_start3A_77 = tpu.memref_slice %arg2[%mul3A_4] : memref<32768xi32, #tpu.memory_space<hbm>> -> memref<1024xi32, #tpu.memory_space<hbm>>
      tpu.enqueue_dma source(%dma_start3A_77 : memref<1024xi32, #tpu.memory_space<hbm>>) target(%arg8 : memref<1024xi32, #tpu.memory_space<vmem>>) target_semaphore(%run_scoped3A : memref<!tpu.dma_semaphore, #tpu.memory_space<semaphore_mem>>)
      %dma_wait3A_78 = tpu.memref_slice %arg2[%mul3A_4] : memref<32768xi32, #tpu.memory_space<hbm>> -> memref<1024xi32, #tpu.memory_space<hbm>>
      %dma_wait3A_79 = tpu.memref_slice %arg2[%mul3A_4] : memref<32768xi32, #tpu.memory_space<hbm>> -> memref<1024xi32, #tpu.memory_space<hbm>>
      tpu.wait_dma2 semaphore(%run_scoped3A : memref<!tpu.dma_semaphore, #tpu.memory_space<semaphore_mem>>) src(%dma_wait3A_79 : memref<1024xi32, #tpu.memory_space<hbm>>) dst(%arg8 : memref<1024xi32, #tpu.memory_space<vmem>>)
      tpu.yield
    }) : () -> ()
    %iota3A = tpu.iota {dimensions = array<i32: 0>} : vector<16xi32>
    %add3A_5 = arith.constant 0 : i32
    %add3A_6 = vector.broadcast %add3A_5 : i32 to vector<16xi32>
    %add3A_7 = arith.addi %add3A_6, %iota3A : vector<16xi32>
    %and3A = arith.constant 3 : i32
    %and3A_8 = vector.broadcast %and3A : i32 to vector<16xi32>
    %and3A_9 = arith.andi %add3A_7, %and3A_8 : vector<16xi32>
    %shift_right_logical3A = arith.constant 2 : i32
    %shift_right_logical3A_10 = vector.broadcast %shift_right_logical3A : i32 to vector<16xi32>
    %shift_right_logical3A_11 = arith.shrui %add3A_7, %shift_right_logical3A_10 : vector<16xi32>
    %mul3A_12 = arith.constant 8192 : i32
    %mul3A_13 = vector.broadcast %mul3A_12 : i32 to vector<16xi32>
    %mul3A_14 = arith.muli %and3A_9, %mul3A_13 : vector<16xi32>
    %add3A_15 = arith.addi %mul3A_14, %shift_right_logical3A_11 : vector<16xi32>
    %swap3A = arith.constant 0 : index
    %swap3A_16 = tpu.vector_load %arg15[%swap3A] {strides = array<i32>} : memref<32xi32, #tpu.memory_space<vmem>>, vector<16xi32>,
    %swap3A_17 = vector.shape_cast %swap3A_16 : vector<16xi32> to vector<16xi32>
    %swap3A_18 = vector.shape_cast %add3A_15 : vector<16xi32> to vector<16xi32>
    tpu.vector_store %arg15[%swap3A], %swap3A_18 {strides = array<i32>} : memref<32xi32, #tpu.memory_space<vmem>>, vector<16xi32>,
    %add3A_19 = arith.constant 16 : i32
    %add3A_20 = vector.broadcast %add3A_19 : i32 to vector<16xi32>
    %add3A_21 = arith.addi %add3A_20, %iota3A : vector<16xi32>
    %and3A_22 = arith.constant 3 : i32
    %and3A_23 = vector.broadcast %and3A_22 : i32 to vector<16xi32>
    %and3A_24 = arith.andi %add3A_21, %and3A_23 : vector<16xi32>
    %shift_right_logical3A_25 = arith.constant 2 : i32
    %shift_right_logical3A_26 = vector.broadcast %shift_right_logical3A_25 : i32 to vector<16xi32>
    %shift_right_logical3A_27 = arith.shrui %add3A_21, %shift_right_logical3A_26 : vector<16xi32>
    %mul3A_28 = arith.constant 8192 : i32
    %mul3A_29 = vector.broadcast %mul3A_28 : i32 to vector<16xi32>
    %mul3A_30 = arith.muli %and3A_24, %mul3A_29 : vector<16xi32>
    %add3A_31 = arith.addi %mul3A_30, %shift_right_logical3A_27 : vector<16xi32>
    %swap3A_32 = arith.constant 16 : index
    %swap3A_33 = tpu.vector_load %arg15[%swap3A_32] {strides = array<i32>} : memref<32xi32, #tpu.memory_space<vmem>>, vector<16xi32>,
    %swap3A_34 = vector.shape_cast %swap3A_33 : vector<16xi32> to vector<16xi32>
    %swap3A_35 = vector.shape_cast %add3A_31 : vector<16xi32> to vector<16xi32>
    tpu.vector_store %arg15[%swap3A_32], %swap3A_35 {strides = array<i32>} : memref<32xi32, #tpu.memory_space<vmem>>, vector<16xi32>,
    %add3A_36 = arith.constant 0 : i32
    %add3A_37 = arith.addi %mul3A_2, %add3A_36 : i32
    %get3A = arith.constant 0 : index
    %get3A_38 = tpu.vector_load %arg15[%get3A] {strides = array<i32>} : memref<32xi32, #tpu.memory_space<vmem>>, vector<16xi32>,
    %get3A_39 = vector.shape_cast %get3A_38 : vector<16xi32> to vector<16xi32>
    %add3A_40 = vector.broadcast %add3A_37 : i32 to vector<16xi32>
    %add3A_41 = arith.addi %get3A_39, %add3A_40 : vector<16xi32>
    %swap3A_42 = arith.constant 0 : index
    %swap3A_43 = tpu.vector_load %arg13[%swap3A_42] {strides = array<i32>} : memref<32xi32, #tpu.memory_space<vmem>>, vector<16xi32>,
    %swap3A_44 = vector.shape_cast %swap3A_43 : vector<16xi32> to vector<16xi32>
    %swap3A_45 = vector.shape_cast %add3A_41 : vector<16xi32> to vector<16xi32>
    tpu.vector_store %arg13[%swap3A_42], %swap3A_45 {strides = array<i32>} : memref<32xi32, #tpu.memory_space<vmem>>, vector<16xi32>,
    %get3A_46 = arith.constant 16 : index
    %get3A_47 = tpu.vector_load %arg15[%get3A_46] {strides = array<i32>} : memref<32xi32, #tpu.memory_space<vmem>>, vector<16xi32>,
    %get3A_48 = vector.shape_cast %get3A_47 : vector<16xi32> to vector<16xi32>
    %add3A_49 = vector.broadcast %add3A_37 : i32 to vector<16xi32>
    %add3A_50 = arith.addi %get3A_48, %add3A_49 : vector<16xi32>
    %swap3A_51 = arith.constant 16 : index
    %swap3A_52 = tpu.vector_load %arg13[%swap3A_51] {strides = array<i32>} : memref<32xi32, #tpu.memory_space<vmem>>, vector<16xi32>,
    %swap3A_53 = vector.shape_cast %swap3A_52 : vector<16xi32> to vector<16xi32>
    %swap3A_54 = vector.shape_cast %add3A_50 : vector<16xi32> to vector<16xi32>
    tpu.vector_store %arg13[%swap3A_51], %swap3A_54 {strides = array<i32>} : memref<32xi32, #tpu.memory_space<vmem>>, vector<16xi32>,
    %dma_start3A = arith.constant 0 : i32
    %dma_start3A_55 = tpu.memref_slice %arg8[%dma_start3A] : memref<1024xi32, #tpu.memory_space<vmem>> -> memref<32xi32, #tpu.memory_space<vmem>>
    %dma_start3A_56 = arith.constant 0 : i32
    %dma_start3A_57 = arith.constant 0 : i32
    %dma_start3A_58 = tpu.memref_slice %arg3[%dma_start3A_56, %dma_start3A_57] : memref<100000x768xf32, #tpu.memory_space<hbm>> -> memref<100000x768xf32, #tpu.memory_space<hbm>>
    tpu.enqueue_indirect_dma source(%dma_start3A_58 : memref<100000x768xf32, #tpu.memory_space<hbm>>) target(%arg9 : memref<32x768xf32, #tpu.memory_space<vmem>>) offsets(%dma_start3A_55 : memref<32xi32, #tpu.memory_space<vmem>>) semaphore(%arg18 : memref<!tpu.dma_semaphore, #tpu.memory_space<semaphore_mem>>)
    %add3A_59 = arith.constant 0 : i32
    %add3A_60 = arith.addi %mul3A_2, %add3A_59 : i32
    %dma_start3A_61 = arith.constant 0 : i32
    %dma_start3A_62 = tpu.memref_slice %arg4[%add3A_60, %dma_start3A_61] : memref<8192x768xf32, #tpu.memory_space<hbm>> -> memref<8x768xf32, #tpu.memory_space<hbm>>
    %dma_start3A_63 = arith.constant 0 : i32
    %dma_start3A_64 = tpu.memref_slice %arg4[%add3A_60, %dma_start3A_63] : memref<8192x768xf32, #tpu.memory_space<hbm>> -> memref<8x768xf32, #tpu.memory_space<hbm>>
    tpu.enqueue_dma source(%dma_start3A_64 : memref<8x768xf32, #tpu.memory_space<hbm>>) target(%arg11 : memref<8x768xf32, #tpu.memory_space<vmem>>) target_semaphore(%arg20 : memref<!tpu.dma_semaphore, #tpu.memory_space<semaphore_mem>>)
    %scan3A = arith.constant 0 : i32
    %scan3A_65 = arith.constant 0 : i32
    %scan3A_66 = arith.constant 16 : i32
    %scan3A_67 = arith.addi %scan3A_65, %scan3A_66 : i32
    %scan3A_68 = arith.constant 1 : i32
    %scan3A_69 = scf.for %scan3A_76 = %scan3A_65 to %scan3A_67 step %scan3A_68 iter_args(%scan3A_77 = %scan3A) -> (i32)  : i32 {
      %mul3A_78 = arith.constant 2 : i32
      %mul3A_79 = arith.muli %scan3A_76, %mul3A_78 : i32
      %ge3A = arith.constant 1 : i32
      %ge3A_80 = arith.cmpi sge, %scan3A_76, %ge3A : i32
      %convert_element_type3A = arith.extui %ge3A_80 : i1 to i32
      %cond3A = arith.constant 0 : i32
      %cond3A_81 = arith.cmpi ne, %convert_element_type3A, %cond3A : i32
      scf.if %cond3A_81 {
        %dma_wait3A_164 = arith.constant 0 : i32
        %dma_wait3A_165 = arith.constant 0 : i32
        %dma_wait3A_166 = tpu.memref_slice %arg7[%dma_wait3A_164, %dma_wait3A_165] : memref<32768x768xf32, #tpu.memory_space<hbm>> -> memref<32768x768xf32, #tpu.memory_space<hbm>>
        tpu.wait_indirect_dma semaphore(%arg23 : memref<!tpu.dma_semaphore, #tpu.memory_space<semaphore_mem>>) src(%arg10 : memref<32x768xf32, #tpu.memory_space<vmem>>) dst(%dma_wait3A_166 : memref<32768x768xf32, #tpu.memory_space<hbm>>)
      } else {
      }
      %add3A_82 = arith.constant 1 : i32
      %add3A_83 = arith.addi %mul3A_79, %add3A_82 : i32
      %mul3A_84 = arith.constant 8 : i32
      %mul3A_85 = arith.muli %add3A_83, %mul3A_84 : i32
      %add3A_86 = arith.addi %mul3A_2, %mul3A_85 : i32
      %get3A_87 = arith.constant 0 : index
      %get3A_88 = tpu.vector_load %arg15[%get3A_87] {strides = array<i32>} : memref<32xi32, #tpu.memory_space<vmem>>, vector<16xi32>,
      %get3A_89 = vector.shape_cast %get3A_88 : vector<16xi32> to vector<16xi32>
      %add3A_90 = vector.broadcast %add3A_86 : i32 to vector<16xi32>
      %add3A_91 = arith.addi %get3A_89, %add3A_90 : vector<16xi32>
      %swap3A_92 = arith.constant 0 : index
      %swap3A_93 = tpu.vector_load %arg14[%swap3A_92] {strides = array<i32>} : memref<32xi32, #tpu.memory_space<vmem>>, vector<16xi32>,
      %swap3A_94 = vector.shape_cast %swap3A_93 : vector<16xi32> to vector<16xi32>
      %swap3A_95 = vector.shape_cast %add3A_91 : vector<16xi32> to vector<16xi32>
      tpu.vector_store %arg14[%swap3A_92], %swap3A_95 {strides = array<i32>} : memref<32xi32, #tpu.memory_space<vmem>>, vector<16xi32>,
      %get3A_96 = arith.constant 16 : index
      %get3A_97 = tpu.vector_load %arg15[%get3A_96] {strides = array<i32>} : memref<32xi32, #tpu.memory_space<vmem>>, vector<16xi32>,
      %get3A_98 = vector.shape_cast %get3A_97 : vector<16xi32> to vector<16xi32>
      %add3A_99 = vector.broadcast %add3A_86 : i32 to vector<16xi32>
      %add3A_100 = arith.addi %get3A_98, %add3A_99 : vector<16xi32>
      %swap3A_101 = arith.constant 16 : index
      %swap3A_102 = tpu.vector_load %arg14[%swap3A_101] {strides = array<i32>} : memref<32xi32, #tpu.memory_space<vmem>>, vector<16xi32>,
      %swap3A_103 = vector.shape_cast %swap3A_102 : vector<16xi32> to vector<16xi32>
      %swap3A_104 = vector.shape_cast %add3A_100 : vector<16xi32> to vector<16xi32>
      tpu.vector_store %arg14[%swap3A_101], %swap3A_104 {strides = array<i32>} : memref<32xi32, #tpu.memory_space<vmem>>, vector<16xi32>,
      %add3A_105 = arith.constant 1 : i32
      %add3A_106 = arith.addi %mul3A_79, %add3A_105 : i32
      %mul3A_107 = arith.constant 32 : i32
      %mul3A_108 = arith.muli %add3A_106, %mul3A_107 : i32
      %dma_start3A_109 = tpu.memref_slice %arg8[%mul3A_108] : memref<1024xi32, #tpu.memory_space<vmem>> -> memref<32xi32, #tpu.memory_space<vmem>>
      %dma_start3A_110 = arith.constant 0 : i32
      %dma_start3A_111 = arith.constant 0 : i32
      %dma_start3A_112 = tpu.memref_slice %arg3[%dma_start3A_110, %dma_start3A_111] : memref<100000x768xf32, #tpu.memory_space<hbm>> -> memref<100000x768xf32, #tpu.memory_space<hbm>>
      tpu.enqueue_indirect_dma source(%dma_start3A_112 : memref<100000x768xf32, #tpu.memory_space<hbm>>) target(%arg10 : memref<32x768xf32, #tpu.memory_space<vmem>>) offsets(%dma_start3A_109 : memref<32xi32, #tpu.memory_space<vmem>>) semaphore(%arg19 : memref<!tpu.dma_semaphore, #tpu.memory_space<semaphore_mem>>)
      %mul3A_113 = arith.constant 8 : i32
      %mul3A_114 = arith.muli %add3A_106, %mul3A_113 : i32
      %add3A_115 = arith.addi %mul3A_2, %mul3A_114 : i32
      %dma_start3A_116 = arith.constant 0 : i32
      %dma_start3A_117 = tpu.memref_slice %arg4[%add3A_115, %dma_start3A_116] : memref<8192x768xf32, #tpu.memory_space<hbm>> -> memref<8x768xf32, #tpu.memory_space<hbm>>
      %dma_start3A_118 = arith.constant 0 : i32
      %dma_start3A_119 = tpu.memref_slice %arg4[%add3A_115, %dma_start3A_118] : memref<8192x768xf32, #tpu.memory_space<hbm>> -> memref<8x768xf32, #tpu.memory_space<hbm>>
      tpu.enqueue_dma source(%dma_start3A_119 : memref<8x768xf32, #tpu.memory_space<hbm>>) target(%arg12 : memref<8x768xf32, #tpu.memory_space<vmem>>) target_semaphore(%arg21 : memref<!tpu.dma_semaphore, #tpu.memory_space<semaphore_mem>>)
      %mul3A_120 = arith.constant 32 : i32
      %mul3A_121 = arith.muli %mul3A_79, %mul3A_120 : i32
      %dma_wait3A_122 = tpu.memref_slice %arg8[%mul3A_121] : memref<1024xi32, #tpu.memory_space<vmem>> -> memref<32xi32, #tpu.memory_space<vmem>>
      %dma_wait3A_123 = arith.constant 0 : i32
      %dma_wait3A_124 = arith.constant 0 : i32
      %dma_wait3A_125 = tpu.memref_slice %arg3[%dma_wait3A_123, %dma_wait3A_124] : memref<100000x768xf32, #tpu.memory_space<hbm>> -> memref<100000x768xf32, #tpu.memory_space<hbm>>
      tpu.wait_indirect_dma semaphore(%arg18 : memref<!tpu.dma_semaphore, #tpu.memory_space<semaphore_mem>>) src(%dma_wait3A_125 : memref<100000x768xf32, #tpu.memory_space<hbm>>) dst(%arg9 : memref<32x768xf32, #tpu.memory_space<vmem>>)
      %mul3A_126 = arith.constant 8 : i32
      %mul3A_127 = arith.muli %mul3A_79, %mul3A_126 : i32
      %add3A_128 = arith.addi %mul3A_2, %mul3A_127 : i32
      %dma_wait3A_129 = arith.constant 0 : i32
      %dma_wait3A_130 = tpu.memref_slice %arg4[%add3A_128, %dma_wait3A_129] : memref<8192x768xf32, #tpu.memory_space<hbm>> -> memref<8x768xf32, #tpu.memory_space<hbm>>
      %dma_wait3A_131 = arith.constant 0 : i32
      %dma_wait3A_132 = tpu.memref_slice %arg4[%add3A_128, %dma_wait3A_131] : memref<8192x768xf32, #tpu.memory_space<hbm>> -> memref<8x768xf32, #tpu.memory_space<hbm>>
      tpu.wait_dma2 semaphore(%arg20 : memref<!tpu.dma_semaphore, #tpu.memory_space<semaphore_mem>>) src(%dma_wait3A_132 : memref<8x768xf32, #tpu.memory_space<hbm>>) dst(%arg11 : memref<8x768xf32, #tpu.memory_space<vmem>>)
      %parallel_loop3A = arith.constant 0 : i32
      %parallel_loop3A_133 = arith.constant 8 : i32
      %parallel_loop3A_134 = arith.constant 1 : i32
      scf.for %parallel_loop3A_164 = %parallel_loop3A to %parallel_loop3A_133 step %parallel_loop3A_134  : i32 {
        %parallel_loop3A_165 = arith.constant 4 : i32
        %parallel_loop3A_166 = arith.muli %parallel_loop3A_164, %parallel_loop3A_165 : i32
        %parallel_loop3A_167 = arith.constant 0.000000e+00 : f32
        %parallel_loop3A_168 = vector.broadcast %parallel_loop3A_167 : f32 to vector<16xf32>
        %parallel_loop3A_169 = arith.constant 0.000000e+00 : f32
        %parallel_loop3A_170 = vector.broadcast %parallel_loop3A_169 : f32 to vector<16xf32>
        %parallel_loop3A_171 = arith.constant 0.000000e+00 : f32
        %parallel_loop3A_172 = vector.broadcast %parallel_loop3A_171 : f32 to vector<16xf32>
        %parallel_loop3A_173 = arith.constant 0.000000e+00 : f32
        %parallel_loop3A_174 = vector.broadcast %parallel_loop3A_173 : f32 to vector<16xf32>
        %parallel_loop3A_175 = arith.constant 0.000000e+00 : f32
        %parallel_loop3A_176 = vector.broadcast %parallel_loop3A_175 : f32 to vector<16xf32>
        %parallel_loop3A_177 = arith.constant 0.000000e+00 : f32
        %parallel_loop3A_178 = vector.broadcast %parallel_loop3A_177 : f32 to vector<16xf32>
        %parallel_loop3A_179 = arith.constant 0.000000e+00 : f32
        %parallel_loop3A_180 = vector.broadcast %parallel_loop3A_179 : f32 to vector<16xf32>
        %parallel_loop3A_181 = arith.constant 0.000000e+00 : f32
        %parallel_loop3A_182 = vector.broadcast %parallel_loop3A_181 : f32 to vector<16xf32>
        %parallel_loop3A_183 = arith.constant 0 : i32
        %parallel_loop3A_184 = arith.constant 768 : i32
        %parallel_loop3A_185 = arith.constant 32 : i32
        %parallel_loop3A_186:8 = scf.for %parallel_loop3A_830 = %parallel_loop3A_183 to %parallel_loop3A_184 step %parallel_loop3A_185 iter_args(%parallel_loop3A_831 = %parallel_loop3A_168, %parallel_loop3A_832 = %parallel_loop3A_170, %parallel_loop3A_833 = %parallel_loop3A_172, %parallel_loop3A_834 = %parallel_loop3A_174, %parallel_loop3A_835 = %parallel_loop3A_176, %parallel_loop3A_836 = %parallel_loop3A_178, %parallel_loop3A_837 = %parallel_loop3A_180, %parallel_loop3A_838 = %parallel_loop3A_182) -> (vector<16xf32>, vector<16xf32>, vector<16xf32>, vector<16xf32>, vector<16xf32>, vector<16xf32>, vector<16xf32>, vector<16xf32>)  : i32 {
          %parallel_loop3A_839 = arith.constant 0 : i32
          %parallel_loop3A_840 = arith.addi %parallel_loop3A_830, %parallel_loop3A_839 : i32
          %parallel_loop3A_841 = arith.index_cast %parallel_loop3A_164 : i32 to index
          %parallel_loop3A_842 = arith.index_cast %parallel_loop3A_840 : i32 to index
          %parallel_loop3A_843 = tpu.vector_load %arg11[%parallel_loop3A_841, %parallel_loop3A_842] {strides = array<i32>} : memref<8x768xf32, #tpu.memory_space<vmem>>, vector<1x16xf32>,
          %parallel_loop3A_844 = vector.shape_cast %parallel_loop3A_843 : vector<1x16xf32> to vector<16xf32>
          %parallel_loop3A_845 = arith.constant 0 : i32
          %parallel_loop3A_846 = arith.addi %parallel_loop3A_166, %parallel_loop3A_845 : i32
          %parallel_loop3A_847 = arith.index_cast %parallel_loop3A_846 : i32 to index
          %parallel_loop3A_848 = arith.index_cast %parallel_loop3A_840 : i32 to index
          %parallel_loop3A_849 = tpu.vector_load %arg9[%parallel_loop3A_847, %parallel_loop3A_848] {strides = array<i32>} : memref<32x768xf32, #tpu.memory_space<vmem>>, vector<1x16xf32>,
          %parallel_loop3A_850 = vector.shape_cast %parallel_loop3A_849 : vector<1x16xf32> to vector<16xf32>
          %parallel_loop3A_851 = arith.addf %parallel_loop3A_850, %parallel_loop3A_844 : vector<16xf32>
          %parallel_loop3A_852 = arith.addf %parallel_loop3A_831, %parallel_loop3A_851 : vector<16xf32>
          %parallel_loop3A_853 = arith.mulf %parallel_loop3A_851, %parallel_loop3A_851 : vector<16xf32>
          %parallel_loop3A_854 = arith.addf %parallel_loop3A_832, %parallel_loop3A_853 : vector<16xf32>
          %parallel_loop3A_855 = arith.constant 1 : i32
          %parallel_loop3A_856 = arith.addi %parallel_loop3A_166, %parallel_loop3A_855 : i32
          %parallel_loop3A_857 = arith.index_cast %parallel_loop3A_856 : i32 to index
          %parallel_loop3A_858 = arith.index_cast %parallel_loop3A_840 : i32 to index
          %parallel_loop3A_859 = tpu.vector_load %arg9[%parallel_loop3A_857, %parallel_loop3A_858] {strides = array<i32>} : memref<32x768xf32, #tpu.memory_space<vmem>>, vector<1x16xf32>,
          %parallel_loop3A_860 = vector.shape_cast %parallel_loop3A_859 : vector<1x16xf32> to vector<16xf32>
          %parallel_loop3A_861 = arith.addf %parallel_loop3A_860, %parallel_loop3A_844 : vector<16xf32>
          %parallel_loop3A_862 = arith.addf %parallel_loop3A_833, %parallel_loop3A_861 : vector<16xf32>
          %parallel_loop3A_863 = arith.mulf %parallel_loop3A_861, %parallel_loop3A_861 : vector<16xf32>
          %parallel_loop3A_864 = arith.addf %parallel_loop3A_834, %parallel_loop3A_863 : vector<16xf32>
          %parallel_loop3A_865 = arith.constant 2 : i32
          %parallel_loop3A_866 = arith.addi %parallel_loop3A_166, %parallel_loop3A_865 : i32
          %parallel_loop3A_867 = arith.index_cast %parallel_loop3A_866 : i32 to index
          %parallel_loop3A_868 = arith.index_cast %parallel_loop3A_840 : i32 to index
          %parallel_loop3A_869 = tpu.vector_load %arg9[%parallel_loop3A_867, %parallel_loop3A_868] {strides = array<i32>} : memref<32x768xf32, #tpu.memory_space<vmem>>, vector<1x16xf32>,
          %parallel_loop3A_870 = vector.shape_cast %parallel_loop3A_869 : vector<1x16xf32> to vector<16xf32>
          %parallel_loop3A_871 = arith.addf %parallel_loop3A_870, %parallel_loop3A_844 : vector<16xf32>
          %parallel_loop3A_872 = arith.addf %parallel_loop3A_835, %parallel_loop3A_871 : vector<16xf32>
          %parallel_loop3A_873 = arith.mulf %parallel_loop3A_871, %parallel_loop3A_871 : vector<16xf32>
          %parallel_loop3A_874 = arith.addf %parallel_loop3A_836, %parallel_loop3A_873 : vector<16xf32>
          %parallel_loop3A_875 = arith.constant 3 : i32
          %parallel_loop3A_876 = arith.addi %parallel_loop3A_166, %parallel_loop3A_875 : i32
          %parallel_loop3A_877 = arith.index_cast %parallel_loop3A_876 : i32 to index
          %parallel_loop3A_878 = arith.index_cast %parallel_loop3A_840 : i32 to index
          %parallel_loop3A_879 = tpu.vector_load %arg9[%parallel_loop3A_877, %parallel_loop3A_878] {strides = array<i32>} : memref<32x768xf32, #tpu.memory_space<vmem>>, vector<1x16xf32>,
          %parallel_loop3A_880 = vector.shape_cast %parallel_loop3A_879 : vector<1x16xf32> to vector<16xf32>
          %parallel_loop3A_881 = arith.addf %parallel_loop3A_880, %parallel_loop3A_844 : vector<16xf32>
          %parallel_loop3A_882 = arith.addf %parallel_loop3A_837, %parallel_loop3A_881 : vector<16xf32>
          %parallel_loop3A_883 = arith.mulf %parallel_loop3A_881, %parallel_loop3A_881 : vector<16xf32>
          %parallel_loop3A_884 = arith.addf %parallel_loop3A_838, %parallel_loop3A_883 : vector<16xf32>
          %parallel_loop3A_885 = arith.constant 16 : i32
          %parallel_loop3A_886 = arith.addi %parallel_loop3A_830, %parallel_loop3A_885 : i32
          %parallel_loop3A_887 = arith.index_cast %parallel_loop3A_164 : i32 to index
          %parallel_loop3A_888 = arith.index_cast %parallel_loop3A_886 : i32 to index
          %parallel_loop3A_889 = tpu.vector_load %arg11[%parallel_loop3A_887, %parallel_loop3A_888] {strides = array<i32>} : memref<8x768xf32, #tpu.memory_space<vmem>>, vector<1x16xf32>,
          %parallel_loop3A_890 = vector.shape_cast %parallel_loop3A_889 : vector<1x16xf32> to vector<16xf32>
          %parallel_loop3A_891 = arith.constant 0 : i32
          %parallel_loop3A_892 = arith.addi %parallel_loop3A_166, %parallel_loop3A_891 : i32
          %parallel_loop3A_893 = arith.index_cast %parallel_loop3A_892 : i32 to index
          %parallel_loop3A_894 = arith.index_cast %parallel_loop3A_886 : i32 to index
          %parallel_loop3A_895 = tpu.vector_load %arg9[%parallel_loop3A_893, %parallel_loop3A_894] {strides = array<i32>} : memref<32x768xf32, #tpu.memory_space<vmem>>, vector<1x16xf32>,
          %parallel_loop3A_896 = vector.shape_cast %parallel_loop3A_895 : vector<1x16xf32> to vector<16xf32>
          %parallel_loop3A_897 = arith.addf %parallel_loop3A_896, %parallel_loop3A_890 : vector<16xf32>
          %parallel_loop3A_898 = arith.addf %parallel_loop3A_852, %parallel_loop3A_897 : vector<16xf32>
          %parallel_loop3A_899 = arith.mulf %parallel_loop3A_897, %parallel_loop3A_897 : vector<16xf32>
          %parallel_loop3A_900 = arith.addf %parallel_loop3A_854, %parallel_loop3A_899 : vector<16xf32>
          %parallel_loop3A_901 = arith.constant 1 : i32
          %parallel_loop3A_902 = arith.addi %parallel_loop3A_166, %parallel_loop3A_901 : i32
          %parallel_loop3A_903 = arith.index_cast %parallel_loop3A_902 : i32 to index
          %parallel_loop3A_904 = arith.index_cast %parallel_loop3A_886 : i32 to index
          %parallel_loop3A_905 = tpu.vector_load %arg9[%parallel_loop3A_903, %parallel_loop3A_904] {strides = array<i32>} : memref<32x768xf32, #tpu.memory_space<vmem>>, vector<1x16xf32>,
          %parallel_loop3A_906 = vector.shape_cast %parallel_loop3A_905 : vector<1x16xf32> to vector<16xf32>
          %parallel_loop3A_907 = arith.addf %parallel_loop3A_906, %parallel_loop3A_890 : vector<16xf32>
          %parallel_loop3A_908 = arith.addf %parallel_loop3A_862, %parallel_loop3A_907 : vector<16xf32>
          %parallel_loop3A_909 = arith.mulf %parallel_loop3A_907, %parallel_loop3A_907 : vector<16xf32>
          %parallel_loop3A_910 = arith.addf %parallel_loop3A_864, %parallel_loop3A_909 : vector<16xf32>
          %parallel_loop3A_911 = arith.constant 2 : i32
          %parallel_loop3A_912 = arith.addi %parallel_loop3A_166, %parallel_loop3A_911 : i32
          %parallel_loop3A_913 = arith.index_cast %parallel_loop3A_912 : i32 to index
          %parallel_loop3A_914 = arith.index_cast %parallel_loop3A_886 : i32 to index
          %parallel_loop3A_915 = tpu.vector_load %arg9[%parallel_loop3A_913, %parallel_loop3A_914] {strides = array<i32>} : memref<32x768xf32, #tpu.memory_space<vmem>>, vector<1x16xf32>,
          %parallel_loop3A_916 = vector.shape_cast %parallel_loop3A_915 : vector<1x16xf32> to vector<16xf32>
          %parallel_loop3A_917 = arith.addf %parallel_loop3A_916, %parallel_loop3A_890 : vector<16xf32>
          %parallel_loop3A_918 = arith.addf %parallel_loop3A_872, %parallel_loop3A_917 : vector<16xf32>
          %parallel_loop3A_919 = arith.mulf %parallel_loop3A_917, %parallel_loop3A_917 : vector<16xf32>
          %parallel_loop3A_920 = arith.addf %parallel_loop3A_874, %parallel_loop3A_919 : vector<16xf32>
          %parallel_loop3A_921 = arith.constant 3 : i32
          %parallel_loop3A_922 = arith.addi %parallel_loop3A_166, %parallel_loop3A_921 : i32
          %parallel_loop3A_923 = arith.index_cast %parallel_loop3A_922 : i32 to index
          %parallel_loop3A_924 = arith.index_cast %parallel_loop3A_886 : i32 to index
          %parallel_loop3A_925 = tpu.vector_load %arg9[%parallel_loop3A_923, %parallel_loop3A_924] {strides = array<i32>} : memref<32x768xf32, #tpu.memory_space<vmem>>, vector<1x16xf32>,
          %parallel_loop3A_926 = vector.shape_cast %parallel_loop3A_925 : vector<1x16xf32> to vector<16xf32>
          %parallel_loop3A_927 = arith.addf %parallel_loop3A_926, %parallel_loop3A_890 : vector<16xf32>
          %parallel_loop3A_928 = arith.addf %parallel_loop3A_882, %parallel_loop3A_927 : vector<16xf32>
          %parallel_loop3A_929 = arith.mulf %parallel_loop3A_927, %parallel_loop3A_927 : vector<16xf32>
          %parallel_loop3A_930 = arith.addf %parallel_loop3A_884, %parallel_loop3A_929 : vector<16xf32>
          scf.yield %parallel_loop3A_898, %parallel_loop3A_900, %parallel_loop3A_908, %parallel_loop3A_910, %parallel_loop3A_918, %parallel_loop3A_920, %parallel_loop3A_928, %parallel_loop3A_930 : vector<16xf32>, vector<16xf32>, vector<16xf32>, vector<16xf32>, vector<16xf32>, vector<16xf32>, vector<16xf32>, vector<16xf32>
        } {sc.loop_unroll_factor = 1 : i64, sc.parallel_access}
        %parallel_loop3A_187 = tpu.iota {dimensions = array<i32: 0>} : vector<16xi32>
        %parallel_loop3A_188 = arith.constant 8 : i32
        %parallel_loop3A_189 = vector.broadcast %parallel_loop3A_188 : i32 to vector<16xi32>
        %parallel_loop3A_190 = arith.xori %parallel_loop3A_187, %parallel_loop3A_189 : vector<16xi32>
        %parallel_loop3A_191 = arith.constant 0 : i32
        %parallel_loop3A_192 = vector.broadcast %parallel_loop3A_191 : i32 to vector<16xi32>
        %parallel_loop3A_193 = arith.cmpi slt, %parallel_loop3A_190, %parallel_loop3A_192 : vector<16xi32>
        %parallel_loop3A_194 = arith.constant 16 : i32
        %parallel_loop3A_195 = vector.broadcast %parallel_loop3A_194 : i32 to vector<16xi32>
        %parallel_loop3A_196 = arith.addi %parallel_loop3A_190, %parallel_loop3A_195 : vector<16xi32>
        %parallel_loop3A_197 = arith.select %parallel_loop3A_193, %parallel_loop3A_196, %parallel_loop3A_190 : vector<16xi1>, vector<16xi32>
        %parallel_loop3A_198 = vector.shape_cast %parallel_loop3A_197 : vector<16xi32> to vector<16x1xi32>
        %parallel_loop3A_199 = vector.shape_cast %parallel_loop3A_198 : vector<16x1xi32> to vector<16xi32>
        %parallel_loop3A_200 = tpu.dynamic_gather %parallel_loop3A_186#0[%parallel_loop3A_199] in [0] : vector<16xf32>, vector<16xi32> -> vector<16xf32>
        %parallel_loop3A_201 = arith.addf %parallel_loop3A_186#0, %parallel_loop3A_200 : vector<16xf32>
        %parallel_loop3A_202 = arith.constant 4 : i32
        %parallel_loop3A_203 = vector.broadcast %parallel_loop3A_202 : i32 to vector<16xi32>
        %parallel_loop3A_204 = arith.xori %parallel_loop3A_187, %parallel_loop3A_203 : vector<16xi32>
        %parallel_loop3A_205 = arith.constant 0 : i32
        %parallel_loop3A_206 = vector.broadcast %parallel_loop3A_205 : i32 to vector<16xi32>
        %parallel_loop3A_207 = arith.cmpi slt, %parallel_loop3A_204, %parallel_loop3A_206 : vector<16xi32>
        %parallel_loop3A_208 = arith.constant 16 : i32
        %parallel_loop3A_209 = vector.broadcast %parallel_loop3A_208 : i32 to vector<16xi32>
        %parallel_loop3A_210 = arith.addi %parallel_loop3A_204, %parallel_loop3A_209 : vector<16xi32>
        %parallel_loop3A_211 = arith.select %parallel_loop3A_207, %parallel_loop3A_210, %parallel_loop3A_204 : vector<16xi1>, vector<16xi32>
        %parallel_loop3A_212 = vector.shape_cast %parallel_loop3A_211 : vector<16xi32> to vector<16x1xi32>
        %parallel_loop3A_213 = vector.shape_cast %parallel_loop3A_212 : vector<16x1xi32> to vector<16xi32>
        %parallel_loop3A_214 = tpu.dynamic_gather %parallel_loop3A_201[%parallel_loop3A_213] in [0] : vector<16xf32>, vector<16xi32> -> vector<16xf32>
        %parallel_loop3A_215 = arith.addf %parallel_loop3A_201, %parallel_loop3A_214 : vector<16xf32>
        %parallel_loop3A_216 = arith.constant 2 : i32
        %parallel_loop3A_217 = vector.broadcast %parallel_loop3A_216 : i32 to vector<16xi32>
        %parallel_loop3A_218 = arith.xori %parallel_loop3A_187, %parallel_loop3A_217 : vector<16xi32>
        %parallel_loop3A_219 = arith.constant 0 : i32
        %parallel_loop3A_220 = vector.broadcast %parallel_loop3A_219 : i32 to vector<16xi32>
        %parallel_loop3A_221 = arith.cmpi slt, %parallel_loop3A_218, %parallel_loop3A_220 : vector<16xi32>
        %parallel_loop3A_222 = arith.constant 16 : i32
        %parallel_loop3A_223 = vector.broadcast %parallel_loop3A_222 : i32 to vector<16xi32>
        %parallel_loop3A_224 = arith.addi %parallel_loop3A_218, %parallel_loop3A_223 : vector<16xi32>
        %parallel_loop3A_225 = arith.select %parallel_loop3A_221, %parallel_loop3A_224, %parallel_loop3A_218 : vector<16xi1>, vector<16xi32>
        %parallel_loop3A_226 = vector.shape_cast %parallel_loop3A_225 : vector<16xi32> to vector<16x1xi32>
        %parallel_loop3A_227 = vector.shape_cast %parallel_loop3A_226 : vector<16x1xi32> to vector<16xi32>
        %parallel_loop3A_228 = tpu.dynamic_gather %parallel_loop3A_215[%parallel_loop3A_227] in [0] : vector<16xf32>, vector<16xi32> -> vector<16xf32>
        %parallel_loop3A_229 = arith.addf %parallel_loop3A_215, %parallel_loop3A_228 : vector<16xf32>
        %parallel_loop3A_230 = arith.constant 1 : i32
        %parallel_loop3A_231 = vector.broadcast %parallel_loop3A_230 : i32 to vector<16xi32>
        %parallel_loop3A_232 = arith.xori %parallel_loop3A_187, %parallel_loop3A_231 : vector<16xi32>
        %parallel_loop3A_233 = arith.constant 0 : i32
        %parallel_loop3A_234 = vector.broadcast %parallel_loop3A_233 : i32 to vector<16xi32>
        %parallel_loop3A_235 = arith.cmpi slt, %parallel_loop3A_232, %parallel_loop3A_234 : vector<16xi32>
        %parallel_loop3A_236 = arith.constant 16 : i32
        %parallel_loop3A_237 = vector.broadcast %parallel_loop3A_236 : i32 to vector<16xi32>
        %parallel_loop3A_238 = arith.addi %parallel_loop3A_232, %parallel_loop3A_237 : vector<16xi32>
        %parallel_loop3A_239 = arith.select %parallel_loop3A_235, %parallel_loop3A_238, %parallel_loop3A_232 : vector<16xi1>, vector<16xi32>
        %parallel_loop3A_240 = vector.shape_cast %parallel_loop3A_239 : vector<16xi32> to vector<16x1xi32>
        %parallel_loop3A_241 = vector.shape_cast %parallel_loop3A_240 : vector<16x1xi32> to vector<16xi32>
        %parallel_loop3A_242 = tpu.dynamic_gather %parallel_loop3A_229[%parallel_loop3A_241] in [0] : vector<16xf32>, vector<16xi32> -> vector<16xf32>
        %parallel_loop3A_243 = arith.addf %parallel_loop3A_229, %parallel_loop3A_242 : vector<16xf32>
        %parallel_loop3A_244 = arith.constant 0.00130208337 : f32
        %parallel_loop3A_245 = vector.broadcast %parallel_loop3A_244 : f32 to vector<16xf32>
        %parallel_loop3A_246 = arith.mulf %parallel_loop3A_243, %parallel_loop3A_245 : vector<16xf32>
        %parallel_loop3A_247 = tpu.iota {dimensions = array<i32: 0>} : vector<16xi32>
        %parallel_loop3A_248 = arith.constant 8 : i32
        %parallel_loop3A_249 = vector.broadcast %parallel_loop3A_248 : i32 to vector<16xi32>
        %parallel_loop3A_250 = arith.xori %parallel_loop3A_247, %parallel_loop3A_249 : vector<16xi32>
        %parallel_loop3A_251 = arith.constant 0 : i32
        %parallel_loop3A_252 = vector.broadcast %parallel_loop3A_251 : i32 to vector<16xi32>
        %parallel_loop3A_253 = arith.cmpi slt, %parallel_loop3A_250, %parallel_loop3A_252 : vector<16xi32>
        %parallel_loop3A_254 = arith.constant 16 : i32
        %parallel_loop3A_255 = vector.broadcast %parallel_loop3A_254 : i32 to vector<16xi32>
        %parallel_loop3A_256 = arith.addi %parallel_loop3A_250, %parallel_loop3A_255 : vector<16xi32>
        %parallel_loop3A_257 = arith.select %parallel_loop3A_253, %parallel_loop3A_256, %parallel_loop3A_250 : vector<16xi1>, vector<16xi32>
        %parallel_loop3A_258 = vector.shape_cast %parallel_loop3A_257 : vector<16xi32> to vector<16x1xi32>
        %parallel_loop3A_259 = vector.shape_cast %parallel_loop3A_258 : vector<16x1xi32> to vector<16xi32>
        %parallel_loop3A_260 = tpu.dynamic_gather %parallel_loop3A_186#1[%parallel_loop3A_259] in [0] : vector<16xf32>, vector<16xi32> -> vector<16xf32>
        %parallel_loop3A_261 = arith.addf %parallel_loop3A_186#1, %parallel_loop3A_260 : vector<16xf32>
        %parallel_loop3A_262 = arith.constant 4 : i32
        %parallel_loop3A_263 = vector.broadcast %parallel_loop3A_262 : i32 to vector<16xi32>
        %parallel_loop3A_264 = arith.xori %parallel_loop3A_247, %parallel_loop3A_263 : vector<16xi32>
        %parallel_loop3A_265 = arith.constant 0 : i32
        %parallel_loop3A_266 = vector.broadcast %parallel_loop3A_265 : i32 to vector<16xi32>
        %parallel_loop3A_267 = arith.cmpi slt, %parallel_loop3A_264, %parallel_loop3A_266 : vector<16xi32>
        %parallel_loop3A_268 = arith.constant 16 : i32
        %parallel_loop3A_269 = vector.broadcast %parallel_loop3A_268 : i32 to vector<16xi32>
        %parallel_loop3A_270 = arith.addi %parallel_loop3A_264, %parallel_loop3A_269 : vector<16xi32>
        %parallel_loop3A_271 = arith.select %parallel_loop3A_267, %parallel_loop3A_270, %parallel_loop3A_264 : vector<16xi1>, vector<16xi32>
        %parallel_loop3A_272 = vector.shape_cast %parallel_loop3A_271 : vector<16xi32> to vector<16x1xi32>
        %parallel_loop3A_273 = vector.shape_cast %parallel_loop3A_272 : vector<16x1xi32> to vector<16xi32>
        %parallel_loop3A_274 = tpu.dynamic_gather %parallel_loop3A_261[%parallel_loop3A_273] in [0] : vector<16xf32>, vector<16xi32> -> vector<16xf32>
        %parallel_loop3A_275 = arith.addf %parallel_loop3A_261, %parallel_loop3A_274 : vector<16xf32>
        %parallel_loop3A_276 = arith.constant 2 : i32
        %parallel_loop3A_277 = vector.broadcast %parallel_loop3A_276 : i32 to vector<16xi32>
        %parallel_loop3A_278 = arith.xori %parallel_loop3A_247, %parallel_loop3A_277 : vector<16xi32>
        %parallel_loop3A_279 = arith.constant 0 : i32
        %parallel_loop3A_280 = vector.broadcast %parallel_loop3A_279 : i32 to vector<16xi32>
        %parallel_loop3A_281 = arith.cmpi slt, %parallel_loop3A_278, %parallel_loop3A_280 : vector<16xi32>
        %parallel_loop3A_282 = arith.constant 16 : i32
        %parallel_loop3A_283 = vector.broadcast %parallel_loop3A_282 : i32 to vector<16xi32>
        %parallel_loop3A_284 = arith.addi %parallel_loop3A_278, %parallel_loop3A_283 : vector<16xi32>
        %parallel_loop3A_285 = arith.select %parallel_loop3A_281, %parallel_loop3A_284, %parallel_loop3A_278 : vector<16xi1>, vector<16xi32>
        %parallel_loop3A_286 = vector.shape_cast %parallel_loop3A_285 : vector<16xi32> to vector<16x1xi32>
        %parallel_loop3A_287 = vector.shape_cast %parallel_loop3A_286 : vector<16x1xi32> to vector<16xi32>
        %parallel_loop3A_288 = tpu.dynamic_gather %parallel_loop3A_275[%parallel_loop3A_287] in [0] : vector<16xf32>, vector<16xi32> -> vector<16xf32>
        %parallel_loop3A_289 = arith.addf %parallel_loop3A_275, %parallel_loop3A_288 : vector<16xf32>
        %parallel_loop3A_290 = arith.constant 1 : i32
        %parallel_loop3A_291 = vector.broadcast %parallel_loop3A_290 : i32 to vector<16xi32>
        %parallel_loop3A_292 = arith.xori %parallel_loop3A_247, %parallel_loop3A_291 : vector<16xi32>
        %parallel_loop3A_293 = arith.constant 0 : i32
        %parallel_loop3A_294 = vector.broadcast %parallel_loop3A_293 : i32 to vector<16xi32>
        %parallel_loop3A_295 = arith.cmpi slt, %parallel_loop3A_292, %parallel_loop3A_294 : vector<16xi32>
        %parallel_loop3A_296 = arith.constant 16 : i32
        %parallel_loop3A_297 = vector.broadcast %parallel_loop3A_296 : i32 to vector<16xi32>
        %parallel_loop3A_298 = arith.addi %parallel_loop3A_292, %parallel_loop3A_297 : vector<16xi32>
        %parallel_loop3A_299 = arith.select %parallel_loop3A_295, %parallel_loop3A_298, %parallel_loop3A_292 : vector<16xi1>, vector<16xi32>
        %parallel_loop3A_300 = vector.shape_cast %parallel_loop3A_299 : vector<16xi32> to vector<16x1xi32>
        %parallel_loop3A_301 = vector.shape_cast %parallel_loop3A_300 : vector<16x1xi32> to vector<16xi32>
        %parallel_loop3A_302 = tpu.dynamic_gather %parallel_loop3A_289[%parallel_loop3A_301] in [0] : vector<16xf32>, vector<16xi32> -> vector<16xf32>
        %parallel_loop3A_303 = arith.addf %parallel_loop3A_289, %parallel_loop3A_302 : vector<16xf32>
        %parallel_loop3A_304 = arith.constant 0.00130208337 : f32
        %parallel_loop3A_305 = vector.broadcast %parallel_loop3A_304 : f32 to vector<16xf32>
        %parallel_loop3A_306 = arith.mulf %parallel_loop3A_303, %parallel_loop3A_305 : vector<16xf32>
        %parallel_loop3A_307 = arith.mulf %parallel_loop3A_246, %parallel_loop3A_246 : vector<16xf32>
        %parallel_loop3A_308 = arith.subf %parallel_loop3A_306, %parallel_loop3A_307 : vector<16xf32>
        %parallel_loop3A_309 = arith.constant 9.99999996E-13 : f32
        %parallel_loop3A_310 = vector.broadcast %parallel_loop3A_309 : f32 to vector<16xf32>
        %parallel_loop3A_311 = arith.addf %parallel_loop3A_308, %parallel_loop3A_310 : vector<16xf32>
        %parallel_loop3A_312 = tpu.bitcast %parallel_loop3A_311 : vector<16xf32> -> vector<16xi32>
        %parallel_loop3A_313 = arith.constant 1 : i32
        %parallel_loop3A_314 = vector.broadcast %parallel_loop3A_313 : i32 to vector<16xi32>
        %parallel_loop3A_315 = arith.shrui %parallel_loop3A_312, %parallel_loop3A_314 : vector<16xi32>
        %parallel_loop3A_316 = arith.constant 1597463007 : i32
        %parallel_loop3A_317 = vector.broadcast %parallel_loop3A_316 : i32 to vector<16xi32>
        %parallel_loop3A_318 = arith.subi %parallel_loop3A_317, %parallel_loop3A_315 : vector<16xi32>
        %parallel_loop3A_319 = tpu.bitcast %parallel_loop3A_318 : vector<16xi32> -> vector<16xf32>
        %parallel_loop3A_320 = arith.constant 5.000000e-01 : f32
        %parallel_loop3A_321 = vector.broadcast %parallel_loop3A_320 : f32 to vector<16xf32>
        %parallel_loop3A_322 = arith.mulf %parallel_loop3A_321, %parallel_loop3A_311 : vector<16xf32>
        %parallel_loop3A_323 = arith.mulf %parallel_loop3A_322, %parallel_loop3A_319 : vector<16xf32>
        %parallel_loop3A_324 = arith.mulf %parallel_loop3A_323, %parallel_loop3A_319 : vector<16xf32>
        %parallel_loop3A_325 = arith.constant 1.500000e+00 : f32
        %parallel_loop3A_326 = vector.broadcast %parallel_loop3A_325 : f32 to vector<16xf32>
        %parallel_loop3A_327 = arith.subf %parallel_loop3A_326, %parallel_loop3A_324 : vector<16xf32>
        %parallel_loop3A_328 = arith.mulf %parallel_loop3A_319, %parallel_loop3A_327 : vector<16xf32>
        %parallel_loop3A_329 = arith.constant 5.000000e-01 : f32
        %parallel_loop3A_330 = vector.broadcast %parallel_loop3A_329 : f32 to vector<16xf32>
        %parallel_loop3A_331 = arith.mulf %parallel_loop3A_330, %parallel_loop3A_311 : vector<16xf32>
        %parallel_loop3A_332 = arith.mulf %parallel_loop3A_331, %parallel_loop3A_328 : vector<16xf32>
        %parallel_loop3A_333 = arith.mulf %parallel_loop3A_332, %parallel_loop3A_328 : vector<16xf32>
        %parallel_loop3A_334 = arith.constant 1.500000e+00 : f32
        %parallel_loop3A_335 = vector.broadcast %parallel_loop3A_334 : f32 to vector<16xf32>
        %parallel_loop3A_336 = arith.subf %parallel_loop3A_335, %parallel_loop3A_333 : vector<16xf32>
        %parallel_loop3A_337 = arith.mulf %parallel_loop3A_328, %parallel_loop3A_336 : vector<16xf32>
        %parallel_loop3A_338 = arith.constant 5.000000e-01 : f32
        %parallel_loop3A_339 = vector.broadcast %parallel_loop3A_338 : f32 to vector<16xf32>
        %parallel_loop3A_340 = arith.mulf %parallel_loop3A_339, %parallel_loop3A_311 : vector<16xf32>
        %parallel_loop3A_341 = arith.mulf %parallel_loop3A_340, %parallel_loop3A_337 : vector<16xf32>
        %parallel_loop3A_342 = arith.mulf %parallel_loop3A_341, %parallel_loop3A_337 : vector<16xf32>
        %parallel_loop3A_343 = arith.constant 1.500000e+00 : f32
        %parallel_loop3A_344 = vector.broadcast %parallel_loop3A_343 : f32 to vector<16xf32>
        %parallel_loop3A_345 = arith.subf %parallel_loop3A_344, %parallel_loop3A_342 : vector<16xf32>
        %parallel_loop3A_346 = arith.mulf %parallel_loop3A_337, %parallel_loop3A_345 : vector<16xf32>
        %parallel_loop3A_347 = tpu.iota {dimensions = array<i32: 0>} : vector<16xi32>
        %parallel_loop3A_348 = arith.constant 8 : i32
        %parallel_loop3A_349 = vector.broadcast %parallel_loop3A_348 : i32 to vector<16xi32>
        %parallel_loop3A_350 = arith.xori %parallel_loop3A_347, %parallel_loop3A_349 : vector<16xi32>
        %parallel_loop3A_351 = arith.constant 0 : i32
        %parallel_loop3A_352 = vector.broadcast %parallel_loop3A_351 : i32 to vector<16xi32>
        %parallel_loop3A_353 = arith.cmpi slt, %parallel_loop3A_350, %parallel_loop3A_352 : vector<16xi32>
        %parallel_loop3A_354 = arith.constant 16 : i32
        %parallel_loop3A_355 = vector.broadcast %parallel_loop3A_354 : i32 to vector<16xi32>
        %parallel_loop3A_356 = arith.addi %parallel_loop3A_350, %parallel_loop3A_355 : vector<16xi32>
        %parallel_loop3A_357 = arith.select %parallel_loop3A_353, %parallel_loop3A_356, %parallel_loop3A_350 : vector<16xi1>, vector<16xi32>
        %parallel_loop3A_358 = vector.shape_cast %parallel_loop3A_357 : vector<16xi32> to vector<16x1xi32>
        %parallel_loop3A_359 = vector.shape_cast %parallel_loop3A_358 : vector<16x1xi32> to vector<16xi32>
        %parallel_loop3A_360 = tpu.dynamic_gather %parallel_loop3A_186#2[%parallel_loop3A_359] in [0] : vector<16xf32>, vector<16xi32> -> vector<16xf32>
        %parallel_loop3A_361 = arith.addf %parallel_loop3A_186#2, %parallel_loop3A_360 : vector<16xf32>
        %parallel_loop3A_362 = arith.constant 4 : i32
        %parallel_loop3A_363 = vector.broadcast %parallel_loop3A_362 : i32 to vector<16xi32>
        %parallel_loop3A_364 = arith.xori %parallel_loop3A_347, %parallel_loop3A_363 : vector<16xi32>
        %parallel_loop3A_365 = arith.constant 0 : i32
        %parallel_loop3A_366 = vector.broadcast %parallel_loop3A_365 : i32 to vector<16xi32>
        %parallel_loop3A_367 = arith.cmpi slt, %parallel_loop3A_364, %parallel_loop3A_366 : vector<16xi32>
        %parallel_loop3A_368 = arith.constant 16 : i32
        %parallel_loop3A_369 = vector.broadcast %parallel_loop3A_368 : i32 to vector<16xi32>
        %parallel_loop3A_370 = arith.addi %parallel_loop3A_364, %parallel_loop3A_369 : vector<16xi32>
        %parallel_loop3A_371 = arith.select %parallel_loop3A_367, %parallel_loop3A_370, %parallel_loop3A_364 : vector<16xi1>, vector<16xi32>
        %parallel_loop3A_372 = vector.shape_cast %parallel_loop3A_371 : vector<16xi32> to vector<16x1xi32>
        %parallel_loop3A_373 = vector.shape_cast %parallel_loop3A_372 : vector<16x1xi32> to vector<16xi32>
        %parallel_loop3A_374 = tpu.dynamic_gather %parallel_loop3A_361[%parallel_loop3A_373] in [0] : vector<16xf32>, vector<16xi32> -> vector<16xf32>
        %parallel_loop3A_375 = arith.addf %parallel_loop3A_361, %parallel_loop3A_374 : vector<16xf32>
        %parallel_loop3A_376 = arith.constant 2 : i32
        %parallel_loop3A_377 = vector.broadcast %parallel_loop3A_376 : i32 to vector<16xi32>
        %parallel_loop3A_378 = arith.xori %parallel_loop3A_347, %parallel_loop3A_377 : vector<16xi32>
        %parallel_loop3A_379 = arith.constant 0 : i32
        %parallel_loop3A_380 = vector.broadcast %parallel_loop3A_379 : i32 to vector<16xi32>
        %parallel_loop3A_381 = arith.cmpi slt, %parallel_loop3A_378, %parallel_loop3A_380 : vector<16xi32>
        %parallel_loop3A_382 = arith.constant 16 : i32
        %parallel_loop3A_383 = vector.broadcast %parallel_loop3A_382 : i32 to vector<16xi32>
        %parallel_loop3A_384 = arith.addi %parallel_loop3A_378, %parallel_loop3A_383 : vector<16xi32>
        %parallel_loop3A_385 = arith.select %parallel_loop3A_381, %parallel_loop3A_384, %parallel_loop3A_378 : vector<16xi1>, vector<16xi32>
        %parallel_loop3A_386 = vector.shape_cast %parallel_loop3A_385 : vector<16xi32> to vector<16x1xi32>
        %parallel_loop3A_387 = vector.shape_cast %parallel_loop3A_386 : vector<16x1xi32> to vector<16xi32>
        %parallel_loop3A_388 = tpu.dynamic_gather %parallel_loop3A_375[%parallel_loop3A_387] in [0] : vector<16xf32>, vector<16xi32> -> vector<16xf32>
        %parallel_loop3A_389 = arith.addf %parallel_loop3A_375, %parallel_loop3A_388 : vector<16xf32>
        %parallel_loop3A_390 = arith.constant 1 : i32
        %parallel_loop3A_391 = vector.broadcast %parallel_loop3A_390 : i32 to vector<16xi32>
        %parallel_loop3A_392 = arith.xori %parallel_loop3A_347, %parallel_loop3A_391 : vector<16xi32>
        %parallel_loop3A_393 = arith.constant 0 : i32
        %parallel_loop3A_394 = vector.broadcast %parallel_loop3A_393 : i32 to vector<16xi32>
        %parallel_loop3A_395 = arith.cmpi slt, %parallel_loop3A_392, %parallel_loop3A_394 : vector<16xi32>
        %parallel_loop3A_396 = arith.constant 16 : i32
        %parallel_loop3A_397 = vector.broadcast %parallel_loop3A_396 : i32 to vector<16xi32>
        %parallel_loop3A_398 = arith.addi %parallel_loop3A_392, %parallel_loop3A_397 : vector<16xi32>
        %parallel_loop3A_399 = arith.select %parallel_loop3A_395, %parallel_loop3A_398, %parallel_loop3A_392 : vector<16xi1>, vector<16xi32>
        %parallel_loop3A_400 = vector.shape_cast %parallel_loop3A_399 : vector<16xi32> to vector<16x1xi32>
        %parallel_loop3A_401 = vector.shape_cast %parallel_loop3A_400 : vector<16x1xi32> to vector<16xi32>
        %parallel_loop3A_402 = tpu.dynamic_gather %parallel_loop3A_389[%parallel_loop3A_401] in [0] : vector<16xf32>, vector<16xi32> -> vector<16xf32>
        %parallel_loop3A_403 = arith.addf %parallel_loop3A_389, %parallel_loop3A_402 : vector<16xf32>
        %parallel_loop3A_404 = arith.constant 0.00130208337 : f32
        %parallel_loop3A_405 = vector.broadcast %parallel_loop3A_404 : f32 to vector<16xf32>
        %parallel_loop3A_406 = arith.mulf %parallel_loop3A_403, %parallel_loop3A_405 : vector<16xf32>
        %parallel_loop3A_407 = tpu.iota {dimensions = array<i32: 0>} : vector<16xi32>
        %parallel_loop3A_408 = arith.constant 8 : i32
        %parallel_loop3A_409 = vector.broadcast %parallel_loop3A_408 : i32 to vector<16xi32>
        %parallel_loop3A_410 = arith.xori %parallel_loop3A_407, %parallel_loop3A_409 : vector<16xi32>
        %parallel_loop3A_411 = arith.constant 0 : i32
        %parallel_loop3A_412 = vector.broadcast %parallel_loop3A_411 : i32 to vector<16xi32>
        %parallel_loop3A_413 = arith.cmpi slt, %parallel_loop3A_410, %parallel_loop3A_412 : vector<16xi32>
        %parallel_loop3A_414 = arith.constant 16 : i32
        %parallel_loop3A_415 = vector.broadcast %parallel_loop3A_414 : i32 to vector<16xi32>
        %parallel_loop3A_416 = arith.addi %parallel_loop3A_410, %parallel_loop3A_415 : vector<16xi32>
        %parallel_loop3A_417 = arith.select %parallel_loop3A_413, %parallel_loop3A_416, %parallel_loop3A_410 : vector<16xi1>, vector<16xi32>
        %parallel_loop3A_418 = vector.shape_cast %parallel_loop3A_417 : vector<16xi32> to vector<16x1xi32>
        %parallel_loop3A_419 = vector.shape_cast %parallel_loop3A_418 : vector<16x1xi32> to vector<16xi32>
        %parallel_loop3A_420 = tpu.dynamic_gather %parallel_loop3A_186#3[%parallel_loop3A_419] in [0] : vector<16xf32>, vector<16xi32> -> vector<16xf32>
        %parallel_loop3A_421 = arith.addf %parallel_loop3A_186#3, %parallel_loop3A_420 : vector<16xf32>
        %parallel_loop3A_422 = arith.constant 4 : i32
        %parallel_loop3A_423 = vector.broadcast %parallel_loop3A_422 : i32 to vector<16xi32>
        %parallel_loop3A_424 = arith.xori %parallel_loop3A_407, %parallel_loop3A_423 : vector<16xi32>
        %parallel_loop3A_425 = arith.constant 0 : i32
        %parallel_loop3A_426 = vector.broadcast %parallel_loop3A_425 : i32 to vector<16xi32>
        %parallel_loop3A_427 = arith.cmpi slt, %parallel_loop3A_424, %parallel_loop3A_426 : vector<16xi32>
        %parallel_loop3A_428 = arith.constant 16 : i32
        %parallel_loop3A_429 = vector.broadcast %parallel_loop3A_428 : i32 to vector<16xi32>
        %parallel_loop3A_430 = arith.addi %parallel_loop3A_424, %parallel_loop3A_429 : vector<16xi32>
        %parallel_loop3A_431 = arith.select %parallel_loop3A_427, %parallel_loop3A_430, %parallel_loop3A_424 : vector<16xi1>, vector<16xi32>
        %parallel_loop3A_432 = vector.shape_cast %parallel_loop3A_431 : vector<16xi32> to vector<16x1xi32>
        %parallel_loop3A_433 = vector.shape_cast %parallel_loop3A_432 : vector<16x1xi32> to vector<16xi32>
        %parallel_loop3A_434 = tpu.dynamic_gather %parallel_loop3A_421[%parallel_loop3A_433] in [0] : vector<16xf32>, vector<16xi32> -> vector<16xf32>
        %parallel_loop3A_435 = arith.addf %parallel_loop3A_421, %parallel_loop3A_434 : vector<16xf32>
        %parallel_loop3A_436 = arith.constant 2 : i32
        %parallel_loop3A_437 = vector.broadcast %parallel_loop3A_436 : i32 to vector<16xi32>
        %parallel_loop3A_438 = arith.xori %parallel_loop3A_407, %parallel_loop3A_437 : vector<16xi32>
        %parallel_loop3A_439 = arith.constant 0 : i32
        %parallel_loop3A_440 = vector.broadcast %parallel_loop3A_439 : i32 to vector<16xi32>
        %parallel_loop3A_441 = arith.cmpi slt, %parallel_loop3A_438, %parallel_loop3A_440 : vector<16xi32>
        %parallel_loop3A_442 = arith.constant 16 : i32
        %parallel_loop3A_443 = vector.broadcast %parallel_loop3A_442 : i32 to vector<16xi32>
        %parallel_loop3A_444 = arith.addi %parallel_loop3A_438, %parallel_loop3A_443 : vector<16xi32>
        %parallel_loop3A_445 = arith.select %parallel_loop3A_441, %parallel_loop3A_444, %parallel_loop3A_438 : vector<16xi1>, vector<16xi32>
        %parallel_loop3A_446 = vector.shape_cast %parallel_loop3A_445 : vector<16xi32> to vector<16x1xi32>
        %parallel_loop3A_447 = vector.shape_cast %parallel_loop3A_446 : vector<16x1xi32> to vector<16xi32>
        %parallel_loop3A_448 = tpu.dynamic_gather %parallel_loop3A_435[%parallel_loop3A_447] in [0] : vector<16xf32>, vector<16xi32> -> vector<16xf32>
        %parallel_loop3A_449 = arith.addf %parallel_loop3A_435, %parallel_loop3A_448 : vector<16xf32>
        %parallel_loop3A_450 = arith.constant 1 : i32
        %parallel_loop3A_451 = vector.broadcast %parallel_loop3A_450 : i32 to vector<16xi32>
        %parallel_loop3A_452 = arith.xori %parallel_loop3A_407, %parallel_loop3A_451 : vector<16xi32>
        %parallel_loop3A_453 = arith.constant 0 : i32
        %parallel_loop3A_454 = vector.broadcast %parallel_loop3A_453 : i32 to vector<16xi32>
        %parallel_loop3A_455 = arith.cmpi slt, %parallel_loop3A_452, %parallel_loop3A_454 : vector<16xi32>
        %parallel_loop3A_456 = arith.constant 16 : i32
        %parallel_loop3A_457 = vector.broadcast %parallel_loop3A_456 : i32 to vector<16xi32>
        %parallel_loop3A_458 = arith.addi %parallel_loop3A_452, %parallel_loop3A_457 : vector<16xi32>
        %parallel_loop3A_459 = arith.select %parallel_loop3A_455, %parallel_loop3A_458, %parallel_loop3A_452 : vector<16xi1>, vector<16xi32>
        %parallel_loop3A_460 = vector.shape_cast %parallel_loop3A_459 : vector<16xi32> to vector<16x1xi32>
        %parallel_loop3A_461 = vector.shape_cast %parallel_loop3A_460 : vector<16x1xi32> to vector<16xi32>
        %parallel_loop3A_462 = tpu.dynamic_gather %parallel_loop3A_449[%parallel_loop3A_461] in [0] : vector<16xf32>, vector<16xi32> -> vector<16xf32>
        %parallel_loop3A_463 = arith.addf %parallel_loop3A_449, %parallel_loop3A_462 : vector<16xf32>
        %parallel_loop3A_464 = arith.constant 0.00130208337 : f32
        %parallel_loop3A_465 = vector.broadcast %parallel_loop3A_464 : f32 to vector<16xf32>
        %parallel_loop3A_466 = arith.mulf %parallel_loop3A_463, %parallel_loop3A_465 : vector<16xf32>
        %parallel_loop3A_467 = arith.mulf %parallel_loop3A_406, %parallel_loop3A_406 : vector<16xf32>
        %parallel_loop3A_468 = arith.subf %parallel_loop3A_466, %parallel_loop3A_467 : vector<16xf32>
        %parallel_loop3A_469 = arith.constant 9.99999996E-13 : f32
        %parallel_loop3A_470 = vector.broadcast %parallel_loop3A_469 : f32 to vector<16xf32>
        %parallel_loop3A_471 = arith.addf %parallel_loop3A_468, %parallel_loop3A_470 : vector<16xf32>
        %parallel_loop3A_472 = tpu.bitcast %parallel_loop3A_471 : vector<16xf32> -> vector<16xi32>
        %parallel_loop3A_473 = arith.constant 1 : i32
        %parallel_loop3A_474 = vector.broadcast %parallel_loop3A_473 : i32 to vector<16xi32>
        %parallel_loop3A_475 = arith.shrui %parallel_loop3A_472, %parallel_loop3A_474 : vector<16xi32>
        %parallel_loop3A_476 = arith.constant 1597463007 : i32
        %parallel_loop3A_477 = vector.broadcast %parallel_loop3A_476 : i32 to vector<16xi32>
        %parallel_loop3A_478 = arith.subi %parallel_loop3A_477, %parallel_loop3A_475 : vector<16xi32>
        %parallel_loop3A_479 = tpu.bitcast %parallel_loop3A_478 : vector<16xi32> -> vector<16xf32>
        %parallel_loop3A_480 = arith.constant 5.000000e-01 : f32
        %parallel_loop3A_481 = vector.broadcast %parallel_loop3A_480 : f32 to vector<16xf32>
        %parallel_loop3A_482 = arith.mulf %parallel_loop3A_481, %parallel_loop3A_471 : vector<16xf32>
        %parallel_loop3A_483 = arith.mulf %parallel_loop3A_482, %parallel_loop3A_479 : vector<16xf32>
        %parallel_loop3A_484 = arith.mulf %parallel_loop3A_483, %parallel_loop3A_479 : vector<16xf32>
        %parallel_loop3A_485 = arith.constant 1.500000e+00 : f32
        %parallel_loop3A_486 = vector.broadcast %parallel_loop3A_485 : f32 to vector<16xf32>
        %parallel_loop3A_487 = arith.subf %parallel_loop3A_486, %parallel_loop3A_484 : vector<16xf32>
        %parallel_loop3A_488 = arith.mulf %parallel_loop3A_479, %parallel_loop3A_487 : vector<16xf32>
        %parallel_loop3A_489 = arith.constant 5.000000e-01 : f32
        %parallel_loop3A_490 = vector.broadcast %parallel_loop3A_489 : f32 to vector<16xf32>
        %parallel_loop3A_491 = arith.mulf %parallel_loop3A_490, %parallel_loop3A_471 : vector<16xf32>
        %parallel_loop3A_492 = arith.mulf %parallel_loop3A_491, %parallel_loop3A_488 : vector<16xf32>
        %parallel_loop3A_493 = arith.mulf %parallel_loop3A_492, %parallel_loop3A_488 : vector<16xf32>
        %parallel_loop3A_494 = arith.constant 1.500000e+00 : f32
        %parallel_loop3A_495 = vector.broadcast %parallel_loop3A_494 : f32 to vector<16xf32>
        %parallel_loop3A_496 = arith.subf %parallel_loop3A_495, %parallel_loop3A_493 : vector<16xf32>
        %parallel_loop3A_497 = arith.mulf %parallel_loop3A_488, %parallel_loop3A_496 : vector<16xf32>
        %parallel_loop3A_498 = arith.constant 5.000000e-01 : f32
        %parallel_loop3A_499 = vector.broadcast %parallel_loop3A_498 : f32 to vector<16xf32>
        %parallel_loop3A_500 = arith.mulf %parallel_loop3A_499, %parallel_loop3A_471 : vector<16xf32>
        %parallel_loop3A_501 = arith.mulf %parallel_loop3A_500, %parallel_loop3A_497 : vector<16xf32>
        %parallel_loop3A_502 = arith.mulf %parallel_loop3A_501, %parallel_loop3A_497 : vector<16xf32>
        %parallel_loop3A_503 = arith.constant 1.500000e+00 : f32
        %parallel_loop3A_504 = vector.broadcast %parallel_loop3A_503 : f32 to vector<16xf32>
        %parallel_loop3A_505 = arith.subf %parallel_loop3A_504, %parallel_loop3A_502 : vector<16xf32>
        %parallel_loop3A_506 = arith.mulf %parallel_loop3A_497, %parallel_loop3A_505 : vector<16xf32>
        %parallel_loop3A_507 = tpu.iota {dimensions = array<i32: 0>} : vector<16xi32>
        %parallel_loop3A_508 = arith.constant 8 : i32
        %parallel_loop3A_509 = vector.broadcast %parallel_loop3A_508 : i32 to vector<16xi32>
        %parallel_loop3A_510 = arith.xori %parallel_loop3A_507, %parallel_loop3A_509 : vector<16xi32>
        %parallel_loop3A_511 = arith.constant 0 : i32
        %parallel_loop3A_512 = vector.broadcast %parallel_loop3A_511 : i32 to vector<16xi32>
        %parallel_loop3A_513 = arith.cmpi slt, %parallel_loop3A_510, %parallel_loop3A_512 : vector<16xi32>
        %parallel_loop3A_514 = arith.constant 16 : i32
        %parallel_loop3A_515 = vector.broadcast %parallel_loop3A_514 : i32 to vector<16xi32>
        %parallel_loop3A_516 = arith.addi %parallel_loop3A_510, %parallel_loop3A_515 : vector<16xi32>
        %parallel_loop3A_517 = arith.select %parallel_loop3A_513, %parallel_loop3A_516, %parallel_loop3A_510 : vector<16xi1>, vector<16xi32>
        %parallel_loop3A_518 = vector.shape_cast %parallel_loop3A_517 : vector<16xi32> to vector<16x1xi32>
        %parallel_loop3A_519 = vector.shape_cast %parallel_loop3A_518 : vector<16x1xi32> to vector<16xi32>
        %parallel_loop3A_520 = tpu.dynamic_gather %parallel_loop3A_186#4[%parallel_loop3A_519] in [0] : vector<16xf32>, vector<16xi32> -> vector<16xf32>
        %parallel_loop3A_521 = arith.addf %parallel_loop3A_186#4, %parallel_loop3A_520 : vector<16xf32>
        %parallel_loop3A_522 = arith.constant 4 : i32
        %parallel_loop3A_523 = vector.broadcast %parallel_loop3A_522 : i32 to vector<16xi32>
        %parallel_loop3A_524 = arith.xori %parallel_loop3A_507, %parallel_loop3A_523 : vector<16xi32>
        %parallel_loop3A_525 = arith.constant 0 : i32
        %parallel_loop3A_526 = vector.broadcast %parallel_loop3A_525 : i32 to vector<16xi32>
        %parallel_loop3A_527 = arith.cmpi slt, %parallel_loop3A_524, %parallel_loop3A_526 : vector<16xi32>
        %parallel_loop3A_528 = arith.constant 16 : i32
        %parallel_loop3A_529 = vector.broadcast %parallel_loop3A_528 : i32 to vector<16xi32>
        %parallel_loop3A_530 = arith.addi %parallel_loop3A_524, %parallel_loop3A_529 : vector<16xi32>
        %parallel_loop3A_531 = arith.select %parallel_loop3A_527, %parallel_loop3A_530, %parallel_loop3A_524 : vector<16xi1>, vector<16xi32>
        %parallel_loop3A_532 = vector.shape_cast %parallel_loop3A_531 : vector<16xi32> to vector<16x1xi32>
        %parallel_loop3A_533 = vector.shape_cast %parallel_loop3A_532 : vector<16x1xi32> to vector<16xi32>
        %parallel_loop3A_534 = tpu.dynamic_gather %parallel_loop3A_521[%parallel_loop3A_533] in [0] : vector<16xf32>, vector<16xi32> -> vector<16xf32>
        %parallel_loop3A_535 = arith.addf %parallel_loop3A_521, %parallel_loop3A_534 : vector<16xf32>
        %parallel_loop3A_536 = arith.constant 2 : i32
        %parallel_loop3A_537 = vector.broadcast %parallel_loop3A_536 : i32 to vector<16xi32>
        %parallel_loop3A_538 = arith.xori %parallel_loop3A_507, %parallel_loop3A_537 : vector<16xi32>
        %parallel_loop3A_539 = arith.constant 0 : i32
        %parallel_loop3A_540 = vector.broadcast %parallel_loop3A_539 : i32 to vector<16xi32>
        %parallel_loop3A_541 = arith.cmpi slt, %parallel_loop3A_538, %parallel_loop3A_540 : vector<16xi32>
        %parallel_loop3A_542 = arith.constant 16 : i32
        %parallel_loop3A_543 = vector.broadcast %parallel_loop3A_542 : i32 to vector<16xi32>
        %parallel_loop3A_544 = arith.addi %parallel_loop3A_538, %parallel_loop3A_543 : vector<16xi32>
        %parallel_loop3A_545 = arith.select %parallel_loop3A_541, %parallel_loop3A_544, %parallel_loop3A_538 : vector<16xi1>, vector<16xi32>
        %parallel_loop3A_546 = vector.shape_cast %parallel_loop3A_545 : vector<16xi32> to vector<16x1xi32>
        %parallel_loop3A_547 = vector.shape_cast %parallel_loop3A_546 : vector<16x1xi32> to vector<16xi32>
        %parallel_loop3A_548 = tpu.dynamic_gather %parallel_loop3A_535[%parallel_loop3A_547] in [0] : vector<16xf32>, vector<16xi32> -> vector<16xf32>
        %parallel_loop3A_549 = arith.addf %parallel_loop3A_535, %parallel_loop3A_548 : vector<16xf32>
        %parallel_loop3A_550 = arith.constant 1 : i32
        %parallel_loop3A_551 = vector.broadcast %parallel_loop3A_550 : i32 to vector<16xi32>
        %parallel_loop3A_552 = arith.xori %parallel_loop3A_507, %parallel_loop3A_551 : vector<16xi32>
        %parallel_loop3A_553 = arith.constant 0 : i32
        %parallel_loop3A_554 = vector.broadcast %parallel_loop3A_553 : i32 to vector<16xi32>
        %parallel_loop3A_555 = arith.cmpi slt, %parallel_loop3A_552, %parallel_loop3A_554 : vector<16xi32>
        %parallel_loop3A_556 = arith.constant 16 : i32
        %parallel_loop3A_557 = vector.broadcast %parallel_loop3A_556 : i32 to vector<16xi32>
        %parallel_loop3A_558 = arith.addi %parallel_loop3A_552, %parallel_loop3A_557 : vector<16xi32>
        %parallel_loop3A_559 = arith.select %parallel_loop3A_555, %parallel_loop3A_558, %parallel_loop3A_552 : vector<16xi1>, vector<16xi32>
        %parallel_loop3A_560 = vector.shape_cast %parallel_loop3A_559 : vector<16xi32> to vector<16x1xi32>
        %parallel_loop3A_561 = vector.shape_cast %parallel_loop3A_560 : vector<16x1xi32> to vector<16xi32>
        %parallel_loop3A_562 = tpu.dynamic_gather %parallel_loop3A_549[%parallel_loop3A_561] in [0] : vector<16xf32>, vector<16xi32> -> vector<16xf32>
        %parallel_loop3A_563 = arith.addf %parallel_loop3A_549, %parallel_loop3A_562 : vector<16xf32>
        %parallel_loop3A_564 = arith.constant 0.00130208337 : f32
        %parallel_loop3A_565 = vector.broadcast %parallel_loop3A_564 : f32 to vector<16xf32>
        %parallel_loop3A_566 = arith.mulf %parallel_loop3A_563, %parallel_loop3A_565 : vector<16xf32>
        %parallel_loop3A_567 = tpu.iota {dimensions = array<i32: 0>} : vector<16xi32>
        %parallel_loop3A_568 = arith.constant 8 : i32
        %parallel_loop3A_569 = vector.broadcast %parallel_loop3A_568 : i32 to vector<16xi32>
        %parallel_loop3A_570 = arith.xori %parallel_loop3A_567, %parallel_loop3A_569 : vector<16xi32>
        %parallel_loop3A_571 = arith.constant 0 : i32
        %parallel_loop3A_572 = vector.broadcast %parallel_loop3A_571 : i32 to vector<16xi32>
        %parallel_loop3A_573 = arith.cmpi slt, %parallel_loop3A_570, %parallel_loop3A_572 : vector<16xi32>
        %parallel_loop3A_574 = arith.constant 16 : i32
        %parallel_loop3A_575 = vector.broadcast %parallel_loop3A_574 : i32 to vector<16xi32>
        %parallel_loop3A_576 = arith.addi %parallel_loop3A_570, %parallel_loop3A_575 : vector<16xi32>
        %parallel_loop3A_577 = arith.select %parallel_loop3A_573, %parallel_loop3A_576, %parallel_loop3A_570 : vector<16xi1>, vector<16xi32>
        %parallel_loop3A_578 = vector.shape_cast %parallel_loop3A_577 : vector<16xi32> to vector<16x1xi32>
        %parallel_loop3A_579 = vector.shape_cast %parallel_loop3A_578 : vector<16x1xi32> to vector<16xi32>
        %parallel_loop3A_580 = tpu.dynamic_gather %parallel_loop3A_186#5[%parallel_loop3A_579] in [0] : vector<16xf32>, vector<16xi32> -> vector<16xf32>
        %parallel_loop3A_581 = arith.addf %parallel_loop3A_186#5, %parallel_loop3A_580 : vector<16xf32>
        %parallel_loop3A_582 = arith.constant 4 : i32
        %parallel_loop3A_583 = vector.broadcast %parallel_loop3A_582 : i32 to vector<16xi32>
        %parallel_loop3A_584 = arith.xori %parallel_loop3A_567, %parallel_loop3A_583 : vector<16xi32>
        %parallel_loop3A_585 = arith.constant 0 : i32
        %parallel_loop3A_586 = vector.broadcast %parallel_loop3A_585 : i32 to vector<16xi32>
        %parallel_loop3A_587 = arith.cmpi slt, %parallel_loop3A_584, %parallel_loop3A_586 : vector<16xi32>
        %parallel_loop3A_588 = arith.constant 16 : i32
        %parallel_loop3A_589 = vector.broadcast %parallel_loop3A_588 : i32 to vector<16xi32>
        %parallel_loop3A_590 = arith.addi %parallel_loop3A_584, %parallel_loop3A_589 : vector<16xi32>
        %parallel_loop3A_591 = arith.select %parallel_loop3A_587, %parallel_loop3A_590, %parallel_loop3A_584 : vector<16xi1>, vector<16xi32>
        %parallel_loop3A_592 = vector.shape_cast %parallel_loop3A_591 : vector<16xi32> to vector<16x1xi32>
        %parallel_loop3A_593 = vector.shape_cast %parallel_loop3A_592 : vector<16x1xi32> to vector<16xi32>
        %parallel_loop3A_594 = tpu.dynamic_gather %parallel_loop3A_581[%parallel_loop3A_593] in [0] : vector<16xf32>, vector<16xi32> -> vector<16xf32>
        %parallel_loop3A_595 = arith.addf %parallel_loop3A_581, %parallel_loop3A_594 : vector<16xf32>
        %parallel_loop3A_596 = arith.constant 2 : i32
        %parallel_loop3A_597 = vector.broadcast %parallel_loop3A_596 : i32 to vector<16xi32>
        %parallel_loop3A_598 = arith.xori %parallel_loop3A_567, %parallel_loop3A_597 : vector<16xi32>
        %parallel_loop3A_599 = arith.constant 0 : i32
        %parallel_loop3A_600 = vector.broadcast %parallel_loop3A_599 : i32 to vector<16xi32>
        %parallel_loop3A_601 = arith.cmpi slt, %parallel_loop3A_598, %parallel_loop3A_600 : vector<16xi32>
        %parallel_loop3A_602 = arith.constant 16 : i32
        %parallel_loop3A_603 = vector.broadcast %parallel_loop3A_602 : i32 to vector<16xi32>
        %parallel_loop3A_604 = arith.addi %parallel_loop3A_598, %parallel_loop3A_603 : vector<16xi32>
        %parallel_loop3A_605 = arith.select %parallel_loop3A_601, %parallel_loop3A_604, %parallel_loop3A_598 : vector<16xi1>, vector<16xi32>
        %parallel_loop3A_606 = vector.shape_cast %parallel_loop3A_605 : vector<16xi32> to vector<16x1xi32>
        %parallel_loop3A_607 = vector.shape_cast %parallel_loop3A_606 : vector<16x1xi32> to vector<16xi32>
        %parallel_loop3A_608 = tpu.dynamic_gather %parallel_loop3A_595[%parallel_loop3A_607] in [0] : vector<16xf32>, vector<16xi32> -> vector<16xf32>
        %parallel_loop3A_609 = arith.addf %parallel_loop3A_595, %parallel_loop3A_608 : vector<16xf32>
        %parallel_loop3A_610 = arith.constant 1 : i32
        %parallel_loop3A_611 = vector.broadcast %parallel_loop3A_610 : i32 to vector<16xi32>
        %parallel_loop3A_612 = arith.xori %parallel_loop3A_567, %parallel_loop3A_611 : vector<16xi32>
        %parallel_loop3A_613 = arith.constant 0 : i32
        %parallel_loop3A_614 = vector.broadcast %parallel_loop3A_613 : i32 to vector<16xi32>
        %parallel_loop3A_615 = arith.cmpi slt, %parallel_loop3A_612, %parallel_loop3A_614 : vector<16xi32>
        %parallel_loop3A_616 = arith.constant 16 : i32
        %parallel_loop3A_617 = vector.broadcast %parallel_loop3A_616 : i32 to vector<16xi32>
        %parallel_loop3A_618 = arith.addi %parallel_loop3A_612, %parallel_loop3A_617 : vector<16xi32>
        %parallel_loop3A_619 = arith.select %parallel_loop3A_615, %parallel_loop3A_618, %parallel_loop3A_612 : vector<16xi1>, vector<16xi32>
        %parallel_loop3A_620 = vector.shape_cast %parallel_loop3A_619 : vector<16xi32> to vector<16x1xi32>
        %parallel_loop3A_621 = vector.shape_cast %parallel_loop3A_620 : vector<16x1xi32> to vector<16xi32>
        %parallel_loop3A_622 = tpu.dynamic_gather %parallel_loop3A_609[%parallel_loop3A_621] in [0] : vector<16xf32>, vector<16xi32> -> vector<16xf32>
        %parallel_loop3A_623 = arith.addf %parallel_loop3A_609, %parallel_loop3A_622 : vector<16xf32>
        %parallel_loop3A_624 = arith.constant 0.00130208337 : f32
        %parallel_loop3A_625 = vector.broadcast %parallel_loop3A_624 : f32 to vector<16xf32>
        %parallel_loop3A_626 = arith.mulf %parallel_loop3A_623, %parallel_loop3A_625 : vector<16xf32>
        %parallel_loop3A_627 = arith.mulf %parallel_loop3A_566, %parallel_loop3A_566 : vector<16xf32>
        %parallel_loop3A_628 = arith.subf %parallel_loop3A_626, %parallel_loop3A_627 : vector<16xf32>
        %parallel_loop3A_629 = arith.constant 9.99999996E-13 : f32
        %parallel_loop3A_630 = vector.broadcast %parallel_loop3A_629 : f32 to vector<16xf32>
        %parallel_loop3A_631 = arith.addf %parallel_loop3A_628, %parallel_loop3A_630 : vector<16xf32>
        %parallel_loop3A_632 = tpu.bitcast %parallel_loop3A_631 : vector<16xf32> -> vector<16xi32>
        %parallel_loop3A_633 = arith.constant 1 : i32
        %parallel_loop3A_634 = vector.broadcast %parallel_loop3A_633 : i32 to vector<16xi32>
        %parallel_loop3A_635 = arith.shrui %parallel_loop3A_632, %parallel_loop3A_634 : vector<16xi32>
        %parallel_loop3A_636 = arith.constant 1597463007 : i32
        %parallel_loop3A_637 = vector.broadcast %parallel_loop3A_636 : i32 to vector<16xi32>
        %parallel_loop3A_638 = arith.subi %parallel_loop3A_637, %parallel_loop3A_635 : vector<16xi32>
        %parallel_loop3A_639 = tpu.bitcast %parallel_loop3A_638 : vector<16xi32> -> vector<16xf32>
        %parallel_loop3A_640 = arith.constant 5.000000e-01 : f32
        %parallel_loop3A_641 = vector.broadcast %parallel_loop3A_640 : f32 to vector<16xf32>
        %parallel_loop3A_642 = arith.mulf %parallel_loop3A_641, %parallel_loop3A_631 : vector<16xf32>
        %parallel_loop3A_643 = arith.mulf %parallel_loop3A_642, %parallel_loop3A_639 : vector<16xf32>
        %parallel_loop3A_644 = arith.mulf %parallel_loop3A_643, %parallel_loop3A_639 : vector<16xf32>
        %parallel_loop3A_645 = arith.constant 1.500000e+00 : f32
        %parallel_loop3A_646 = vector.broadcast %parallel_loop3A_645 : f32 to vector<16xf32>
        %parallel_loop3A_647 = arith.subf %parallel_loop3A_646, %parallel_loop3A_644 : vector<16xf32>
        %parallel_loop3A_648 = arith.mulf %parallel_loop3A_639, %parallel_loop3A_647 : vector<16xf32>
        %parallel_loop3A_649 = arith.constant 5.000000e-01 : f32
        %parallel_loop3A_650 = vector.broadcast %parallel_loop3A_649 : f32 to vector<16xf32>
        %parallel_loop3A_651 = arith.mulf %parallel_loop3A_650, %parallel_loop3A_631 : vector<16xf32>
        %parallel_loop3A_652 = arith.mulf %parallel_loop3A_651, %parallel_loop3A_648 : vector<16xf32>
        %parallel_loop3A_653 = arith.mulf %parallel_loop3A_652, %parallel_loop3A_648 : vector<16xf32>
        %parallel_loop3A_654 = arith.constant 1.500000e+00 : f32
        %parallel_loop3A_655 = vector.broadcast %parallel_loop3A_654 : f32 to vector<16xf32>
        %parallel_loop3A_656 = arith.subf %parallel_loop3A_655, %parallel_loop3A_653 : vector<16xf32>
        %parallel_loop3A_657 = arith.mulf %parallel_loop3A_648, %parallel_loop3A_656 : vector<16xf32>
        %parallel_loop3A_658 = arith.constant 5.000000e-01 : f32
        %parallel_loop3A_659 = vector.broadcast %parallel_loop3A_658 : f32 to vector<16xf32>
        %parallel_loop3A_660 = arith.mulf %parallel_loop3A_659, %parallel_loop3A_631 : vector<16xf32>
        %parallel_loop3A_661 = arith.mulf %parallel_loop3A_660, %parallel_loop3A_657 : vector<16xf32>
        %parallel_loop3A_662 = arith.mulf %parallel_loop3A_661, %parallel_loop3A_657 : vector<16xf32>
        %parallel_loop3A_663 = arith.constant 1.500000e+00 : f32
        %parallel_loop3A_664 = vector.broadcast %parallel_loop3A_663 : f32 to vector<16xf32>
        %parallel_loop3A_665 = arith.subf %parallel_loop3A_664, %parallel_loop3A_662 : vector<16xf32>
        %parallel_loop3A_666 = arith.mulf %parallel_loop3A_657, %parallel_loop3A_665 : vector<16xf32>
        %parallel_loop3A_667 = tpu.iota {dimensions = array<i32: 0>} : vector<16xi32>
        %parallel_loop3A_668 = arith.constant 8 : i32
        %parallel_loop3A_669 = vector.broadcast %parallel_loop3A_668 : i32 to vector<16xi32>
        %parallel_loop3A_670 = arith.xori %parallel_loop3A_667, %parallel_loop3A_669 : vector<16xi32>
        %parallel_loop3A_671 = arith.constant 0 : i32
        %parallel_loop3A_672 = vector.broadcast %parallel_loop3A_671 : i32 to vector<16xi32>
        %parallel_loop3A_673 = arith.cmpi slt, %parallel_loop3A_670, %parallel_loop3A_672 : vector<16xi32>
        %parallel_loop3A_674 = arith.constant 16 : i32
        %parallel_loop3A_675 = vector.broadcast %parallel_loop3A_674 : i32 to vector<16xi32>
        %parallel_loop3A_676 = arith.addi %parallel_loop3A_670, %parallel_loop3A_675 : vector<16xi32>
        %parallel_loop3A_677 = arith.select %parallel_loop3A_673, %parallel_loop3A_676, %parallel_loop3A_670 : vector<16xi1>, vector<16xi32>
        %parallel_loop3A_678 = vector.shape_cast %parallel_loop3A_677 : vector<16xi32> to vector<16x1xi32>
        %parallel_loop3A_679 = vector.shape_cast %parallel_loop3A_678 : vector<16x1xi32> to vector<16xi32>
        %parallel_loop3A_680 = tpu.dynamic_gather %parallel_loop3A_186#6[%parallel_loop3A_679] in [0] : vector<16xf32>, vector<16xi32> -> vector<16xf32>
        %parallel_loop3A_681 = arith.addf %parallel_loop3A_186#6, %parallel_loop3A_680 : vector<16xf32>
        %parallel_loop3A_682 = arith.constant 4 : i32
        %parallel_loop3A_683 = vector.broadcast %parallel_loop3A_682 : i32 to vector<16xi32>
        %parallel_loop3A_684 = arith.xori %parallel_loop3A_667, %parallel_loop3A_683 : vector<16xi32>
        %parallel_loop3A_685 = arith.constant 0 : i32
        %parallel_loop3A_686 = vector.broadcast %parallel_loop3A_685 : i32 to vector<16xi32>
        %parallel_loop3A_687 = arith.cmpi slt, %parallel_loop3A_684, %parallel_loop3A_686 : vector<16xi32>
        %parallel_loop3A_688 = arith.constant 16 : i32
        %parallel_loop3A_689 = vector.broadcast %parallel_loop3A_688 : i32 to vector<16xi32>
        %parallel_loop3A_690 = arith.addi %parallel_loop3A_684, %parallel_loop3A_689 : vector<16xi32>
        %parallel_loop3A_691 = arith.select %parallel_loop3A_687, %parallel_loop3A_690, %parallel_loop3A_684 : vector<16xi1>, vector<16xi32>
        %parallel_loop3A_692 = vector.shape_cast %parallel_loop3A_691 : vector<16xi32> to vector<16x1xi32>
        %parallel_loop3A_693 = vector.shape_cast %parallel_loop3A_692 : vector<16x1xi32> to vector<16xi32>
        %parallel_loop3A_694 = tpu.dynamic_gather %parallel_loop3A_681[%parallel_loop3A_693] in [0] : vector<16xf32>, vector<16xi32> -> vector<16xf32>
        %parallel_loop3A_695 = arith.addf %parallel_loop3A_681, %parallel_loop3A_694 : vector<16xf32>
        %parallel_loop3A_696 = arith.constant 2 : i32
        %parallel_loop3A_697 = vector.broadcast %parallel_loop3A_696 : i32 to vector<16xi32>
        %parallel_loop3A_698 = arith.xori %parallel_loop3A_667, %parallel_loop3A_697 : vector<16xi32>
        %parallel_loop3A_699 = arith.constant 0 : i32
        %parallel_loop3A_700 = vector.broadcast %parallel_loop3A_699 : i32 to vector<16xi32>
        %parallel_loop3A_701 = arith.cmpi slt, %parallel_loop3A_698, %parallel_loop3A_700 : vector<16xi32>
        %parallel_loop3A_702 = arith.constant 16 : i32
        %parallel_loop3A_703 = vector.broadcast %parallel_loop3A_702 : i32 to vector<16xi32>
        %parallel_loop3A_704 = arith.addi %parallel_loop3A_698, %parallel_loop3A_703 : vector<16xi32>
        %parallel_loop3A_705 = arith.select %parallel_loop3A_701, %parallel_loop3A_704, %parallel_loop3A_698 : vector<16xi1>, vector<16xi32>
        %parallel_loop3A_706 = vector.shape_cast %parallel_loop3A_705 : vector<16xi32> to vector<16x1xi32>
        %parallel_loop3A_707 = vector.shape_cast %parallel_loop3A_706 : vector<16x1xi32> to vector<16xi32>
        %parallel_loop3A_708 = tpu.dynamic_gather %parallel_loop3A_695[%parallel_loop3A_707] in [0] : vector<16xf32>, vector<16xi32> -> vector<16xf32>
        %parallel_loop3A_709 = arith.addf %parallel_loop3A_695, %parallel_loop3A_708 : vector<16xf32>
        %parallel_loop3A_710 = arith.constant 1 : i32
        %parallel_loop3A_711 = vector.broadcast %parallel_loop3A_710 : i32 to vector<16xi32>
        %parallel_loop3A_712 = arith.xori %parallel_loop3A_667, %parallel_loop3A_711 : vector<16xi32>
        %parallel_loop3A_713 = arith.constant 0 : i32
        %parallel_loop3A_714 = vector.broadcast %parallel_loop3A_713 : i32 to vector<16xi32>
        %parallel_loop3A_715 = arith.cmpi slt, %parallel_loop3A_712, %parallel_loop3A_714 : vector<16xi32>
        %parallel_loop3A_716 = arith.constant 16 : i32
        %parallel_loop3A_717 = vector.broadcast %parallel_loop3A_716 : i32 to vector<16xi32>
        %parallel_loop3A_718 = arith.addi %parallel_loop3A_712, %parallel_loop3A_717 : vector<16xi32>
        %parallel_loop3A_719 = arith.select %parallel_loop3A_715, %parallel_loop3A_718, %parallel_loop3A_712 : vector<16xi1>, vector<16xi32>
        %parallel_loop3A_720 = vector.shape_cast %parallel_loop3A_719 : vector<16xi32> to vector<16x1xi32>
        %parallel_loop3A_721 = vector.shape_cast %parallel_loop3A_720 : vector<16x1xi32> to vector<16xi32>
        %parallel_loop3A_722 = tpu.dynamic_gather %parallel_loop3A_709[%parallel_loop3A_721] in [0] : vector<16xf32>, vector<16xi32> -> vector<16xf32>
        %parallel_loop3A_723 = arith.addf %parallel_loop3A_709, %parallel_loop3A_722 : vector<16xf32>
        %parallel_loop3A_724 = arith.constant 0.00130208337 : f32
        %parallel_loop3A_725 = vector.broadcast %parallel_loop3A_724 : f32 to vector<16xf32>
        %parallel_loop3A_726 = arith.mulf %parallel_loop3A_723, %parallel_loop3A_725 : vector<16xf32>
        %parallel_loop3A_727 = tpu.iota {dimensions = array<i32: 0>} : vector<16xi32>
        %parallel_loop3A_728 = arith.constant 8 : i32
        %parallel_loop3A_729 = vector.broadcast %parallel_loop3A_728 : i32 to vector<16xi32>
        %parallel_loop3A_730 = arith.xori %parallel_loop3A_727, %parallel_loop3A_729 : vector<16xi32>
        %parallel_loop3A_731 = arith.constant 0 : i32
        %parallel_loop3A_732 = vector.broadcast %parallel_loop3A_731 : i32 to vector<16xi32>
        %parallel_loop3A_733 = arith.cmpi slt, %parallel_loop3A_730, %parallel_loop3A_732 : vector<16xi32>
        %parallel_loop3A_734 = arith.constant 16 : i32
        %parallel_loop3A_735 = vector.broadcast %parallel_loop3A_734 : i32 to vector<16xi32>
        %parallel_loop3A_736 = arith.addi %parallel_loop3A_730, %parallel_loop3A_735 : vector<16xi32>
        %parallel_loop3A_737 = arith.select %parallel_loop3A_733, %parallel_loop3A_736, %parallel_loop3A_730 : vector<16xi1>, vector<16xi32>
        %parallel_loop3A_738 = vector.shape_cast %parallel_loop3A_737 : vector<16xi32> to vector<16x1xi32>
        %parallel_loop3A_739 = vector.shape_cast %parallel_loop3A_738 : vector<16x1xi32> to vector<16xi32>
        %parallel_loop3A_740 = tpu.dynamic_gather %parallel_loop3A_186#7[%parallel_loop3A_739] in [0] : vector<16xf32>, vector<16xi32> -> vector<16xf32>
        %parallel_loop3A_741 = arith.addf %parallel_loop3A_186#7, %parallel_loop3A_740 : vector<16xf32>
        %parallel_loop3A_742 = arith.constant 4 : i32
        %parallel_loop3A_743 = vector.broadcast %parallel_loop3A_742 : i32 to vector<16xi32>
        %parallel_loop3A_744 = arith.xori %parallel_loop3A_727, %parallel_loop3A_743 : vector<16xi32>
        %parallel_loop3A_745 = arith.constant 0 : i32
        %parallel_loop3A_746 = vector.broadcast %parallel_loop3A_745 : i32 to vector<16xi32>
        %parallel_loop3A_747 = arith.cmpi slt, %parallel_loop3A_744, %parallel_loop3A_746 : vector<16xi32>
        %parallel_loop3A_748 = arith.constant 16 : i32
        %parallel_loop3A_749 = vector.broadcast %parallel_loop3A_748 : i32 to vector<16xi32>
        %parallel_loop3A_750 = arith.addi %parallel_loop3A_744, %parallel_loop3A_749 : vector<16xi32>
        %parallel_loop3A_751 = arith.select %parallel_loop3A_747, %parallel_loop3A_750, %parallel_loop3A_744 : vector<16xi1>, vector<16xi32>
        %parallel_loop3A_752 = vector.shape_cast %parallel_loop3A_751 : vector<16xi32> to vector<16x1xi32>
        %parallel_loop3A_753 = vector.shape_cast %parallel_loop3A_752 : vector<16x1xi32> to vector<16xi32>
        %parallel_loop3A_754 = tpu.dynamic_gather %parallel_loop3A_741[%parallel_loop3A_753] in [0] : vector<16xf32>, vector<16xi32> -> vector<16xf32>
        %parallel_loop3A_755 = arith.addf %parallel_loop3A_741, %parallel_loop3A_754 : vector<16xf32>
        %parallel_loop3A_756 = arith.constant 2 : i32
        %parallel_loop3A_757 = vector.broadcast %parallel_loop3A_756 : i32 to vector<16xi32>
        %parallel_loop3A_758 = arith.xori %parallel_loop3A_727, %parallel_loop3A_757 : vector<16xi32>
        %parallel_loop3A_759 = arith.constant 0 : i32
        %parallel_loop3A_760 = vector.broadcast %parallel_loop3A_759 : i32 to vector<16xi32>
        %parallel_loop3A_761 = arith.cmpi slt, %parallel_loop3A_758, %parallel_loop3A_760 : vector<16xi32>
        %parallel_loop3A_762 = arith.constant 16 : i32
        %parallel_loop3A_763 = vector.broadcast %parallel_loop3A_762 : i32 to vector<16xi32>
        %parallel_loop3A_764 = arith.addi %parallel_loop3A_758, %parallel_loop3A_763 : vector<16xi32>
        %parallel_loop3A_765 = arith.select %parallel_loop3A_761, %parallel_loop3A_764, %parallel_loop3A_758 : vector<16xi1>, vector<16xi32>
        %parallel_loop3A_766 = vector.shape_cast %parallel_loop3A_765 : vector<16xi32> to vector<16x1xi32>
        %parallel_loop3A_767 = vector.shape_cast %parallel_loop3A_766 : vector<16x1xi32> to vector<16xi32>
        %parallel_loop3A_768 = tpu.dynamic_gather %parallel_loop3A_755[%parallel_loop3A_767] in [0] : vector<16xf32>, vector<16xi32> -> vector<16xf32>
        %parallel_loop3A_769 = arith.addf %parallel_loop3A_755, %parallel_loop3A_768 : vector<16xf32>
        %parallel_loop3A_770 = arith.constant 1 : i32
        %parallel_loop3A_771 = vector.broadcast %parallel_loop3A_770 : i32 to vector<16xi32>
        %parallel_loop3A_772 = arith.xori %parallel_loop3A_727, %parallel_loop3A_771 : vector<16xi32>
        %parallel_loop3A_773 = arith.constant 0 : i32
        %parallel_loop3A_774 = vector.broadcast %parallel_loop3A_773 : i32 to vector<16xi32>
        %parallel_loop3A_775 = arith.cmpi slt, %parallel_loop3A_772, %parallel_loop3A_774 : vector<16xi32>
        %parallel_loop3A_776 = arith.constant 16 : i32
        %parallel_loop3A_777 = vector.broadcast %parallel_loop3A_776 : i32 to vector<16xi32>
        %parallel_loop3A_778 = arith.addi %parallel_loop3A_772, %parallel_loop3A_777 : vector<16xi32>
        %parallel_loop3A_779 = arith.select %parallel_loop3A_775, %parallel_loop3A_778, %parallel_loop3A_772 : vector<16xi1>, vector<16xi32>
        %parallel_loop3A_780 = vector.shape_cast %parallel_loop3A_779 : vector<16xi32> to vector<16x1xi32>
        %parallel_loop3A_781 = vector.shape_cast %parallel_loop3A_780 : vector<16x1xi32> to vector<16xi32>
        %parallel_loop3A_782 = tpu.dynamic_gather %parallel_loop3A_769[%parallel_loop3A_781] in [0] : vector<16xf32>, vector<16xi32> -> vector<16xf32>
        %parallel_loop3A_783 = arith.addf %parallel_loop3A_769, %parallel_loop3A_782 : vector<16xf32>
        %parallel_loop3A_784 = arith.constant 0.00130208337 : f32
        %parallel_loop3A_785 = vector.broadcast %parallel_loop3A_784 : f32 to vector<16xf32>
        %parallel_loop3A_786 = arith.mulf %parallel_loop3A_783, %parallel_loop3A_785 : vector<16xf32>
        %parallel_loop3A_787 = arith.mulf %parallel_loop3A_726, %parallel_loop3A_726 : vector<16xf32>
        %parallel_loop3A_788 = arith.subf %parallel_loop3A_786, %parallel_loop3A_787 : vector<16xf32>
        %parallel_loop3A_789 = arith.constant 9.99999996E-13 : f32
        %parallel_loop3A_790 = vector.broadcast %parallel_loop3A_789 : f32 to vector<16xf32>
        %parallel_loop3A_791 = arith.addf %parallel_loop3A_788, %parallel_loop3A_790 : vector<16xf32>
        %parallel_loop3A_792 = tpu.bitcast %parallel_loop3A_791 : vector<16xf32> -> vector<16xi32>
        %parallel_loop3A_793 = arith.constant 1 : i32
        %parallel_loop3A_794 = vector.broadcast %parallel_loop3A_793 : i32 to vector<16xi32>
        %parallel_loop3A_795 = arith.shrui %parallel_loop3A_792, %parallel_loop3A_794 : vector<16xi32>
        %parallel_loop3A_796 = arith.constant 1597463007 : i32
        %parallel_loop3A_797 = vector.broadcast %parallel_loop3A_796 : i32 to vector<16xi32>
        %parallel_loop3A_798 = arith.subi %parallel_loop3A_797, %parallel_loop3A_795 : vector<16xi32>
        %parallel_loop3A_799 = tpu.bitcast %parallel_loop3A_798 : vector<16xi32> -> vector<16xf32>
        %parallel_loop3A_800 = arith.constant 5.000000e-01 : f32
        %parallel_loop3A_801 = vector.broadcast %parallel_loop3A_800 : f32 to vector<16xf32>
        %parallel_loop3A_802 = arith.mulf %parallel_loop3A_801, %parallel_loop3A_791 : vector<16xf32>
        %parallel_loop3A_803 = arith.mulf %parallel_loop3A_802, %parallel_loop3A_799 : vector<16xf32>
        %parallel_loop3A_804 = arith.mulf %parallel_loop3A_803, %parallel_loop3A_799 : vector<16xf32>
        %parallel_loop3A_805 = arith.constant 1.500000e+00 : f32
        %parallel_loop3A_806 = vector.broadcast %parallel_loop3A_805 : f32 to vector<16xf32>
        %parallel_loop3A_807 = arith.subf %parallel_loop3A_806, %parallel_loop3A_804 : vector<16xf32>
        %parallel_loop3A_808 = arith.mulf %parallel_loop3A_799, %parallel_loop3A_807 : vector<16xf32>
        %parallel_loop3A_809 = arith.constant 5.000000e-01 : f32
        %parallel_loop3A_810 = vector.broadcast %parallel_loop3A_809 : f32 to vector<16xf32>
        %parallel_loop3A_811 = arith.mulf %parallel_loop3A_810, %parallel_loop3A_791 : vector<16xf32>
        %parallel_loop3A_812 = arith.mulf %parallel_loop3A_811, %parallel_loop3A_808 : vector<16xf32>
        %parallel_loop3A_813 = arith.mulf %parallel_loop3A_812, %parallel_loop3A_808 : vector<16xf32>
        %parallel_loop3A_814 = arith.constant 1.500000e+00 : f32
        %parallel_loop3A_815 = vector.broadcast %parallel_loop3A_814 : f32 to vector<16xf32>
        %parallel_loop3A_816 = arith.subf %parallel_loop3A_815, %parallel_loop3A_813 : vector<16xf32>
        %parallel_loop3A_817 = arith.mulf %parallel_loop3A_808, %parallel_loop3A_816 : vector<16xf32>
        %parallel_loop3A_818 = arith.constant 5.000000e-01 : f32
        %parallel_loop3A_819 = vector.broadcast %parallel_loop3A_818 : f32 to vector<16xf32>
        %parallel_loop3A_820 = arith.mulf %parallel_loop3A_819, %parallel_loop3A_791 : vector<16xf32>
        %parallel_loop3A_821 = arith.mulf %parallel_loop3A_820, %parallel_loop3A_817 : vector<16xf32>
        %parallel_loop3A_822 = arith.mulf %parallel_loop3A_821, %parallel_loop3A_817 : vector<16xf32>
        %parallel_loop3A_823 = arith.constant 1.500000e+00 : f32
        %parallel_loop3A_824 = vector.broadcast %parallel_loop3A_823 : f32 to vector<16xf32>
        %parallel_loop3A_825 = arith.subf %parallel_loop3A_824, %parallel_loop3A_822 : vector<16xf32>
        %parallel_loop3A_826 = arith.mulf %parallel_loop3A_817, %parallel_loop3A_825 : vector<16xf32>
        %parallel_loop3A_827 = arith.constant 0 : i32
        %parallel_loop3A_828 = arith.constant 768 : i32
        %parallel_loop3A_829 = arith.constant 32 : i32
        scf.for %parallel_loop3A_830 = %parallel_loop3A_827 to %parallel_loop3A_828 step %parallel_loop3A_829  : i32 {
          %parallel_loop3A_831 = arith.constant 0 : i32
          %parallel_loop3A_832 = arith.addi %parallel_loop3A_830, %parallel_loop3A_831 : i32
          %parallel_loop3A_833 = arith.index_cast %parallel_loop3A_832 : i32 to index
          %parallel_loop3A_834 = tpu.vector_load %arg16[%parallel_loop3A_833] {strides = array<i32>} : memref<768xf32, #tpu.memory_space<vmem>>, vector<16xf32>,
          %parallel_loop3A_835 = vector.shape_cast %parallel_loop3A_834 : vector<16xf32> to vector<16xf32>
          %parallel_loop3A_836 = arith.index_cast %parallel_loop3A_832 : i32 to index
          %parallel_loop3A_837 = tpu.vector_load %arg17[%parallel_loop3A_836] {strides = array<i32>} : memref<768xf32, #tpu.memory_space<vmem>>, vector<16xf32>,
          %parallel_loop3A_838 = vector.shape_cast %parallel_loop3A_837 : vector<16xf32> to vector<16xf32>
          %parallel_loop3A_839 = arith.index_cast %parallel_loop3A_164 : i32 to index
          %parallel_loop3A_840 = arith.index_cast %parallel_loop3A_832 : i32 to index
          %parallel_loop3A_841 = tpu.vector_load %arg11[%parallel_loop3A_839, %parallel_loop3A_840] {strides = array<i32>} : memref<8x768xf32, #tpu.memory_space<vmem>>, vector<1x16xf32>,
          %parallel_loop3A_842 = vector.shape_cast %parallel_loop3A_841 : vector<1x16xf32> to vector<16xf32>
          %parallel_loop3A_843 = arith.constant 0 : i32
          %parallel_loop3A_844 = arith.addi %parallel_loop3A_166, %parallel_loop3A_843 : i32
          %parallel_loop3A_845 = arith.index_cast %parallel_loop3A_844 : i32 to index
          %parallel_loop3A_846 = arith.index_cast %parallel_loop3A_832 : i32 to index
          %parallel_loop3A_847 = tpu.vector_load %arg9[%parallel_loop3A_845, %parallel_loop3A_846] {strides = array<i32>} : memref<32x768xf32, #tpu.memory_space<vmem>>, vector<1x16xf32>,
          %parallel_loop3A_848 = vector.shape_cast %parallel_loop3A_847 : vector<1x16xf32> to vector<16xf32>
          %parallel_loop3A_849 = arith.addf %parallel_loop3A_848, %parallel_loop3A_842 : vector<16xf32>
          %parallel_loop3A_850 = arith.subf %parallel_loop3A_849, %parallel_loop3A_246 : vector<16xf32>
          %parallel_loop3A_851 = arith.mulf %parallel_loop3A_850, %parallel_loop3A_346 : vector<16xf32>
          %parallel_loop3A_852 = arith.mulf %parallel_loop3A_851, %parallel_loop3A_835 : vector<16xf32>
          %parallel_loop3A_853 = arith.addf %parallel_loop3A_852, %parallel_loop3A_838 : vector<16xf32>
          %parallel_loop3A_854 = arith.constant 0 : i32
          %parallel_loop3A_855 = arith.addi %parallel_loop3A_166, %parallel_loop3A_854 : i32
          %parallel_loop3A_856 = arith.index_cast %parallel_loop3A_855 : i32 to index
          %parallel_loop3A_857 = arith.index_cast %parallel_loop3A_832 : i32 to index
          %parallel_loop3A_858 = tpu.vector_load %arg9[%parallel_loop3A_856, %parallel_loop3A_857] {strides = array<i32>} : memref<32x768xf32, #tpu.memory_space<vmem>>, vector<1x16xf32>,
          %parallel_loop3A_859 = vector.shape_cast %parallel_loop3A_858 : vector<1x16xf32> to vector<16xf32>
          %parallel_loop3A_860 = vector.shape_cast %parallel_loop3A_853 : vector<16xf32> to vector<1x16xf32>
          tpu.vector_store %arg9[%parallel_loop3A_856, %parallel_loop3A_857], %parallel_loop3A_860 {strides = array<i32>} : memref<32x768xf32, #tpu.memory_space<vmem>>, vector<1x16xf32>,
          %parallel_loop3A_861 = arith.constant 1 : i32
          %parallel_loop3A_862 = arith.addi %parallel_loop3A_166, %parallel_loop3A_861 : i32
          %parallel_loop3A_863 = arith.index_cast %parallel_loop3A_862 : i32 to index
          %parallel_loop3A_864 = arith.index_cast %parallel_loop3A_832 : i32 to index
          %parallel_loop3A_865 = tpu.vector_load %arg9[%parallel_loop3A_863, %parallel_loop3A_864] {strides = array<i32>} : memref<32x768xf32, #tpu.memory_space<vmem>>, vector<1x16xf32>,
          %parallel_loop3A_866 = vector.shape_cast %parallel_loop3A_865 : vector<1x16xf32> to vector<16xf32>
          %parallel_loop3A_867 = arith.addf %parallel_loop3A_866, %parallel_loop3A_842 : vector<16xf32>
          %parallel_loop3A_868 = arith.subf %parallel_loop3A_867, %parallel_loop3A_406 : vector<16xf32>
          %parallel_loop3A_869 = arith.mulf %parallel_loop3A_868, %parallel_loop3A_506 : vector<16xf32>
          %parallel_loop3A_870 = arith.mulf %parallel_loop3A_869, %parallel_loop3A_835 : vector<16xf32>
          %parallel_loop3A_871 = arith.addf %parallel_loop3A_870, %parallel_loop3A_838 : vector<16xf32>
          %parallel_loop3A_872 = arith.constant 1 : i32
          %parallel_loop3A_873 = arith.addi %parallel_loop3A_166, %parallel_loop3A_872 : i32
          %parallel_loop3A_874 = arith.index_cast %parallel_loop3A_873 : i32 to index
          %parallel_loop3A_875 = arith.index_cast %parallel_loop3A_832 : i32 to index
          %parallel_loop3A_876 = tpu.vector_load %arg9[%parallel_loop3A_874, %parallel_loop3A_875] {strides = array<i32>} : memref<32x768xf32, #tpu.memory_space<vmem>>, vector<1x16xf32>,
          %parallel_loop3A_877 = vector.shape_cast %parallel_loop3A_876 : vector<1x16xf32> to vector<16xf32>
          %parallel_loop3A_878 = vector.shape_cast %parallel_loop3A_871 : vector<16xf32> to vector<1x16xf32>
          tpu.vector_store %arg9[%parallel_loop3A_874, %parallel_loop3A_875], %parallel_loop3A_878 {strides = array<i32>} : memref<32x768xf32, #tpu.memory_space<vmem>>, vector<1x16xf32>,
          %parallel_loop3A_879 = arith.constant 2 : i32
          %parallel_loop3A_880 = arith.addi %parallel_loop3A_166, %parallel_loop3A_879 : i32
          %parallel_loop3A_881 = arith.index_cast %parallel_loop3A_880 : i32 to index
          %parallel_loop3A_882 = arith.index_cast %parallel_loop3A_832 : i32 to index
          %parallel_loop3A_883 = tpu.vector_load %arg9[%parallel_loop3A_881, %parallel_loop3A_882] {strides = array<i32>} : memref<32x768xf32, #tpu.memory_space<vmem>>, vector<1x16xf32>,
          %parallel_loop3A_884 = vector.shape_cast %parallel_loop3A_883 : vector<1x16xf32> to vector<16xf32>
          %parallel_loop3A_885 = arith.addf %parallel_loop3A_884, %parallel_loop3A_842 : vector<16xf32>
          %parallel_loop3A_886 = arith.subf %parallel_loop3A_885, %parallel_loop3A_566 : vector<16xf32>
          %parallel_loop3A_887 = arith.mulf %parallel_loop3A_886, %parallel_loop3A_666 : vector<16xf32>
          %parallel_loop3A_888 = arith.mulf %parallel_loop3A_887, %parallel_loop3A_835 : vector<16xf32>
          %parallel_loop3A_889 = arith.addf %parallel_loop3A_888, %parallel_loop3A_838 : vector<16xf32>
          %parallel_loop3A_890 = arith.constant 2 : i32
          %parallel_loop3A_891 = arith.addi %parallel_loop3A_166, %parallel_loop3A_890 : i32
          %parallel_loop3A_892 = arith.index_cast %parallel_loop3A_891 : i32 to index
          %parallel_loop3A_893 = arith.index_cast %parallel_loop3A_832 : i32 to index
          %parallel_loop3A_894 = tpu.vector_load %arg9[%parallel_loop3A_892, %parallel_loop3A_893] {strides = array<i32>} : memref<32x768xf32, #tpu.memory_space<vmem>>, vector<1x16xf32>,
          %parallel_loop3A_895 = vector.shape_cast %parallel_loop3A_894 : vector<1x16xf32> to vector<16xf32>
          %parallel_loop3A_896 = vector.shape_cast %parallel_loop3A_889 : vector<16xf32> to vector<1x16xf32>
          tpu.vector_store %arg9[%parallel_loop3A_892, %parallel_loop3A_893], %parallel_loop3A_896 {strides = array<i32>} : memref<32x768xf32, #tpu.memory_space<vmem>>, vector<1x16xf32>,
          %parallel_loop3A_897 = arith.constant 3 : i32
          %parallel_loop3A_898 = arith.addi %parallel_loop3A_166, %parallel_loop3A_897 : i32
          %parallel_loop3A_899 = arith.index_cast %parallel_loop3A_898 : i32 to index
          %parallel_loop3A_900 = arith.index_cast %parallel_loop3A_832 : i32 to index
          %parallel_loop3A_901 = tpu.vector_load %arg9[%parallel_loop3A_899, %parallel_loop3A_900] {strides = array<i32>} : memref<32x768xf32, #tpu.memory_space<vmem>>, vector<1x16xf32>,
          %parallel_loop3A_902 = vector.shape_cast %parallel_loop3A_901 : vector<1x16xf32> to vector<16xf32>
          %parallel_loop3A_903 = arith.addf %parallel_loop3A_902, %parallel_loop3A_842 : vector<16xf32>
          %parallel_loop3A_904 = arith.subf %parallel_loop3A_903, %parallel_loop3A_726 : vector<16xf32>
          %parallel_loop3A_905 = arith.mulf %parallel_loop3A_904, %parallel_loop3A_826 : vector<16xf32>
          %parallel_loop3A_906 = arith.mulf %parallel_loop3A_905, %parallel_loop3A_835 : vector<16xf32>
          %parallel_loop3A_907 = arith.addf %parallel_loop3A_906, %parallel_loop3A_838 : vector<16xf32>
          %parallel_loop3A_908 = arith.constant 3 : i32
          %parallel_loop3A_909 = arith.addi %parallel_loop3A_166, %parallel_loop3A_908 : i32
          %parallel_loop3A_910 = arith.index_cast %parallel_loop3A_909 : i32 to index
          %parallel_loop3A_911 = arith.index_cast %parallel_loop3A_832 : i32 to index
          %parallel_loop3A_912 = tpu.vector_load %arg9[%parallel_loop3A_910, %parallel_loop3A_911] {strides = array<i32>} : memref<32x768xf32, #tpu.memory_space<vmem>>, vector<1x16xf32>,
          %parallel_loop3A_913 = vector.shape_cast %parallel_loop3A_912 : vector<1x16xf32> to vector<16xf32>
          %parallel_loop3A_914 = vector.shape_cast %parallel_loop3A_907 : vector<16xf32> to vector<1x16xf32>
          tpu.vector_store %arg9[%parallel_loop3A_910, %parallel_loop3A_911], %parallel_loop3A_914 {strides = array<i32>} : memref<32x768xf32, #tpu.memory_space<vmem>>, vector<1x16xf32>,
          %parallel_loop3A_915 = arith.constant 16 : i32
          %parallel_loop3A_916 = arith.addi %parallel_loop3A_830, %parallel_loop3A_915 : i32
          %parallel_loop3A_917 = arith.index_cast %parallel_loop3A_916 : i32 to index
          %parallel_loop3A_918 = tpu.vector_load %arg16[%parallel_loop3A_917] {strides = array<i32>} : memref<768xf32, #tpu.memory_space<vmem>>, vector<16xf32>,
          %parallel_loop3A_919 = vector.shape_cast %parallel_loop3A_918 : vector<16xf32> to vector<16xf32>
          %parallel_loop3A_920 = arith.index_cast %parallel_loop3A_916 : i32 to index
          %parallel_loop3A_921 = tpu.vector_load %arg17[%parallel_loop3A_920] {strides = array<i32>} : memref<768xf32, #tpu.memory_space<vmem>>, vector<16xf32>,
          %parallel_loop3A_922 = vector.shape_cast %parallel_loop3A_921 : vector<16xf32> to vector<16xf32>
          %parallel_loop3A_923 = arith.index_cast %parallel_loop3A_164 : i32 to index
          %parallel_loop3A_924 = arith.index_cast %parallel_loop3A_916 : i32 to index
          %parallel_loop3A_925 = tpu.vector_load %arg11[%parallel_loop3A_923, %parallel_loop3A_924] {strides = array<i32>} : memref<8x768xf32, #tpu.memory_space<vmem>>, vector<1x16xf32>,
          %parallel_loop3A_926 = vector.shape_cast %parallel_loop3A_925 : vector<1x16xf32> to vector<16xf32>
          %parallel_loop3A_927 = arith.constant 0 : i32
          %parallel_loop3A_928 = arith.addi %parallel_loop3A_166, %parallel_loop3A_927 : i32
          %parallel_loop3A_929 = arith.index_cast %parallel_loop3A_928 : i32 to index
          %parallel_loop3A_930 = arith.index_cast %parallel_loop3A_916 : i32 to index
          %parallel_loop3A_931 = tpu.vector_load %arg9[%parallel_loop3A_929, %parallel_loop3A_930] {strides = array<i32>} : memref<32x768xf32, #tpu.memory_space<vmem>>, vector<1x16xf32>,
          %parallel_loop3A_932 = vector.shape_cast %parallel_loop3A_931 : vector<1x16xf32> to vector<16xf32>
          %parallel_loop3A_933 = arith.addf %parallel_loop3A_932, %parallel_loop3A_926 : vector<16xf32>
          %parallel_loop3A_934 = arith.subf %parallel_loop3A_933, %parallel_loop3A_246 : vector<16xf32>
          %parallel_loop3A_935 = arith.mulf %parallel_loop3A_934, %parallel_loop3A_346 : vector<16xf32>
          %parallel_loop3A_936 = arith.mulf %parallel_loop3A_935, %parallel_loop3A_919 : vector<16xf32>
          %parallel_loop3A_937 = arith.addf %parallel_loop3A_936, %parallel_loop3A_922 : vector<16xf32>
          %parallel_loop3A_938 = arith.constant 0 : i32
          %parallel_loop3A_939 = arith.addi %parallel_loop3A_166, %parallel_loop3A_938 : i32
          %parallel_loop3A_940 = arith.index_cast %parallel_loop3A_939 : i32 to index
          %parallel_loop3A_941 = arith.index_cast %parallel_loop3A_916 : i32 to index
          %parallel_loop3A_942 = tpu.vector_load %arg9[%parallel_loop3A_940, %parallel_loop3A_941] {strides = array<i32>} : memref<32x768xf32, #tpu.memory_space<vmem>>, vector<1x16xf32>,
          %parallel_loop3A_943 = vector.shape_cast %parallel_loop3A_942 : vector<1x16xf32> to vector<16xf32>
          %parallel_loop3A_944 = vector.shape_cast %parallel_loop3A_937 : vector<16xf32> to vector<1x16xf32>
          tpu.vector_store %arg9[%parallel_loop3A_940, %parallel_loop3A_941], %parallel_loop3A_944 {strides = array<i32>} : memref<32x768xf32, #tpu.memory_space<vmem>>, vector<1x16xf32>,
          %parallel_loop3A_945 = arith.constant 1 : i32
          %parallel_loop3A_946 = arith.addi %parallel_loop3A_166, %parallel_loop3A_945 : i32
          %parallel_loop3A_947 = arith.index_cast %parallel_loop3A_946 : i32 to index
          %parallel_loop3A_948 = arith.index_cast %parallel_loop3A_916 : i32 to index
          %parallel_loop3A_949 = tpu.vector_load %arg9[%parallel_loop3A_947, %parallel_loop3A_948] {strides = array<i32>} : memref<32x768xf32, #tpu.memory_space<vmem>>, vector<1x16xf32>,
          %parallel_loop3A_950 = vector.shape_cast %parallel_loop3A_949 : vector<1x16xf32> to vector<16xf32>
          %parallel_loop3A_951 = arith.addf %parallel_loop3A_950, %parallel_loop3A_926 : vector<16xf32>
          %parallel_loop3A_952 = arith.subf %parallel_loop3A_951, %parallel_loop3A_406 : vector<16xf32>
          %parallel_loop3A_953 = arith.mulf %parallel_loop3A_952, %parallel_loop3A_506 : vector<16xf32>
          %parallel_loop3A_954 = arith.mulf %parallel_loop3A_953, %parallel_loop3A_919 : vector<16xf32>
          %parallel_loop3A_955 = arith.addf %parallel_loop3A_954, %parallel_loop3A_922 : vector<16xf32>
          %parallel_loop3A_956 = arith.constant 1 : i32
          %parallel_loop3A_957 = arith.addi %parallel_loop3A_166, %parallel_loop3A_956 : i32
          %parallel_loop3A_958 = arith.index_cast %parallel_loop3A_957 : i32 to index
          %parallel_loop3A_959 = arith.index_cast %parallel_loop3A_916 : i32 to index
          %parallel_loop3A_960 = tpu.vector_load %arg9[%parallel_loop3A_958, %parallel_loop3A_959] {strides = array<i32>} : memref<32x768xf32, #tpu.memory_space<vmem>>, vector<1x16xf32>,
          %parallel_loop3A_961 = vector.shape_cast %parallel_loop3A_960 : vector<1x16xf32> to vector<16xf32>
          %parallel_loop3A_962 = vector.shape_cast %parallel_loop3A_955 : vector<16xf32> to vector<1x16xf32>
          tpu.vector_store %arg9[%parallel_loop3A_958, %parallel_loop3A_959], %parallel_loop3A_962 {strides = array<i32>} : memref<32x768xf32, #tpu.memory_space<vmem>>, vector<1x16xf32>,
          %parallel_loop3A_963 = arith.constant 2 : i32
          %parallel_loop3A_964 = arith.addi %parallel_loop3A_166, %parallel_loop3A_963 : i32
          %parallel_loop3A_965 = arith.index_cast %parallel_loop3A_964 : i32 to index
          %parallel_loop3A_966 = arith.index_cast %parallel_loop3A_916 : i32 to index
          %parallel_loop3A_967 = tpu.vector_load %arg9[%parallel_loop3A_965, %parallel_loop3A_966] {strides = array<i32>} : memref<32x768xf32, #tpu.memory_space<vmem>>, vector<1x16xf32>,
          %parallel_loop3A_968 = vector.shape_cast %parallel_loop3A_967 : vector<1x16xf32> to vector<16xf32>
          %parallel_loop3A_969 = arith.addf %parallel_loop3A_968, %parallel_loop3A_926 : vector<16xf32>
          %parallel_loop3A_970 = arith.subf %parallel_loop3A_969, %parallel_loop3A_566 : vector<16xf32>
          %parallel_loop3A_971 = arith.mulf %parallel_loop3A_970, %parallel_loop3A_666 : vector<16xf32>
          %parallel_loop3A_972 = arith.mulf %parallel_loop3A_971, %parallel_loop3A_919 : vector<16xf32>
          %parallel_loop3A_973 = arith.addf %parallel_loop3A_972, %parallel_loop3A_922 : vector<16xf32>
          %parallel_loop3A_974 = arith.constant 2 : i32
          %parallel_loop3A_975 = arith.addi %parallel_loop3A_166, %parallel_loop3A_974 : i32
          %parallel_loop3A_976 = arith.index_cast %parallel_loop3A_975 : i32 to index
          %parallel_loop3A_977 = arith.index_cast %parallel_loop3A_916 : i32 to index
          %parallel_loop3A_978 = tpu.vector_load %arg9[%parallel_loop3A_976, %parallel_loop3A_977] {strides = array<i32>} : memref<32x768xf32, #tpu.memory_space<vmem>>, vector<1x16xf32>,
          %parallel_loop3A_979 = vector.shape_cast %parallel_loop3A_978 : vector<1x16xf32> to vector<16xf32>
          %parallel_loop3A_980 = vector.shape_cast %parallel_loop3A_973 : vector<16xf32> to vector<1x16xf32>
          tpu.vector_store %arg9[%parallel_loop3A_976, %parallel_loop3A_977], %parallel_loop3A_980 {strides = array<i32>} : memref<32x768xf32, #tpu.memory_space<vmem>>, vector<1x16xf32>,
          %parallel_loop3A_981 = arith.constant 3 : i32
          %parallel_loop3A_982 = arith.addi %parallel_loop3A_166, %parallel_loop3A_981 : i32
          %parallel_loop3A_983 = arith.index_cast %parallel_loop3A_982 : i32 to index
          %parallel_loop3A_984 = arith.index_cast %parallel_loop3A_916 : i32 to index
          %parallel_loop3A_985 = tpu.vector_load %arg9[%parallel_loop3A_983, %parallel_loop3A_984] {strides = array<i32>} : memref<32x768xf32, #tpu.memory_space<vmem>>, vector<1x16xf32>,
          %parallel_loop3A_986 = vector.shape_cast %parallel_loop3A_985 : vector<1x16xf32> to vector<16xf32>
          %parallel_loop3A_987 = arith.addf %parallel_loop3A_986, %parallel_loop3A_926 : vector<16xf32>
          %parallel_loop3A_988 = arith.subf %parallel_loop3A_987, %parallel_loop3A_726 : vector<16xf32>
          %parallel_loop3A_989 = arith.mulf %parallel_loop3A_988, %parallel_loop3A_826 : vector<16xf32>
          %parallel_loop3A_990 = arith.mulf %parallel_loop3A_989, %parallel_loop3A_919 : vector<16xf32>
          %parallel_loop3A_991 = arith.addf %parallel_loop3A_990, %parallel_loop3A_922 : vector<16xf32>
          %parallel_loop3A_992 = arith.constant 3 : i32
          %parallel_loop3A_993 = arith.addi %parallel_loop3A_166, %parallel_loop3A_992 : i32
          %parallel_loop3A_994 = arith.index_cast %parallel_loop3A_993 : i32 to index
          %parallel_loop3A_995 = arith.index_cast %parallel_loop3A_916 : i32 to index
          %parallel_loop3A_996 = tpu.vector_load %arg9[%parallel_loop3A_994, %parallel_loop3A_995] {strides = array<i32>} : memref<32x768xf32, #tpu.memory_space<vmem>>, vector<1x16xf32>,
          %parallel_loop3A_997 = vector.shape_cast %parallel_loop3A_996 : vector<1x16xf32> to vector<16xf32>
          %parallel_loop3A_998 = vector.shape_cast %parallel_loop3A_991 : vector<16xf32> to vector<1x16xf32>
          tpu.vector_store %arg9[%parallel_loop3A_994, %parallel_loop3A_995], %parallel_loop3A_998 {strides = array<i32>} : memref<32x768xf32, #tpu.memory_space<vmem>>, vector<1x16xf32>,
        } {sc.loop_unroll_factor = 1 : i64, sc.parallel_access}
      } {sc.loop_unroll_factor = 1 : i64, sc.parallel_access}
      %dma_start3A_135 = arith.constant 0 : i32
      %dma_start3A_136 = arith.constant 0 : i32
      %dma_start3A_137 = tpu.memref_slice %arg7[%dma_start3A_135, %dma_start3A_136] : memref<32768x768xf32, #tpu.memory_space<hbm>> -> memref<32768x768xf32, #tpu.memory_space<hbm>>
      tpu.enqueue_indirect_dma source(%arg9 : memref<32x768xf32, #tpu.memory_space<vmem>>) target(%dma_start3A_137 : memref<32768x768xf32, #tpu.memory_space<hbm>>) offsets(%arg13 : memref<32xi32, #tpu.memory_space<vmem>>) semaphore(%arg22 : memref<!tpu.dma_semaphore, #tpu.memory_space<semaphore_mem>>)
      %lt3A = arith.constant 15 : i32
      %lt3A_138 = arith.cmpi slt, %scan3A_76, %lt3A : i32
      %convert_element_type3A_139 = arith.extui %lt3A_138 : i1 to i32
      %cond3A_140 = arith.constant 0 : i32
      %cond3A_141 = arith.cmpi ne, %convert_element_type3A_139, %cond3A_140 : i32
      scf.if %cond3A_141 {
        %dma_wait3A_164 = arith.constant 0 : i32
        %dma_wait3A_165 = arith.constant 0 : i32
        %dma_wait3A_166 = tpu.memref_slice %arg7[%dma_wait3A_164, %dma_wait3A_165] : memref<32768x768xf32, #tpu.memory_space<hbm>> -> memref<32768x768xf32, #tpu.memory_space<hbm>>
        tpu.wait_indirect_dma semaphore(%arg22 : memref<!tpu.dma_semaphore, #tpu.memory_space<semaphore_mem>>) src(%arg9 : memref<32x768xf32, #tpu.memory_space<vmem>>) dst(%dma_wait3A_166 : memref<32768x768xf32, #tpu.memory_space<hbm>>)
        %add3A_167 = arith.constant 2 : i32
        %add3A_168 = arith.addi %mul3A_79, %add3A_167 : i32
        %mul3A_169 = arith.constant 8 : i32
        %mul3A_170 = arith.muli %add3A_168, %mul3A_169 : i32
        %add3A_171 = arith.addi %mul3A_2, %mul3A_170 : i32
        %get3A_172 = arith.constant 0 : index
        %get3A_173 = tpu.vector_load %arg15[%get3A_172] {strides = array<i32>} : memref<32xi32, #tpu.memory_space<vmem>>, vector<16xi32>,
        %get3A_174 = vector.shape_cast %get3A_173 : vector<16xi32> to vector<16xi32>
        %add3A_175 = vector.broadcast %add3A_171 : i32 to vector<16xi32>
        %add3A_176 = arith.addi %get3A_174, %add3A_175 : vector<16xi32>
        %swap3A_177 = arith.constant 0 : index
        %swap3A_178 = tpu.vector_load %arg13[%swap3A_177] {strides = array<i32>} : memref<32xi32, #tpu.memory_space<vmem>>, vector<16xi32>,
        %swap3A_179 = vector.shape_cast %swap3A_178 : vector<16xi32> to vector<16xi32>
        %swap3A_180 = vector.shape_cast %add3A_176 : vector<16xi32> to vector<16xi32>
        tpu.vector_store %arg13[%swap3A_177], %swap3A_180 {strides = array<i32>} : memref<32xi32, #tpu.memory_space<vmem>>, vector<16xi32>,
        %get3A_181 = arith.constant 16 : index
        %get3A_182 = tpu.vector_load %arg15[%get3A_181] {strides = array<i32>} : memref<32xi32, #tpu.memory_space<vmem>>, vector<16xi32>,
        %get3A_183 = vector.shape_cast %get3A_182 : vector<16xi32> to vector<16xi32>
        %add3A_184 = vector.broadcast %add3A_171 : i32 to vector<16xi32>
        %add3A_185 = arith.addi %get3A_183, %add3A_184 : vector<16xi32>
        %swap3A_186 = arith.constant 16 : index
        %swap3A_187 = tpu.vector_load %arg13[%swap3A_186] {strides = array<i32>} : memref<32xi32, #tpu.memory_space<vmem>>, vector<16xi32>,
        %swap3A_188 = vector.shape_cast %swap3A_187 : vector<16xi32> to vector<16xi32>
        %swap3A_189 = vector.shape_cast %add3A_185 : vector<16xi32> to vector<16xi32>
        tpu.vector_store %arg13[%swap3A_186], %swap3A_189 {strides = array<i32>} : memref<32xi32, #tpu.memory_space<vmem>>, vector<16xi32>,
        %add3A_190 = arith.constant 2 : i32
        %add3A_191 = arith.addi %mul3A_79, %add3A_190 : i32
        %mul3A_192 = arith.constant 32 : i32
        %mul3A_193 = arith.muli %add3A_191, %mul3A_192 : i32
        %dma_start3A_194 = tpu.memref_slice %arg8[%mul3A_193] : memref<1024xi32, #tpu.memory_space<vmem>> -> memref<32xi32, #tpu.memory_space<vmem>>
        %dma_start3A_195 = arith.constant 0 : i32
        %dma_start3A_196 = arith.constant 0 : i32
        %dma_start3A_197 = tpu.memref_slice %arg3[%dma_start3A_195, %dma_start3A_196] : memref<100000x768xf32, #tpu.memory_space<hbm>> -> memref<100000x768xf32, #tpu.memory_space<hbm>>
        tpu.enqueue_indirect_dma source(%dma_start3A_197 : memref<100000x768xf32, #tpu.memory_space<hbm>>) target(%arg9 : memref<32x768xf32, #tpu.memory_space<vmem>>) offsets(%dma_start3A_194 : memref<32xi32, #tpu.memory_space<vmem>>) semaphore(%arg18 : memref<!tpu.dma_semaphore, #tpu.memory_space<semaphore_mem>>)
        %mul3A_198 = arith.constant 8 : i32
        %mul3A_199 = arith.muli %add3A_191, %mul3A_198 : i32
        %add3A_200 = arith.addi %mul3A_2, %mul3A_199 : i32
        %dma_start3A_201 = arith.constant 0 : i32
        %dma_start3A_202 = tpu.memref_slice %arg4[%add3A_200, %dma_start3A_201] : memref<8192x768xf32, #tpu.memory_space<hbm>> -> memref<8x768xf32, #tpu.memory_space<hbm>>
        %dma_start3A_203 = arith.constant 0 : i32
        %dma_start3A_204 = tpu.memref_slice %arg4[%add3A_200, %dma_start3A_203] : memref<8192x768xf32, #tpu.memory_space<hbm>> -> memref<8x768xf32, #tpu.memory_space<hbm>>
        tpu.enqueue_dma source(%dma_start3A_204 : memref<8x768xf32, #tpu.memory_space<hbm>>) target(%arg11 : memref<8x768xf32, #tpu.memory_space<vmem>>) target_semaphore(%arg20 : memref<!tpu.dma_semaphore, #tpu.memory_space<semaphore_mem>>)
      } else {
      }
      %add3A_142 = arith.constant 1 : i32
      %add3A_143 = arith.addi %mul3A_79, %add3A_142 : i32
      %mul3A_144 = arith.constant 32 : i32
      %mul3A_145 = arith.muli %add3A_143, %mul3A_144 : i32
      %dma_wait3A_146 = tpu.memref_slice %arg8[%mul3A_145] : memref<1024xi32, #tpu.memory_space<vmem>> -> memref<32xi32, #tpu.memory_space<vmem>>
      %dma_wait3A_147 = arith.constant 0 : i32
      %dma_wait3A_148 = arith.constant 0 : i32
      %dma_wait3A_149 = tpu.memref_slice %arg3[%dma_wait3A_147, %dma_wait3A_148] : memref<100000x768xf32, #tpu.memory_space<hbm>> -> memref<100000x768xf32, #tpu.memory_space<hbm>>
      tpu.wait_indirect_dma semaphore(%arg19 : memref<!tpu.dma_semaphore, #tpu.memory_space<semaphore_mem>>) src(%dma_wait3A_149 : memref<100000x768xf32, #tpu.memory_space<hbm>>) dst(%arg10 : memref<32x768xf32, #tpu.memory_space<vmem>>)
      %mul3A_150 = arith.constant 8 : i32
      %mul3A_151 = arith.muli %add3A_143, %mul3A_150 : i32
      %add3A_152 = arith.addi %mul3A_2, %mul3A_151 : i32
      %dma_wait3A_153 = arith.constant 0 : i32
      %dma_wait3A_154 = tpu.memref_slice %arg4[%add3A_152, %dma_wait3A_153] : memref<8192x768xf32, #tpu.memory_space<hbm>> -> memref<8x768xf32, #tpu.memory_space<hbm>>
      %dma_wait3A_155 = arith.constant 0 : i32
      %dma_wait3A_156 = tpu.memref_slice %arg4[%add3A_152, %dma_wait3A_155] : memref<8192x768xf32, #tpu.memory_space<hbm>> -> memref<8x768xf32, #tpu.memory_space<hbm>>
      tpu.wait_dma2 semaphore(%arg21 : memref<!tpu.dma_semaphore, #tpu.memory_space<semaphore_mem>>) src(%dma_wait3A_156 : memref<8x768xf32, #tpu.memory_space<hbm>>) dst(%arg12 : memref<8x768xf32, #tpu.memory_space<vmem>>)
      %parallel_loop3A_157 = arith.constant 0 : i32
      %parallel_loop3A_158 = arith.constant 8 : i32
      %parallel_loop3A_159 = arith.constant 1 : i32
      scf.for %parallel_loop3A_164 = %parallel_loop3A_157 to %parallel_loop3A_158 step %parallel_loop3A_159  : i32 {
        %parallel_loop3A_165 = arith.constant 4 : i32
        %parallel_loop3A_166 = arith.muli %parallel_loop3A_164, %parallel_loop3A_165 : i32
        %parallel_loop3A_167 = arith.constant 0.000000e+00 : f32
        %parallel_loop3A_168 = vector.broadcast %parallel_loop3A_167 : f32 to vector<16xf32>
        %parallel_loop3A_169 = arith.constant 0.000000e+00 : f32
        %parallel_loop3A_170 = vector.broadcast %parallel_loop3A_169 : f32 to vector<16xf32>
        %parallel_loop3A_171 = arith.constant 0.000000e+00 : f32
        %parallel_loop3A_172 = vector.broadcast %parallel_loop3A_171 : f32 to vector<16xf32>
        %parallel_loop3A_173 = arith.constant 0.000000e+00 : f32
        %parallel_loop3A_174 = vector.broadcast %parallel_loop3A_173 : f32 to vector<16xf32>
        %parallel_loop3A_175 = arith.constant 0.000000e+00 : f32
        %parallel_loop3A_176 = vector.broadcast %parallel_loop3A_175 : f32 to vector<16xf32>
        %parallel_loop3A_177 = arith.constant 0.000000e+00 : f32
        %parallel_loop3A_178 = vector.broadcast %parallel_loop3A_177 : f32 to vector<16xf32>
        %parallel_loop3A_179 = arith.constant 0.000000e+00 : f32
        %parallel_loop3A_180 = vector.broadcast %parallel_loop3A_179 : f32 to vector<16xf32>
        %parallel_loop3A_181 = arith.constant 0.000000e+00 : f32
        %parallel_loop3A_182 = vector.broadcast %parallel_loop3A_181 : f32 to vector<16xf32>
        %parallel_loop3A_183 = arith.constant 0 : i32
        %parallel_loop3A_184 = arith.constant 768 : i32
        %parallel_loop3A_185 = arith.constant 32 : i32
        %parallel_loop3A_186:8 = scf.for %parallel_loop3A_830 = %parallel_loop3A_183 to %parallel_loop3A_184 step %parallel_loop3A_185 iter_args(%parallel_loop3A_831 = %parallel_loop3A_168, %parallel_loop3A_832 = %parallel_loop3A_170, %parallel_loop3A_833 = %parallel_loop3A_172, %parallel_loop3A_834 = %parallel_loop3A_174, %parallel_loop3A_835 = %parallel_loop3A_176, %parallel_loop3A_836 = %parallel_loop3A_178, %parallel_loop3A_837 = %parallel_loop3A_180, %parallel_loop3A_838 = %parallel_loop3A_182) -> (vector<16xf32>, vector<16xf32>, vector<16xf32>, vector<16xf32>, vector<16xf32>, vector<16xf32>, vector<16xf32>, vector<16xf32>)  : i32 {
          %parallel_loop3A_839 = arith.constant 0 : i32
          %parallel_loop3A_840 = arith.addi %parallel_loop3A_830, %parallel_loop3A_839 : i32
          %parallel_loop3A_841 = arith.index_cast %parallel_loop3A_164 : i32 to index
          %parallel_loop3A_842 = arith.index_cast %parallel_loop3A_840 : i32 to index
          %parallel_loop3A_843 = tpu.vector_load %arg12[%parallel_loop3A_841, %parallel_loop3A_842] {strides = array<i32>} : memref<8x768xf32, #tpu.memory_space<vmem>>, vector<1x16xf32>,
          %parallel_loop3A_844 = vector.shape_cast %parallel_loop3A_843 : vector<1x16xf32> to vector<16xf32>
          %parallel_loop3A_845 = arith.constant 0 : i32
          %parallel_loop3A_846 = arith.addi %parallel_loop3A_166, %parallel_loop3A_845 : i32
          %parallel_loop3A_847 = arith.index_cast %parallel_loop3A_846 : i32 to index
          %parallel_loop3A_848 = arith.index_cast %parallel_loop3A_840 : i32 to index
          %parallel_loop3A_849 = tpu.vector_load %arg10[%parallel_loop3A_847, %parallel_loop3A_848] {strides = array<i32>} : memref<32x768xf32, #tpu.memory_space<vmem>>, vector<1x16xf32>,
          %parallel_loop3A_850 = vector.shape_cast %parallel_loop3A_849 : vector<1x16xf32> to vector<16xf32>
          %parallel_loop3A_851 = arith.addf %parallel_loop3A_850, %parallel_loop3A_844 : vector<16xf32>
          %parallel_loop3A_852 = arith.addf %parallel_loop3A_831, %parallel_loop3A_851 : vector<16xf32>
          %parallel_loop3A_853 = arith.mulf %parallel_loop3A_851, %parallel_loop3A_851 : vector<16xf32>
          %parallel_loop3A_854 = arith.addf %parallel_loop3A_832, %parallel_loop3A_853 : vector<16xf32>
          %parallel_loop3A_855 = arith.constant 1 : i32
          %parallel_loop3A_856 = arith.addi %parallel_loop3A_166, %parallel_loop3A_855 : i32
          %parallel_loop3A_857 = arith.index_cast %parallel_loop3A_856 : i32 to index
          %parallel_loop3A_858 = arith.index_cast %parallel_loop3A_840 : i32 to index
          %parallel_loop3A_859 = tpu.vector_load %arg10[%parallel_loop3A_857, %parallel_loop3A_858] {strides = array<i32>} : memref<32x768xf32, #tpu.memory_space<vmem>>, vector<1x16xf32>,
          %parallel_loop3A_860 = vector.shape_cast %parallel_loop3A_859 : vector<1x16xf32> to vector<16xf32>
          %parallel_loop3A_861 = arith.addf %parallel_loop3A_860, %parallel_loop3A_844 : vector<16xf32>
          %parallel_loop3A_862 = arith.addf %parallel_loop3A_833, %parallel_loop3A_861 : vector<16xf32>
          %parallel_loop3A_863 = arith.mulf %parallel_loop3A_861, %parallel_loop3A_861 : vector<16xf32>
          %parallel_loop3A_864 = arith.addf %parallel_loop3A_834, %parallel_loop3A_863 : vector<16xf32>
          %parallel_loop3A_865 = arith.constant 2 : i32
          %parallel_loop3A_866 = arith.addi %parallel_loop3A_166, %parallel_loop3A_865 : i32
          %parallel_loop3A_867 = arith.index_cast %parallel_loop3A_866 : i32 to index
          %parallel_loop3A_868 = arith.index_cast %parallel_loop3A_840 : i32 to index
          %parallel_loop3A_869 = tpu.vector_load %arg10[%parallel_loop3A_867, %parallel_loop3A_868] {strides = array<i32>} : memref<32x768xf32, #tpu.memory_space<vmem>>, vector<1x16xf32>,
          %parallel_loop3A_870 = vector.shape_cast %parallel_loop3A_869 : vector<1x16xf32> to vector<16xf32>
          %parallel_loop3A_871 = arith.addf %parallel_loop3A_870, %parallel_loop3A_844 : vector<16xf32>
          %parallel_loop3A_872 = arith.addf %parallel_loop3A_835, %parallel_loop3A_871 : vector<16xf32>
          %parallel_loop3A_873 = arith.mulf %parallel_loop3A_871, %parallel_loop3A_871 : vector<16xf32>
          %parallel_loop3A_874 = arith.addf %parallel_loop3A_836, %parallel_loop3A_873 : vector<16xf32>
          %parallel_loop3A_875 = arith.constant 3 : i32
          %parallel_loop3A_876 = arith.addi %parallel_loop3A_166, %parallel_loop3A_875 : i32
          %parallel_loop3A_877 = arith.index_cast %parallel_loop3A_876 : i32 to index
          %parallel_loop3A_878 = arith.index_cast %parallel_loop3A_840 : i32 to index
          %parallel_loop3A_879 = tpu.vector_load %arg10[%parallel_loop3A_877, %parallel_loop3A_878] {strides = array<i32>} : memref<32x768xf32, #tpu.memory_space<vmem>>, vector<1x16xf32>,
          %parallel_loop3A_880 = vector.shape_cast %parallel_loop3A_879 : vector<1x16xf32> to vector<16xf32>
          %parallel_loop3A_881 = arith.addf %parallel_loop3A_880, %parallel_loop3A_844 : vector<16xf32>
          %parallel_loop3A_882 = arith.addf %parallel_loop3A_837, %parallel_loop3A_881 : vector<16xf32>
          %parallel_loop3A_883 = arith.mulf %parallel_loop3A_881, %parallel_loop3A_881 : vector<16xf32>
          %parallel_loop3A_884 = arith.addf %parallel_loop3A_838, %parallel_loop3A_883 : vector<16xf32>
          %parallel_loop3A_885 = arith.constant 16 : i32
          %parallel_loop3A_886 = arith.addi %parallel_loop3A_830, %parallel_loop3A_885 : i32
          %parallel_loop3A_887 = arith.index_cast %parallel_loop3A_164 : i32 to index
          %parallel_loop3A_888 = arith.index_cast %parallel_loop3A_886 : i32 to index
          %parallel_loop3A_889 = tpu.vector_load %arg12[%parallel_loop3A_887, %parallel_loop3A_888] {strides = array<i32>} : memref<8x768xf32, #tpu.memory_space<vmem>>, vector<1x16xf32>,
          %parallel_loop3A_890 = vector.shape_cast %parallel_loop3A_889 : vector<1x16xf32> to vector<16xf32>
          %parallel_loop3A_891 = arith.constant 0 : i32
          %parallel_loop3A_892 = arith.addi %parallel_loop3A_166, %parallel_loop3A_891 : i32
          %parallel_loop3A_893 = arith.index_cast %parallel_loop3A_892 : i32 to index
          %parallel_loop3A_894 = arith.index_cast %parallel_loop3A_886 : i32 to index
          %parallel_loop3A_895 = tpu.vector_load %arg10[%parallel_loop3A_893, %parallel_loop3A_894] {strides = array<i32>} : memref<32x768xf32, #tpu.memory_space<vmem>>, vector<1x16xf32>,
          %parallel_loop3A_896 = vector.shape_cast %parallel_loop3A_895 : vector<1x16xf32> to vector<16xf32>
          %parallel_loop3A_897 = arith.addf %parallel_loop3A_896, %parallel_loop3A_890 : vector<16xf32>
          %parallel_loop3A_898 = arith.addf %parallel_loop3A_852, %parallel_loop3A_897 : vector<16xf32>
          %parallel_loop3A_899 = arith.mulf %parallel_loop3A_897, %parallel_loop3A_897 : vector<16xf32>
          %parallel_loop3A_900 = arith.addf %parallel_loop3A_854, %parallel_loop3A_899 : vector<16xf32>
          %parallel_loop3A_901 = arith.constant 1 : i32
          %parallel_loop3A_902 = arith.addi %parallel_loop3A_166, %parallel_loop3A_901 : i32
          %parallel_loop3A_903 = arith.index_cast %parallel_loop3A_902 : i32 to index
          %parallel_loop3A_904 = arith.index_cast %parallel_loop3A_886 : i32 to index
          %parallel_loop3A_905 = tpu.vector_load %arg10[%parallel_loop3A_903, %parallel_loop3A_904] {strides = array<i32>} : memref<32x768xf32, #tpu.memory_space<vmem>>, vector<1x16xf32>,
          %parallel_loop3A_906 = vector.shape_cast %parallel_loop3A_905 : vector<1x16xf32> to vector<16xf32>
          %parallel_loop3A_907 = arith.addf %parallel_loop3A_906, %parallel_loop3A_890 : vector<16xf32>
          %parallel_loop3A_908 = arith.addf %parallel_loop3A_862, %parallel_loop3A_907 : vector<16xf32>
          %parallel_loop3A_909 = arith.mulf %parallel_loop3A_907, %parallel_loop3A_907 : vector<16xf32>
          %parallel_loop3A_910 = arith.addf %parallel_loop3A_864, %parallel_loop3A_909 : vector<16xf32>
          %parallel_loop3A_911 = arith.constant 2 : i32
          %parallel_loop3A_912 = arith.addi %parallel_loop3A_166, %parallel_loop3A_911 : i32
          %parallel_loop3A_913 = arith.index_cast %parallel_loop3A_912 : i32 to index
          %parallel_loop3A_914 = arith.index_cast %parallel_loop3A_886 : i32 to index
          %parallel_loop3A_915 = tpu.vector_load %arg10[%parallel_loop3A_913, %parallel_loop3A_914] {strides = array<i32>} : memref<32x768xf32, #tpu.memory_space<vmem>>, vector<1x16xf32>,
          %parallel_loop3A_916 = vector.shape_cast %parallel_loop3A_915 : vector<1x16xf32> to vector<16xf32>
          %parallel_loop3A_917 = arith.addf %parallel_loop3A_916, %parallel_loop3A_890 : vector<16xf32>
          %parallel_loop3A_918 = arith.addf %parallel_loop3A_872, %parallel_loop3A_917 : vector<16xf32>
          %parallel_loop3A_919 = arith.mulf %parallel_loop3A_917, %parallel_loop3A_917 : vector<16xf32>
          %parallel_loop3A_920 = arith.addf %parallel_loop3A_874, %parallel_loop3A_919 : vector<16xf32>
          %parallel_loop3A_921 = arith.constant 3 : i32
          %parallel_loop3A_922 = arith.addi %parallel_loop3A_166, %parallel_loop3A_921 : i32
          %parallel_loop3A_923 = arith.index_cast %parallel_loop3A_922 : i32 to index
          %parallel_loop3A_924 = arith.index_cast %parallel_loop3A_886 : i32 to index
          %parallel_loop3A_925 = tpu.vector_load %arg10[%parallel_loop3A_923, %parallel_loop3A_924] {strides = array<i32>} : memref<32x768xf32, #tpu.memory_space<vmem>>, vector<1x16xf32>,
          %parallel_loop3A_926 = vector.shape_cast %parallel_loop3A_925 : vector<1x16xf32> to vector<16xf32>
          %parallel_loop3A_927 = arith.addf %parallel_loop3A_926, %parallel_loop3A_890 : vector<16xf32>
          %parallel_loop3A_928 = arith.addf %parallel_loop3A_882, %parallel_loop3A_927 : vector<16xf32>
          %parallel_loop3A_929 = arith.mulf %parallel_loop3A_927, %parallel_loop3A_927 : vector<16xf32>
          %parallel_loop3A_930 = arith.addf %parallel_loop3A_884, %parallel_loop3A_929 : vector<16xf32>
          scf.yield %parallel_loop3A_898, %parallel_loop3A_900, %parallel_loop3A_908, %parallel_loop3A_910, %parallel_loop3A_918, %parallel_loop3A_920, %parallel_loop3A_928, %parallel_loop3A_930 : vector<16xf32>, vector<16xf32>, vector<16xf32>, vector<16xf32>, vector<16xf32>, vector<16xf32>, vector<16xf32>, vector<16xf32>
        } {sc.loop_unroll_factor = 1 : i64, sc.parallel_access}
        %parallel_loop3A_187 = tpu.iota {dimensions = array<i32: 0>} : vector<16xi32>
        %parallel_loop3A_188 = arith.constant 8 : i32
        %parallel_loop3A_189 = vector.broadcast %parallel_loop3A_188 : i32 to vector<16xi32>
        %parallel_loop3A_190 = arith.xori %parallel_loop3A_187, %parallel_loop3A_189 : vector<16xi32>
        %parallel_loop3A_191 = arith.constant 0 : i32
        %parallel_loop3A_192 = vector.broadcast %parallel_loop3A_191 : i32 to vector<16xi32>
        %parallel_loop3A_193 = arith.cmpi slt, %parallel_loop3A_190, %parallel_loop3A_192 : vector<16xi32>
        %parallel_loop3A_194 = arith.constant 16 : i32
        %parallel_loop3A_195 = vector.broadcast %parallel_loop3A_194 : i32 to vector<16xi32>
        %parallel_loop3A_196 = arith.addi %parallel_loop3A_190, %parallel_loop3A_195 : vector<16xi32>
        %parallel_loop3A_197 = arith.select %parallel_loop3A_193, %parallel_loop3A_196, %parallel_loop3A_190 : vector<16xi1>, vector<16xi32>
        %parallel_loop3A_198 = vector.shape_cast %parallel_loop3A_197 : vector<16xi32> to vector<16x1xi32>
        %parallel_loop3A_199 = vector.shape_cast %parallel_loop3A_198 : vector<16x1xi32> to vector<16xi32>
        %parallel_loop3A_200 = tpu.dynamic_gather %parallel_loop3A_186#0[%parallel_loop3A_199] in [0] : vector<16xf32>, vector<16xi32> -> vector<16xf32>
        %parallel_loop3A_201 = arith.addf %parallel_loop3A_186#0, %parallel_loop3A_200 : vector<16xf32>
        %parallel_loop3A_202 = arith.constant 4 : i32
        %parallel_loop3A_203 = vector.broadcast %parallel_loop3A_202 : i32 to vector<16xi32>
        %parallel_loop3A_204 = arith.xori %parallel_loop3A_187, %parallel_loop3A_203 : vector<16xi32>
        %parallel_loop3A_205 = arith.constant 0 : i32
        %parallel_loop3A_206 = vector.broadcast %parallel_loop3A_205 : i32 to vector<16xi32>
        %parallel_loop3A_207 = arith.cmpi slt, %parallel_loop3A_204, %parallel_loop3A_206 : vector<16xi32>
        %parallel_loop3A_208 = arith.constant 16 : i32
        %parallel_loop3A_209 = vector.broadcast %parallel_loop3A_208 : i32 to vector<16xi32>
        %parallel_loop3A_210 = arith.addi %parallel_loop3A_204, %parallel_loop3A_209 : vector<16xi32>
        %parallel_loop3A_211 = arith.select %parallel_loop3A_207, %parallel_loop3A_210, %parallel_loop3A_204 : vector<16xi1>, vector<16xi32>
        %parallel_loop3A_212 = vector.shape_cast %parallel_loop3A_211 : vector<16xi32> to vector<16x1xi32>
        %parallel_loop3A_213 = vector.shape_cast %parallel_loop3A_212 : vector<16x1xi32> to vector<16xi32>
        %parallel_loop3A_214 = tpu.dynamic_gather %parallel_loop3A_201[%parallel_loop3A_213] in [0] : vector<16xf32>, vector<16xi32> -> vector<16xf32>
        %parallel_loop3A_215 = arith.addf %parallel_loop3A_201, %parallel_loop3A_214 : vector<16xf32>
        %parallel_loop3A_216 = arith.constant 2 : i32
        %parallel_loop3A_217 = vector.broadcast %parallel_loop3A_216 : i32 to vector<16xi32>
        %parallel_loop3A_218 = arith.xori %parallel_loop3A_187, %parallel_loop3A_217 : vector<16xi32>
        %parallel_loop3A_219 = arith.constant 0 : i32
        %parallel_loop3A_220 = vector.broadcast %parallel_loop3A_219 : i32 to vector<16xi32>
        %parallel_loop3A_221 = arith.cmpi slt, %parallel_loop3A_218, %parallel_loop3A_220 : vector<16xi32>
        %parallel_loop3A_222 = arith.constant 16 : i32
        %parallel_loop3A_223 = vector.broadcast %parallel_loop3A_222 : i32 to vector<16xi32>
        %parallel_loop3A_224 = arith.addi %parallel_loop3A_218, %parallel_loop3A_223 : vector<16xi32>
        %parallel_loop3A_225 = arith.select %parallel_loop3A_221, %parallel_loop3A_224, %parallel_loop3A_218 : vector<16xi1>, vector<16xi32>
        %parallel_loop3A_226 = vector.shape_cast %parallel_loop3A_225 : vector<16xi32> to vector<16x1xi32>
        %parallel_loop3A_227 = vector.shape_cast %parallel_loop3A_226 : vector<16x1xi32> to vector<16xi32>
        %parallel_loop3A_228 = tpu.dynamic_gather %parallel_loop3A_215[%parallel_loop3A_227] in [0] : vector<16xf32>, vector<16xi32> -> vector<16xf32>
        %parallel_loop3A_229 = arith.addf %parallel_loop3A_215, %parallel_loop3A_228 : vector<16xf32>
        %parallel_loop3A_230 = arith.constant 1 : i32
        %parallel_loop3A_231 = vector.broadcast %parallel_loop3A_230 : i32 to vector<16xi32>
        %parallel_loop3A_232 = arith.xori %parallel_loop3A_187, %parallel_loop3A_231 : vector<16xi32>
        %parallel_loop3A_233 = arith.constant 0 : i32
        %parallel_loop3A_234 = vector.broadcast %parallel_loop3A_233 : i32 to vector<16xi32>
        %parallel_loop3A_235 = arith.cmpi slt, %parallel_loop3A_232, %parallel_loop3A_234 : vector<16xi32>
        %parallel_loop3A_236 = arith.constant 16 : i32
        %parallel_loop3A_237 = vector.broadcast %parallel_loop3A_236 : i32 to vector<16xi32>
        %parallel_loop3A_238 = arith.addi %parallel_loop3A_232, %parallel_loop3A_237 : vector<16xi32>
        %parallel_loop3A_239 = arith.select %parallel_loop3A_235, %parallel_loop3A_238, %parallel_loop3A_232 : vector<16xi1>, vector<16xi32>
        %parallel_loop3A_240 = vector.shape_cast %parallel_loop3A_239 : vector<16xi32> to vector<16x1xi32>
        %parallel_loop3A_241 = vector.shape_cast %parallel_loop3A_240 : vector<16x1xi32> to vector<16xi32>
        %parallel_loop3A_242 = tpu.dynamic_gather %parallel_loop3A_229[%parallel_loop3A_241] in [0] : vector<16xf32>, vector<16xi32> -> vector<16xf32>
        %parallel_loop3A_243 = arith.addf %parallel_loop3A_229, %parallel_loop3A_242 : vector<16xf32>
        %parallel_loop3A_244 = arith.constant 0.00130208337 : f32
        %parallel_loop3A_245 = vector.broadcast %parallel_loop3A_244 : f32 to vector<16xf32>
        %parallel_loop3A_246 = arith.mulf %parallel_loop3A_243, %parallel_loop3A_245 : vector<16xf32>
        %parallel_loop3A_247 = tpu.iota {dimensions = array<i32: 0>} : vector<16xi32>
        %parallel_loop3A_248 = arith.constant 8 : i32
        %parallel_loop3A_249 = vector.broadcast %parallel_loop3A_248 : i32 to vector<16xi32>
        %parallel_loop3A_250 = arith.xori %parallel_loop3A_247, %parallel_loop3A_249 : vector<16xi32>
        %parallel_loop3A_251 = arith.constant 0 : i32
        %parallel_loop3A_252 = vector.broadcast %parallel_loop3A_251 : i32 to vector<16xi32>
        %parallel_loop3A_253 = arith.cmpi slt, %parallel_loop3A_250, %parallel_loop3A_252 : vector<16xi32>
        %parallel_loop3A_254 = arith.constant 16 : i32
        %parallel_loop3A_255 = vector.broadcast %parallel_loop3A_254 : i32 to vector<16xi32>
        %parallel_loop3A_256 = arith.addi %parallel_loop3A_250, %parallel_loop3A_255 : vector<16xi32>
        %parallel_loop3A_257 = arith.select %parallel_loop3A_253, %parallel_loop3A_256, %parallel_loop3A_250 : vector<16xi1>, vector<16xi32>
        %parallel_loop3A_258 = vector.shape_cast %parallel_loop3A_257 : vector<16xi32> to vector<16x1xi32>
        %parallel_loop3A_259 = vector.shape_cast %parallel_loop3A_258 : vector<16x1xi32> to vector<16xi32>
        %parallel_loop3A_260 = tpu.dynamic_gather %parallel_loop3A_186#1[%parallel_loop3A_259] in [0] : vector<16xf32>, vector<16xi32> -> vector<16xf32>
        %parallel_loop3A_261 = arith.addf %parallel_loop3A_186#1, %parallel_loop3A_260 : vector<16xf32>
        %parallel_loop3A_262 = arith.constant 4 : i32
        %parallel_loop3A_263 = vector.broadcast %parallel_loop3A_262 : i32 to vector<16xi32>
        %parallel_loop3A_264 = arith.xori %parallel_loop3A_247, %parallel_loop3A_263 : vector<16xi32>
        %parallel_loop3A_265 = arith.constant 0 : i32
        %parallel_loop3A_266 = vector.broadcast %parallel_loop3A_265 : i32 to vector<16xi32>
        %parallel_loop3A_267 = arith.cmpi slt, %parallel_loop3A_264, %parallel_loop3A_266 : vector<16xi32>
        %parallel_loop3A_268 = arith.constant 16 : i32
        %parallel_loop3A_269 = vector.broadcast %parallel_loop3A_268 : i32 to vector<16xi32>
        %parallel_loop3A_270 = arith.addi %parallel_loop3A_264, %parallel_loop3A_269 : vector<16xi32>
        %parallel_loop3A_271 = arith.select %parallel_loop3A_267, %parallel_loop3A_270, %parallel_loop3A_264 : vector<16xi1>, vector<16xi32>
        %parallel_loop3A_272 = vector.shape_cast %parallel_loop3A_271 : vector<16xi32> to vector<16x1xi32>
        %parallel_loop3A_273 = vector.shape_cast %parallel_loop3A_272 : vector<16x1xi32> to vector<16xi32>
        %parallel_loop3A_274 = tpu.dynamic_gather %parallel_loop3A_261[%parallel_loop3A_273] in [0] : vector<16xf32>, vector<16xi32> -> vector<16xf32>
        %parallel_loop3A_275 = arith.addf %parallel_loop3A_261, %parallel_loop3A_274 : vector<16xf32>
        %parallel_loop3A_276 = arith.constant 2 : i32
        %parallel_loop3A_277 = vector.broadcast %parallel_loop3A_276 : i32 to vector<16xi32>
        %parallel_loop3A_278 = arith.xori %parallel_loop3A_247, %parallel_loop3A_277 : vector<16xi32>
        %parallel_loop3A_279 = arith.constant 0 : i32
        %parallel_loop3A_280 = vector.broadcast %parallel_loop3A_279 : i32 to vector<16xi32>
        %parallel_loop3A_281 = arith.cmpi slt, %parallel_loop3A_278, %parallel_loop3A_280 : vector<16xi32>
        %parallel_loop3A_282 = arith.constant 16 : i32
        %parallel_loop3A_283 = vector.broadcast %parallel_loop3A_282 : i32 to vector<16xi32>
        %parallel_loop3A_284 = arith.addi %parallel_loop3A_278, %parallel_loop3A_283 : vector<16xi32>
        %parallel_loop3A_285 = arith.select %parallel_loop3A_281, %parallel_loop3A_284, %parallel_loop3A_278 : vector<16xi1>, vector<16xi32>
        %parallel_loop3A_286 = vector.shape_cast %parallel_loop3A_285 : vector<16xi32> to vector<16x1xi32>
        %parallel_loop3A_287 = vector.shape_cast %parallel_loop3A_286 : vector<16x1xi32> to vector<16xi32>
        %parallel_loop3A_288 = tpu.dynamic_gather %parallel_loop3A_275[%parallel_loop3A_287] in [0] : vector<16xf32>, vector<16xi32> -> vector<16xf32>
        %parallel_loop3A_289 = arith.addf %parallel_loop3A_275, %parallel_loop3A_288 : vector<16xf32>
        %parallel_loop3A_290 = arith.constant 1 : i32
        %parallel_loop3A_291 = vector.broadcast %parallel_loop3A_290 : i32 to vector<16xi32>
        %parallel_loop3A_292 = arith.xori %parallel_loop3A_247, %parallel_loop3A_291 : vector<16xi32>
        %parallel_loop3A_293 = arith.constant 0 : i32
        %parallel_loop3A_294 = vector.broadcast %parallel_loop3A_293 : i32 to vector<16xi32>
        %parallel_loop3A_295 = arith.cmpi slt, %parallel_loop3A_292, %parallel_loop3A_294 : vector<16xi32>
        %parallel_loop3A_296 = arith.constant 16 : i32
        %parallel_loop3A_297 = vector.broadcast %parallel_loop3A_296 : i32 to vector<16xi32>
        %parallel_loop3A_298 = arith.addi %parallel_loop3A_292, %parallel_loop3A_297 : vector<16xi32>
        %parallel_loop3A_299 = arith.select %parallel_loop3A_295, %parallel_loop3A_298, %parallel_loop3A_292 : vector<16xi1>, vector<16xi32>
        %parallel_loop3A_300 = vector.shape_cast %parallel_loop3A_299 : vector<16xi32> to vector<16x1xi32>
        %parallel_loop3A_301 = vector.shape_cast %parallel_loop3A_300 : vector<16x1xi32> to vector<16xi32>
        %parallel_loop3A_302 = tpu.dynamic_gather %parallel_loop3A_289[%parallel_loop3A_301] in [0] : vector<16xf32>, vector<16xi32> -> vector<16xf32>
        %parallel_loop3A_303 = arith.addf %parallel_loop3A_289, %parallel_loop3A_302 : vector<16xf32>
        %parallel_loop3A_304 = arith.constant 0.00130208337 : f32
        %parallel_loop3A_305 = vector.broadcast %parallel_loop3A_304 : f32 to vector<16xf32>
        %parallel_loop3A_306 = arith.mulf %parallel_loop3A_303, %parallel_loop3A_305 : vector<16xf32>
        %parallel_loop3A_307 = arith.mulf %parallel_loop3A_246, %parallel_loop3A_246 : vector<16xf32>
        %parallel_loop3A_308 = arith.subf %parallel_loop3A_306, %parallel_loop3A_307 : vector<16xf32>
        %parallel_loop3A_309 = arith.constant 9.99999996E-13 : f32
        %parallel_loop3A_310 = vector.broadcast %parallel_loop3A_309 : f32 to vector<16xf32>
        %parallel_loop3A_311 = arith.addf %parallel_loop3A_308, %parallel_loop3A_310 : vector<16xf32>
        %parallel_loop3A_312 = tpu.bitcast %parallel_loop3A_311 : vector<16xf32> -> vector<16xi32>
        %parallel_loop3A_313 = arith.constant 1 : i32
        %parallel_loop3A_314 = vector.broadcast %parallel_loop3A_313 : i32 to vector<16xi32>
        %parallel_loop3A_315 = arith.shrui %parallel_loop3A_312, %parallel_loop3A_314 : vector<16xi32>
        %parallel_loop3A_316 = arith.constant 1597463007 : i32
        %parallel_loop3A_317 = vector.broadcast %parallel_loop3A_316 : i32 to vector<16xi32>
        %parallel_loop3A_318 = arith.subi %parallel_loop3A_317, %parallel_loop3A_315 : vector<16xi32>
        %parallel_loop3A_319 = tpu.bitcast %parallel_loop3A_318 : vector<16xi32> -> vector<16xf32>
        %parallel_loop3A_320 = arith.constant 5.000000e-01 : f32
        %parallel_loop3A_321 = vector.broadcast %parallel_loop3A_320 : f32 to vector<16xf32>
        %parallel_loop3A_322 = arith.mulf %parallel_loop3A_321, %parallel_loop3A_311 : vector<16xf32>
        %parallel_loop3A_323 = arith.mulf %parallel_loop3A_322, %parallel_loop3A_319 : vector<16xf32>
        %parallel_loop3A_324 = arith.mulf %parallel_loop3A_323, %parallel_loop3A_319 : vector<16xf32>
        %parallel_loop3A_325 = arith.constant 1.500000e+00 : f32
        %parallel_loop3A_326 = vector.broadcast %parallel_loop3A_325 : f32 to vector<16xf32>
        %parallel_loop3A_327 = arith.subf %parallel_loop3A_326, %parallel_loop3A_324 : vector<16xf32>
        %parallel_loop3A_328 = arith.mulf %parallel_loop3A_319, %parallel_loop3A_327 : vector<16xf32>
        %parallel_loop3A_329 = arith.constant 5.000000e-01 : f32
        %parallel_loop3A_330 = vector.broadcast %parallel_loop3A_329 : f32 to vector<16xf32>
        %parallel_loop3A_331 = arith.mulf %parallel_loop3A_330, %parallel_loop3A_311 : vector<16xf32>
        %parallel_loop3A_332 = arith.mulf %parallel_loop3A_331, %parallel_loop3A_328 : vector<16xf32>
        %parallel_loop3A_333 = arith.mulf %parallel_loop3A_332, %parallel_loop3A_328 : vector<16xf32>
        %parallel_loop3A_334 = arith.constant 1.500000e+00 : f32
        %parallel_loop3A_335 = vector.broadcast %parallel_loop3A_334 : f32 to vector<16xf32>
        %parallel_loop3A_336 = arith.subf %parallel_loop3A_335, %parallel_loop3A_333 : vector<16xf32>
        %parallel_loop3A_337 = arith.mulf %parallel_loop3A_328, %parallel_loop3A_336 : vector<16xf32>
        %parallel_loop3A_338 = arith.constant 5.000000e-01 : f32
        %parallel_loop3A_339 = vector.broadcast %parallel_loop3A_338 : f32 to vector<16xf32>
        %parallel_loop3A_340 = arith.mulf %parallel_loop3A_339, %parallel_loop3A_311 : vector<16xf32>
        %parallel_loop3A_341 = arith.mulf %parallel_loop3A_340, %parallel_loop3A_337 : vector<16xf32>
        %parallel_loop3A_342 = arith.mulf %parallel_loop3A_341, %parallel_loop3A_337 : vector<16xf32>
        %parallel_loop3A_343 = arith.constant 1.500000e+00 : f32
        %parallel_loop3A_344 = vector.broadcast %parallel_loop3A_343 : f32 to vector<16xf32>
        %parallel_loop3A_345 = arith.subf %parallel_loop3A_344, %parallel_loop3A_342 : vector<16xf32>
        %parallel_loop3A_346 = arith.mulf %parallel_loop3A_337, %parallel_loop3A_345 : vector<16xf32>
        %parallel_loop3A_347 = tpu.iota {dimensions = array<i32: 0>} : vector<16xi32>
        %parallel_loop3A_348 = arith.constant 8 : i32
        %parallel_loop3A_349 = vector.broadcast %parallel_loop3A_348 : i32 to vector<16xi32>
        %parallel_loop3A_350 = arith.xori %parallel_loop3A_347, %parallel_loop3A_349 : vector<16xi32>
        %parallel_loop3A_351 = arith.constant 0 : i32
        %parallel_loop3A_352 = vector.broadcast %parallel_loop3A_351 : i32 to vector<16xi32>
        %parallel_loop3A_353 = arith.cmpi slt, %parallel_loop3A_350, %parallel_loop3A_352 : vector<16xi32>
        %parallel_loop3A_354 = arith.constant 16 : i32
        %parallel_loop3A_355 = vector.broadcast %parallel_loop3A_354 : i32 to vector<16xi32>
        %parallel_loop3A_356 = arith.addi %parallel_loop3A_350, %parallel_loop3A_355 : vector<16xi32>
        %parallel_loop3A_357 = arith.select %parallel_loop3A_353, %parallel_loop3A_356, %parallel_loop3A_350 : vector<16xi1>, vector<16xi32>
        %parallel_loop3A_358 = vector.shape_cast %parallel_loop3A_357 : vector<16xi32> to vector<16x1xi32>
        %parallel_loop3A_359 = vector.shape_cast %parallel_loop3A_358 : vector<16x1xi32> to vector<16xi32>
        %parallel_loop3A_360 = tpu.dynamic_gather %parallel_loop3A_186#2[%parallel_loop3A_359] in [0] : vector<16xf32>, vector<16xi32> -> vector<16xf32>
        %parallel_loop3A_361 = arith.addf %parallel_loop3A_186#2, %parallel_loop3A_360 : vector<16xf32>
        %parallel_loop3A_362 = arith.constant 4 : i32
        %parallel_loop3A_363 = vector.broadcast %parallel_loop3A_362 : i32 to vector<16xi32>
        %parallel_loop3A_364 = arith.xori %parallel_loop3A_347, %parallel_loop3A_363 : vector<16xi32>
        %parallel_loop3A_365 = arith.constant 0 : i32
        %parallel_loop3A_366 = vector.broadcast %parallel_loop3A_365 : i32 to vector<16xi32>
        %parallel_loop3A_367 = arith.cmpi slt, %parallel_loop3A_364, %parallel_loop3A_366 : vector<16xi32>
        %parallel_loop3A_368 = arith.constant 16 : i32
        %parallel_loop3A_369 = vector.broadcast %parallel_loop3A_368 : i32 to vector<16xi32>
        %parallel_loop3A_370 = arith.addi %parallel_loop3A_364, %parallel_loop3A_369 : vector<16xi32>
        %parallel_loop3A_371 = arith.select %parallel_loop3A_367, %parallel_loop3A_370, %parallel_loop3A_364 : vector<16xi1>, vector<16xi32>
        %parallel_loop3A_372 = vector.shape_cast %parallel_loop3A_371 : vector<16xi32> to vector<16x1xi32>
        %parallel_loop3A_373 = vector.shape_cast %parallel_loop3A_372 : vector<16x1xi32> to vector<16xi32>
        %parallel_loop3A_374 = tpu.dynamic_gather %parallel_loop3A_361[%parallel_loop3A_373] in [0] : vector<16xf32>, vector<16xi32> -> vector<16xf32>
        %parallel_loop3A_375 = arith.addf %parallel_loop3A_361, %parallel_loop3A_374 : vector<16xf32>
        %parallel_loop3A_376 = arith.constant 2 : i32
        %parallel_loop3A_377 = vector.broadcast %parallel_loop3A_376 : i32 to vector<16xi32>
        %parallel_loop3A_378 = arith.xori %parallel_loop3A_347, %parallel_loop3A_377 : vector<16xi32>
        %parallel_loop3A_379 = arith.constant 0 : i32
        %parallel_loop3A_380 = vector.broadcast %parallel_loop3A_379 : i32 to vector<16xi32>
        %parallel_loop3A_381 = arith.cmpi slt, %parallel_loop3A_378, %parallel_loop3A_380 : vector<16xi32>
        %parallel_loop3A_382 = arith.constant 16 : i32
        %parallel_loop3A_383 = vector.broadcast %parallel_loop3A_382 : i32 to vector<16xi32>
        %parallel_loop3A_384 = arith.addi %parallel_loop3A_378, %parallel_loop3A_383 : vector<16xi32>
        %parallel_loop3A_385 = arith.select %parallel_loop3A_381, %parallel_loop3A_384, %parallel_loop3A_378 : vector<16xi1>, vector<16xi32>
        %parallel_loop3A_386 = vector.shape_cast %parallel_loop3A_385 : vector<16xi32> to vector<16x1xi32>
        %parallel_loop3A_387 = vector.shape_cast %parallel_loop3A_386 : vector<16x1xi32> to vector<16xi32>
        %parallel_loop3A_388 = tpu.dynamic_gather %parallel_loop3A_375[%parallel_loop3A_387] in [0] : vector<16xf32>, vector<16xi32> -> vector<16xf32>
        %parallel_loop3A_389 = arith.addf %parallel_loop3A_375, %parallel_loop3A_388 : vector<16xf32>
        %parallel_loop3A_390 = arith.constant 1 : i32
        %parallel_loop3A_391 = vector.broadcast %parallel_loop3A_390 : i32 to vector<16xi32>
        %parallel_loop3A_392 = arith.xori %parallel_loop3A_347, %parallel_loop3A_391 : vector<16xi32>
        %parallel_loop3A_393 = arith.constant 0 : i32
        %parallel_loop3A_394 = vector.broadcast %parallel_loop3A_393 : i32 to vector<16xi32>
        %parallel_loop3A_395 = arith.cmpi slt, %parallel_loop3A_392, %parallel_loop3A_394 : vector<16xi32>
        %parallel_loop3A_396 = arith.constant 16 : i32
        %parallel_loop3A_397 = vector.broadcast %parallel_loop3A_396 : i32 to vector<16xi32>
        %parallel_loop3A_398 = arith.addi %parallel_loop3A_392, %parallel_loop3A_397 : vector<16xi32>
        %parallel_loop3A_399 = arith.select %parallel_loop3A_395, %parallel_loop3A_398, %parallel_loop3A_392 : vector<16xi1>, vector<16xi32>
        %parallel_loop3A_400 = vector.shape_cast %parallel_loop3A_399 : vector<16xi32> to vector<16x1xi32>
        %parallel_loop3A_401 = vector.shape_cast %parallel_loop3A_400 : vector<16x1xi32> to vector<16xi32>
        %parallel_loop3A_402 = tpu.dynamic_gather %parallel_loop3A_389[%parallel_loop3A_401] in [0] : vector<16xf32>, vector<16xi32> -> vector<16xf32>
        %parallel_loop3A_403 = arith.addf %parallel_loop3A_389, %parallel_loop3A_402 : vector<16xf32>
        %parallel_loop3A_404 = arith.constant 0.00130208337 : f32
        %parallel_loop3A_405 = vector.broadcast %parallel_loop3A_404 : f32 to vector<16xf32>
        %parallel_loop3A_406 = arith.mulf %parallel_loop3A_403, %parallel_loop3A_405 : vector<16xf32>
        %parallel_loop3A_407 = tpu.iota {dimensions = array<i32: 0>} : vector<16xi32>
        %parallel_loop3A_408 = arith.constant 8 : i32
        %parallel_loop3A_409 = vector.broadcast %parallel_loop3A_408 : i32 to vector<16xi32>
        %parallel_loop3A_410 = arith.xori %parallel_loop3A_407, %parallel_loop3A_409 : vector<16xi32>
        %parallel_loop3A_411 = arith.constant 0 : i32
        %parallel_loop3A_412 = vector.broadcast %parallel_loop3A_411 : i32 to vector<16xi32>
        %parallel_loop3A_413 = arith.cmpi slt, %parallel_loop3A_410, %parallel_loop3A_412 : vector<16xi32>
        %parallel_loop3A_414 = arith.constant 16 : i32
        %parallel_loop3A_415 = vector.broadcast %parallel_loop3A_414 : i32 to vector<16xi32>
        %parallel_loop3A_416 = arith.addi %parallel_loop3A_410, %parallel_loop3A_415 : vector<16xi32>
        %parallel_loop3A_417 = arith.select %parallel_loop3A_413, %parallel_loop3A_416, %parallel_loop3A_410 : vector<16xi1>, vector<16xi32>
        %parallel_loop3A_418 = vector.shape_cast %parallel_loop3A_417 : vector<16xi32> to vector<16x1xi32>
        %parallel_loop3A_419 = vector.shape_cast %parallel_loop3A_418 : vector<16x1xi32> to vector<16xi32>
        %parallel_loop3A_420 = tpu.dynamic_gather %parallel_loop3A_186#3[%parallel_loop3A_419] in [0] : vector<16xf32>, vector<16xi32> -> vector<16xf32>
        %parallel_loop3A_421 = arith.addf %parallel_loop3A_186#3, %parallel_loop3A_420 : vector<16xf32>
        %parallel_loop3A_422 = arith.constant 4 : i32
        %parallel_loop3A_423 = vector.broadcast %parallel_loop3A_422 : i32 to vector<16xi32>
        %parallel_loop3A_424 = arith.xori %parallel_loop3A_407, %parallel_loop3A_423 : vector<16xi32>
        %parallel_loop3A_425 = arith.constant 0 : i32
        %parallel_loop3A_426 = vector.broadcast %parallel_loop3A_425 : i32 to vector<16xi32>
        %parallel_loop3A_427 = arith.cmpi slt, %parallel_loop3A_424, %parallel_loop3A_426 : vector<16xi32>
        %parallel_loop3A_428 = arith.constant 16 : i32
        %parallel_loop3A_429 = vector.broadcast %parallel_loop3A_428 : i32 to vector<16xi32>
        %parallel_loop3A_430 = arith.addi %parallel_loop3A_424, %parallel_loop3A_429 : vector<16xi32>
        %parallel_loop3A_431 = arith.select %parallel_loop3A_427, %parallel_loop3A_430, %parallel_loop3A_424 : vector<16xi1>, vector<16xi32>
        %parallel_loop3A_432 = vector.shape_cast %parallel_loop3A_431 : vector<16xi32> to vector<16x1xi32>
        %parallel_loop3A_433 = vector.shape_cast %parallel_loop3A_432 : vector<16x1xi32> to vector<16xi32>
        %parallel_loop3A_434 = tpu.dynamic_gather %parallel_loop3A_421[%parallel_loop3A_433] in [0] : vector<16xf32>, vector<16xi32> -> vector<16xf32>
        %parallel_loop3A_435 = arith.addf %parallel_loop3A_421, %parallel_loop3A_434 : vector<16xf32>
        %parallel_loop3A_436 = arith.constant 2 : i32
        %parallel_loop3A_437 = vector.broadcast %parallel_loop3A_436 : i32 to vector<16xi32>
        %parallel_loop3A_438 = arith.xori %parallel_loop3A_407, %parallel_loop3A_437 : vector<16xi32>
        %parallel_loop3A_439 = arith.constant 0 : i32
        %parallel_loop3A_440 = vector.broadcast %parallel_loop3A_439 : i32 to vector<16xi32>
        %parallel_loop3A_441 = arith.cmpi slt, %parallel_loop3A_438, %parallel_loop3A_440 : vector<16xi32>
        %parallel_loop3A_442 = arith.constant 16 : i32
        %parallel_loop3A_443 = vector.broadcast %parallel_loop3A_442 : i32 to vector<16xi32>
        %parallel_loop3A_444 = arith.addi %parallel_loop3A_438, %parallel_loop3A_443 : vector<16xi32>
        %parallel_loop3A_445 = arith.select %parallel_loop3A_441, %parallel_loop3A_444, %parallel_loop3A_438 : vector<16xi1>, vector<16xi32>
        %parallel_loop3A_446 = vector.shape_cast %parallel_loop3A_445 : vector<16xi32> to vector<16x1xi32>
        %parallel_loop3A_447 = vector.shape_cast %parallel_loop3A_446 : vector<16x1xi32> to vector<16xi32>
        %parallel_loop3A_448 = tpu.dynamic_gather %parallel_loop3A_435[%parallel_loop3A_447] in [0] : vector<16xf32>, vector<16xi32> -> vector<16xf32>
        %parallel_loop3A_449 = arith.addf %parallel_loop3A_435, %parallel_loop3A_448 : vector<16xf32>
        %parallel_loop3A_450 = arith.constant 1 : i32
        %parallel_loop3A_451 = vector.broadcast %parallel_loop3A_450 : i32 to vector<16xi32>
        %parallel_loop3A_452 = arith.xori %parallel_loop3A_407, %parallel_loop3A_451 : vector<16xi32>
        %parallel_loop3A_453 = arith.constant 0 : i32
        %parallel_loop3A_454 = vector.broadcast %parallel_loop3A_453 : i32 to vector<16xi32>
        %parallel_loop3A_455 = arith.cmpi slt, %parallel_loop3A_452, %parallel_loop3A_454 : vector<16xi32>
        %parallel_loop3A_456 = arith.constant 16 : i32
        %parallel_loop3A_457 = vector.broadcast %parallel_loop3A_456 : i32 to vector<16xi32>
        %parallel_loop3A_458 = arith.addi %parallel_loop3A_452, %parallel_loop3A_457 : vector<16xi32>
        %parallel_loop3A_459 = arith.select %parallel_loop3A_455, %parallel_loop3A_458, %parallel_loop3A_452 : vector<16xi1>, vector<16xi32>
        %parallel_loop3A_460 = vector.shape_cast %parallel_loop3A_459 : vector<16xi32> to vector<16x1xi32>
        %parallel_loop3A_461 = vector.shape_cast %parallel_loop3A_460 : vector<16x1xi32> to vector<16xi32>
        %parallel_loop3A_462 = tpu.dynamic_gather %parallel_loop3A_449[%parallel_loop3A_461] in [0] : vector<16xf32>, vector<16xi32> -> vector<16xf32>
        %parallel_loop3A_463 = arith.addf %parallel_loop3A_449, %parallel_loop3A_462 : vector<16xf32>
        %parallel_loop3A_464 = arith.constant 0.00130208337 : f32
        %parallel_loop3A_465 = vector.broadcast %parallel_loop3A_464 : f32 to vector<16xf32>
        %parallel_loop3A_466 = arith.mulf %parallel_loop3A_463, %parallel_loop3A_465 : vector<16xf32>
        %parallel_loop3A_467 = arith.mulf %parallel_loop3A_406, %parallel_loop3A_406 : vector<16xf32>
        %parallel_loop3A_468 = arith.subf %parallel_loop3A_466, %parallel_loop3A_467 : vector<16xf32>
        %parallel_loop3A_469 = arith.constant 9.99999996E-13 : f32
        %parallel_loop3A_470 = vector.broadcast %parallel_loop3A_469 : f32 to vector<16xf32>
        %parallel_loop3A_471 = arith.addf %parallel_loop3A_468, %parallel_loop3A_470 : vector<16xf32>
        %parallel_loop3A_472 = tpu.bitcast %parallel_loop3A_471 : vector<16xf32> -> vector<16xi32>
        %parallel_loop3A_473 = arith.constant 1 : i32
        %parallel_loop3A_474 = vector.broadcast %parallel_loop3A_473 : i32 to vector<16xi32>
        %parallel_loop3A_475 = arith.shrui %parallel_loop3A_472, %parallel_loop3A_474 : vector<16xi32>
        %parallel_loop3A_476 = arith.constant 1597463007 : i32
        %parallel_loop3A_477 = vector.broadcast %parallel_loop3A_476 : i32 to vector<16xi32>
        %parallel_loop3A_478 = arith.subi %parallel_loop3A_477, %parallel_loop3A_475 : vector<16xi32>
        %parallel_loop3A_479 = tpu.bitcast %parallel_loop3A_478 : vector<16xi32> -> vector<16xf32>
        %parallel_loop3A_480 = arith.constant 5.000000e-01 : f32
        %parallel_loop3A_481 = vector.broadcast %parallel_loop3A_480 : f32 to vector<16xf32>
        %parallel_loop3A_482 = arith.mulf %parallel_loop3A_481, %parallel_loop3A_471 : vector<16xf32>
        %parallel_loop3A_483 = arith.mulf %parallel_loop3A_482, %parallel_loop3A_479 : vector<16xf32>
        %parallel_loop3A_484 = arith.mulf %parallel_loop3A_483, %parallel_loop3A_479 : vector<16xf32>
        %parallel_loop3A_485 = arith.constant 1.500000e+00 : f32
        %parallel_loop3A_486 = vector.broadcast %parallel_loop3A_485 : f32 to vector<16xf32>
        %parallel_loop3A_487 = arith.subf %parallel_loop3A_486, %parallel_loop3A_484 : vector<16xf32>
        %parallel_loop3A_488 = arith.mulf %parallel_loop3A_479, %parallel_loop3A_487 : vector<16xf32>
        %parallel_loop3A_489 = arith.constant 5.000000e-01 : f32
        %parallel_loop3A_490 = vector.broadcast %parallel_loop3A_489 : f32 to vector<16xf32>
        %parallel_loop3A_491 = arith.mulf %parallel_loop3A_490, %parallel_loop3A_471 : vector<16xf32>
        %parallel_loop3A_492 = arith.mulf %parallel_loop3A_491, %parallel_loop3A_488 : vector<16xf32>
        %parallel_loop3A_493 = arith.mulf %parallel_loop3A_492, %parallel_loop3A_488 : vector<16xf32>
        %parallel_loop3A_494 = arith.constant 1.500000e+00 : f32
        %parallel_loop3A_495 = vector.broadcast %parallel_loop3A_494 : f32 to vector<16xf32>
        %parallel_loop3A_496 = arith.subf %parallel_loop3A_495, %parallel_loop3A_493 : vector<16xf32>
        %parallel_loop3A_497 = arith.mulf %parallel_loop3A_488, %parallel_loop3A_496 : vector<16xf32>
        %parallel_loop3A_498 = arith.constant 5.000000e-01 : f32
        %parallel_loop3A_499 = vector.broadcast %parallel_loop3A_498 : f32 to vector<16xf32>
        %parallel_loop3A_500 = arith.mulf %parallel_loop3A_499, %parallel_loop3A_471 : vector<16xf32>
        %parallel_loop3A_501 = arith.mulf %parallel_loop3A_500, %parallel_loop3A_497 : vector<16xf32>
        %parallel_loop3A_502 = arith.mulf %parallel_loop3A_501, %parallel_loop3A_497 : vector<16xf32>
        %parallel_loop3A_503 = arith.constant 1.500000e+00 : f32
        %parallel_loop3A_504 = vector.broadcast %parallel_loop3A_503 : f32 to vector<16xf32>
        %parallel_loop3A_505 = arith.subf %parallel_loop3A_504, %parallel_loop3A_502 : vector<16xf32>
        %parallel_loop3A_506 = arith.mulf %parallel_loop3A_497, %parallel_loop3A_505 : vector<16xf32>
        %parallel_loop3A_507 = tpu.iota {dimensions = array<i32: 0>} : vector<16xi32>
        %parallel_loop3A_508 = arith.constant 8 : i32
        %parallel_loop3A_509 = vector.broadcast %parallel_loop3A_508 : i32 to vector<16xi32>
        %parallel_loop3A_510 = arith.xori %parallel_loop3A_507, %parallel_loop3A_509 : vector<16xi32>
        %parallel_loop3A_511 = arith.constant 0 : i32
        %parallel_loop3A_512 = vector.broadcast %parallel_loop3A_511 : i32 to vector<16xi32>
        %parallel_loop3A_513 = arith.cmpi slt, %parallel_loop3A_510, %parallel_loop3A_512 : vector<16xi32>
        %parallel_loop3A_514 = arith.constant 16 : i32
        %parallel_loop3A_515 = vector.broadcast %parallel_loop3A_514 : i32 to vector<16xi32>
        %parallel_loop3A_516 = arith.addi %parallel_loop3A_510, %parallel_loop3A_515 : vector<16xi32>
        %parallel_loop3A_517 = arith.select %parallel_loop3A_513, %parallel_loop3A_516, %parallel_loop3A_510 : vector<16xi1>, vector<16xi32>
        %parallel_loop3A_518 = vector.shape_cast %parallel_loop3A_517 : vector<16xi32> to vector<16x1xi32>
        %parallel_loop3A_519 = vector.shape_cast %parallel_loop3A_518 : vector<16x1xi32> to vector<16xi32>
        %parallel_loop3A_520 = tpu.dynamic_gather %parallel_loop3A_186#4[%parallel_loop3A_519] in [0] : vector<16xf32>, vector<16xi32> -> vector<16xf32>
        %parallel_loop3A_521 = arith.addf %parallel_loop3A_186#4, %parallel_loop3A_520 : vector<16xf32>
        %parallel_loop3A_522 = arith.constant 4 : i32
        %parallel_loop3A_523 = vector.broadcast %parallel_loop3A_522 : i32 to vector<16xi32>
        %parallel_loop3A_524 = arith.xori %parallel_loop3A_507, %parallel_loop3A_523 : vector<16xi32>
        %parallel_loop3A_525 = arith.constant 0 : i32
        %parallel_loop3A_526 = vector.broadcast %parallel_loop3A_525 : i32 to vector<16xi32>
        %parallel_loop3A_527 = arith.cmpi slt, %parallel_loop3A_524, %parallel_loop3A_526 : vector<16xi32>
        %parallel_loop3A_528 = arith.constant 16 : i32
        %parallel_loop3A_529 = vector.broadcast %parallel_loop3A_528 : i32 to vector<16xi32>
        %parallel_loop3A_530 = arith.addi %parallel_loop3A_524, %parallel_loop3A_529 : vector<16xi32>
        %parallel_loop3A_531 = arith.select %parallel_loop3A_527, %parallel_loop3A_530, %parallel_loop3A_524 : vector<16xi1>, vector<16xi32>
        %parallel_loop3A_532 = vector.shape_cast %parallel_loop3A_531 : vector<16xi32> to vector<16x1xi32>
        %parallel_loop3A_533 = vector.shape_cast %parallel_loop3A_532 : vector<16x1xi32> to vector<16xi32>
        %parallel_loop3A_534 = tpu.dynamic_gather %parallel_loop3A_521[%parallel_loop3A_533] in [0] : vector<16xf32>, vector<16xi32> -> vector<16xf32>
        %parallel_loop3A_535 = arith.addf %parallel_loop3A_521, %parallel_loop3A_534 : vector<16xf32>
        %parallel_loop3A_536 = arith.constant 2 : i32
        %parallel_loop3A_537 = vector.broadcast %parallel_loop3A_536 : i32 to vector<16xi32>
        %parallel_loop3A_538 = arith.xori %parallel_loop3A_507, %parallel_loop3A_537 : vector<16xi32>
        %parallel_loop3A_539 = arith.constant 0 : i32
        %parallel_loop3A_540 = vector.broadcast %parallel_loop3A_539 : i32 to vector<16xi32>
        %parallel_loop3A_541 = arith.cmpi slt, %parallel_loop3A_538, %parallel_loop3A_540 : vector<16xi32>
        %parallel_loop3A_542 = arith.constant 16 : i32
        %parallel_loop3A_543 = vector.broadcast %parallel_loop3A_542 : i32 to vector<16xi32>
        %parallel_loop3A_544 = arith.addi %parallel_loop3A_538, %parallel_loop3A_543 : vector<16xi32>
        %parallel_loop3A_545 = arith.select %parallel_loop3A_541, %parallel_loop3A_544, %parallel_loop3A_538 : vector<16xi1>, vector<16xi32>
        %parallel_loop3A_546 = vector.shape_cast %parallel_loop3A_545 : vector<16xi32> to vector<16x1xi32>
        %parallel_loop3A_547 = vector.shape_cast %parallel_loop3A_546 : vector<16x1xi32> to vector<16xi32>
        %parallel_loop3A_548 = tpu.dynamic_gather %parallel_loop3A_535[%parallel_loop3A_547] in [0] : vector<16xf32>, vector<16xi32> -> vector<16xf32>
        %parallel_loop3A_549 = arith.addf %parallel_loop3A_535, %parallel_loop3A_548 : vector<16xf32>
        %parallel_loop3A_550 = arith.constant 1 : i32
        %parallel_loop3A_551 = vector.broadcast %parallel_loop3A_550 : i32 to vector<16xi32>
        %parallel_loop3A_552 = arith.xori %parallel_loop3A_507, %parallel_loop3A_551 : vector<16xi32>
        %parallel_loop3A_553 = arith.constant 0 : i32
        %parallel_loop3A_554 = vector.broadcast %parallel_loop3A_553 : i32 to vector<16xi32>
        %parallel_loop3A_555 = arith.cmpi slt, %parallel_loop3A_552, %parallel_loop3A_554 : vector<16xi32>
        %parallel_loop3A_556 = arith.constant 16 : i32
        %parallel_loop3A_557 = vector.broadcast %parallel_loop3A_556 : i32 to vector<16xi32>
        %parallel_loop3A_558 = arith.addi %parallel_loop3A_552, %parallel_loop3A_557 : vector<16xi32>
        %parallel_loop3A_559 = arith.select %parallel_loop3A_555, %parallel_loop3A_558, %parallel_loop3A_552 : vector<16xi1>, vector<16xi32>
        %parallel_loop3A_560 = vector.shape_cast %parallel_loop3A_559 : vector<16xi32> to vector<16x1xi32>
        %parallel_loop3A_561 = vector.shape_cast %parallel_loop3A_560 : vector<16x1xi32> to vector<16xi32>
        %parallel_loop3A_562 = tpu.dynamic_gather %parallel_loop3A_549[%parallel_loop3A_561] in [0] : vector<16xf32>, vector<16xi32> -> vector<16xf32>
        %parallel_loop3A_563 = arith.addf %parallel_loop3A_549, %parallel_loop3A_562 : vector<16xf32>
        %parallel_loop3A_564 = arith.constant 0.00130208337 : f32
        %parallel_loop3A_565 = vector.broadcast %parallel_loop3A_564 : f32 to vector<16xf32>
        %parallel_loop3A_566 = arith.mulf %parallel_loop3A_563, %parallel_loop3A_565 : vector<16xf32>
        %parallel_loop3A_567 = tpu.iota {dimensions = array<i32: 0>} : vector<16xi32>
        %parallel_loop3A_568 = arith.constant 8 : i32
        %parallel_loop3A_569 = vector.broadcast %parallel_loop3A_568 : i32 to vector<16xi32>
        %parallel_loop3A_570 = arith.xori %parallel_loop3A_567, %parallel_loop3A_569 : vector<16xi32>
        %parallel_loop3A_571 = arith.constant 0 : i32
        %parallel_loop3A_572 = vector.broadcast %parallel_loop3A_571 : i32 to vector<16xi32>
        %parallel_loop3A_573 = arith.cmpi slt, %parallel_loop3A_570, %parallel_loop3A_572 : vector<16xi32>
        %parallel_loop3A_574 = arith.constant 16 : i32
        %parallel_loop3A_575 = vector.broadcast %parallel_loop3A_574 : i32 to vector<16xi32>
        %parallel_loop3A_576 = arith.addi %parallel_loop3A_570, %parallel_loop3A_575 : vector<16xi32>
        %parallel_loop3A_577 = arith.select %parallel_loop3A_573, %parallel_loop3A_576, %parallel_loop3A_570 : vector<16xi1>, vector<16xi32>
        %parallel_loop3A_578 = vector.shape_cast %parallel_loop3A_577 : vector<16xi32> to vector<16x1xi32>
        %parallel_loop3A_579 = vector.shape_cast %parallel_loop3A_578 : vector<16x1xi32> to vector<16xi32>
        %parallel_loop3A_580 = tpu.dynamic_gather %parallel_loop3A_186#5[%parallel_loop3A_579] in [0] : vector<16xf32>, vector<16xi32> -> vector<16xf32>
        %parallel_loop3A_581 = arith.addf %parallel_loop3A_186#5, %parallel_loop3A_580 : vector<16xf32>
        %parallel_loop3A_582 = arith.constant 4 : i32
        %parallel_loop3A_583 = vector.broadcast %parallel_loop3A_582 : i32 to vector<16xi32>
        %parallel_loop3A_584 = arith.xori %parallel_loop3A_567, %parallel_loop3A_583 : vector<16xi32>
        %parallel_loop3A_585 = arith.constant 0 : i32
        %parallel_loop3A_586 = vector.broadcast %parallel_loop3A_585 : i32 to vector<16xi32>
        %parallel_loop3A_587 = arith.cmpi slt, %parallel_loop3A_584, %parallel_loop3A_586 : vector<16xi32>
        %parallel_loop3A_588 = arith.constant 16 : i32
        %parallel_loop3A_589 = vector.broadcast %parallel_loop3A_588 : i32 to vector<16xi32>
        %parallel_loop3A_590 = arith.addi %parallel_loop3A_584, %parallel_loop3A_589 : vector<16xi32>
        %parallel_loop3A_591 = arith.select %parallel_loop3A_587, %parallel_loop3A_590, %parallel_loop3A_584 : vector<16xi1>, vector<16xi32>
        %parallel_loop3A_592 = vector.shape_cast %parallel_loop3A_591 : vector<16xi32> to vector<16x1xi32>
        %parallel_loop3A_593 = vector.shape_cast %parallel_loop3A_592 : vector<16x1xi32> to vector<16xi32>
        %parallel_loop3A_594 = tpu.dynamic_gather %parallel_loop3A_581[%parallel_loop3A_593] in [0] : vector<16xf32>, vector<16xi32> -> vector<16xf32>
        %parallel_loop3A_595 = arith.addf %parallel_loop3A_581, %parallel_loop3A_594 : vector<16xf32>
        %parallel_loop3A_596 = arith.constant 2 : i32
        %parallel_loop3A_597 = vector.broadcast %parallel_loop3A_596 : i32 to vector<16xi32>
        %parallel_loop3A_598 = arith.xori %parallel_loop3A_567, %parallel_loop3A_597 : vector<16xi32>
        %parallel_loop3A_599 = arith.constant 0 : i32
        %parallel_loop3A_600 = vector.broadcast %parallel_loop3A_599 : i32 to vector<16xi32>
        %parallel_loop3A_601 = arith.cmpi slt, %parallel_loop3A_598, %parallel_loop3A_600 : vector<16xi32>
        %parallel_loop3A_602 = arith.constant 16 : i32
        %parallel_loop3A_603 = vector.broadcast %parallel_loop3A_602 : i32 to vector<16xi32>
        %parallel_loop3A_604 = arith.addi %parallel_loop3A_598, %parallel_loop3A_603 : vector<16xi32>
        %parallel_loop3A_605 = arith.select %parallel_loop3A_601, %parallel_loop3A_604, %parallel_loop3A_598 : vector<16xi1>, vector<16xi32>
        %parallel_loop3A_606 = vector.shape_cast %parallel_loop3A_605 : vector<16xi32> to vector<16x1xi32>
        %parallel_loop3A_607 = vector.shape_cast %parallel_loop3A_606 : vector<16x1xi32> to vector<16xi32>
        %parallel_loop3A_608 = tpu.dynamic_gather %parallel_loop3A_595[%parallel_loop3A_607] in [0] : vector<16xf32>, vector<16xi32> -> vector<16xf32>
        %parallel_loop3A_609 = arith.addf %parallel_loop3A_595, %parallel_loop3A_608 : vector<16xf32>
        %parallel_loop3A_610 = arith.constant 1 : i32
        %parallel_loop3A_611 = vector.broadcast %parallel_loop3A_610 : i32 to vector<16xi32>
        %parallel_loop3A_612 = arith.xori %parallel_loop3A_567, %parallel_loop3A_611 : vector<16xi32>
        %parallel_loop3A_613 = arith.constant 0 : i32
        %parallel_loop3A_614 = vector.broadcast %parallel_loop3A_613 : i32 to vector<16xi32>
        %parallel_loop3A_615 = arith.cmpi slt, %parallel_loop3A_612, %parallel_loop3A_614 : vector<16xi32>
        %parallel_loop3A_616 = arith.constant 16 : i32
        %parallel_loop3A_617 = vector.broadcast %parallel_loop3A_616 : i32 to vector<16xi32>
        %parallel_loop3A_618 = arith.addi %parallel_loop3A_612, %parallel_loop3A_617 : vector<16xi32>
        %parallel_loop3A_619 = arith.select %parallel_loop3A_615, %parallel_loop3A_618, %parallel_loop3A_612 : vector<16xi1>, vector<16xi32>
        %parallel_loop3A_620 = vector.shape_cast %parallel_loop3A_619 : vector<16xi32> to vector<16x1xi32>
        %parallel_loop3A_621 = vector.shape_cast %parallel_loop3A_620 : vector<16x1xi32> to vector<16xi32>
        %parallel_loop3A_622 = tpu.dynamic_gather %parallel_loop3A_609[%parallel_loop3A_621] in [0] : vector<16xf32>, vector<16xi32> -> vector<16xf32>
        %parallel_loop3A_623 = arith.addf %parallel_loop3A_609, %parallel_loop3A_622 : vector<16xf32>
        %parallel_loop3A_624 = arith.constant 0.00130208337 : f32
        %parallel_loop3A_625 = vector.broadcast %parallel_loop3A_624 : f32 to vector<16xf32>
        %parallel_loop3A_626 = arith.mulf %parallel_loop3A_623, %parallel_loop3A_625 : vector<16xf32>
        %parallel_loop3A_627 = arith.mulf %parallel_loop3A_566, %parallel_loop3A_566 : vector<16xf32>
        %parallel_loop3A_628 = arith.subf %parallel_loop3A_626, %parallel_loop3A_627 : vector<16xf32>
        %parallel_loop3A_629 = arith.constant 9.99999996E-13 : f32
        %parallel_loop3A_630 = vector.broadcast %parallel_loop3A_629 : f32 to vector<16xf32>
        %parallel_loop3A_631 = arith.addf %parallel_loop3A_628, %parallel_loop3A_630 : vector<16xf32>
        %parallel_loop3A_632 = tpu.bitcast %parallel_loop3A_631 : vector<16xf32> -> vector<16xi32>
        %parallel_loop3A_633 = arith.constant 1 : i32
        %parallel_loop3A_634 = vector.broadcast %parallel_loop3A_633 : i32 to vector<16xi32>
        %parallel_loop3A_635 = arith.shrui %parallel_loop3A_632, %parallel_loop3A_634 : vector<16xi32>
        %parallel_loop3A_636 = arith.constant 1597463007 : i32
        %parallel_loop3A_637 = vector.broadcast %parallel_loop3A_636 : i32 to vector<16xi32>
        %parallel_loop3A_638 = arith.subi %parallel_loop3A_637, %parallel_loop3A_635 : vector<16xi32>
        %parallel_loop3A_639 = tpu.bitcast %parallel_loop3A_638 : vector<16xi32> -> vector<16xf32>
        %parallel_loop3A_640 = arith.constant 5.000000e-01 : f32
        %parallel_loop3A_641 = vector.broadcast %parallel_loop3A_640 : f32 to vector<16xf32>
        %parallel_loop3A_642 = arith.mulf %parallel_loop3A_641, %parallel_loop3A_631 : vector<16xf32>
        %parallel_loop3A_643 = arith.mulf %parallel_loop3A_642, %parallel_loop3A_639 : vector<16xf32>
        %parallel_loop3A_644 = arith.mulf %parallel_loop3A_643, %parallel_loop3A_639 : vector<16xf32>
        %parallel_loop3A_645 = arith.constant 1.500000e+00 : f32
        %parallel_loop3A_646 = vector.broadcast %parallel_loop3A_645 : f32 to vector<16xf32>
        %parallel_loop3A_647 = arith.subf %parallel_loop3A_646, %parallel_loop3A_644 : vector<16xf32>
        %parallel_loop3A_648 = arith.mulf %parallel_loop3A_639, %parallel_loop3A_647 : vector<16xf32>
        %parallel_loop3A_649 = arith.constant 5.000000e-01 : f32
        %parallel_loop3A_650 = vector.broadcast %parallel_loop3A_649 : f32 to vector<16xf32>
        %parallel_loop3A_651 = arith.mulf %parallel_loop3A_650, %parallel_loop3A_631 : vector<16xf32>
        %parallel_loop3A_652 = arith.mulf %parallel_loop3A_651, %parallel_loop3A_648 : vector<16xf32>
        %parallel_loop3A_653 = arith.mulf %parallel_loop3A_652, %parallel_loop3A_648 : vector<16xf32>
        %parallel_loop3A_654 = arith.constant 1.500000e+00 : f32
        %parallel_loop3A_655 = vector.broadcast %parallel_loop3A_654 : f32 to vector<16xf32>
        %parallel_loop3A_656 = arith.subf %parallel_loop3A_655, %parallel_loop3A_653 : vector<16xf32>
        %parallel_loop3A_657 = arith.mulf %parallel_loop3A_648, %parallel_loop3A_656 : vector<16xf32>
        %parallel_loop3A_658 = arith.constant 5.000000e-01 : f32
        %parallel_loop3A_659 = vector.broadcast %parallel_loop3A_658 : f32 to vector<16xf32>
        %parallel_loop3A_660 = arith.mulf %parallel_loop3A_659, %parallel_loop3A_631 : vector<16xf32>
        %parallel_loop3A_661 = arith.mulf %parallel_loop3A_660, %parallel_loop3A_657 : vector<16xf32>
        %parallel_loop3A_662 = arith.mulf %parallel_loop3A_661, %parallel_loop3A_657 : vector<16xf32>
        %parallel_loop3A_663 = arith.constant 1.500000e+00 : f32
        %parallel_loop3A_664 = vector.broadcast %parallel_loop3A_663 : f32 to vector<16xf32>
        %parallel_loop3A_665 = arith.subf %parallel_loop3A_664, %parallel_loop3A_662 : vector<16xf32>
        %parallel_loop3A_666 = arith.mulf %parallel_loop3A_657, %parallel_loop3A_665 : vector<16xf32>
        %parallel_loop3A_667 = tpu.iota {dimensions = array<i32: 0>} : vector<16xi32>
        %parallel_loop3A_668 = arith.constant 8 : i32
        %parallel_loop3A_669 = vector.broadcast %parallel_loop3A_668 : i32 to vector<16xi32>
        %parallel_loop3A_670 = arith.xori %parallel_loop3A_667, %parallel_loop3A_669 : vector<16xi32>
        %parallel_loop3A_671 = arith.constant 0 : i32
        %parallel_loop3A_672 = vector.broadcast %parallel_loop3A_671 : i32 to vector<16xi32>
        %parallel_loop3A_673 = arith.cmpi slt, %parallel_loop3A_670, %parallel_loop3A_672 : vector<16xi32>
        %parallel_loop3A_674 = arith.constant 16 : i32
        %parallel_loop3A_675 = vector.broadcast %parallel_loop3A_674 : i32 to vector<16xi32>
        %parallel_loop3A_676 = arith.addi %parallel_loop3A_670, %parallel_loop3A_675 : vector<16xi32>
        %parallel_loop3A_677 = arith.select %parallel_loop3A_673, %parallel_loop3A_676, %parallel_loop3A_670 : vector<16xi1>, vector<16xi32>
        %parallel_loop3A_678 = vector.shape_cast %parallel_loop3A_677 : vector<16xi32> to vector<16x1xi32>
        %parallel_loop3A_679 = vector.shape_cast %parallel_loop3A_678 : vector<16x1xi32> to vector<16xi32>
        %parallel_loop3A_680 = tpu.dynamic_gather %parallel_loop3A_186#6[%parallel_loop3A_679] in [0] : vector<16xf32>, vector<16xi32> -> vector<16xf32>
        %parallel_loop3A_681 = arith.addf %parallel_loop3A_186#6, %parallel_loop3A_680 : vector<16xf32>
        %parallel_loop3A_682 = arith.constant 4 : i32
        %parallel_loop3A_683 = vector.broadcast %parallel_loop3A_682 : i32 to vector<16xi32>
        %parallel_loop3A_684 = arith.xori %parallel_loop3A_667, %parallel_loop3A_683 : vector<16xi32>
        %parallel_loop3A_685 = arith.constant 0 : i32
        %parallel_loop3A_686 = vector.broadcast %parallel_loop3A_685 : i32 to vector<16xi32>
        %parallel_loop3A_687 = arith.cmpi slt, %parallel_loop3A_684, %parallel_loop3A_686 : vector<16xi32>
        %parallel_loop3A_688 = arith.constant 16 : i32
        %parallel_loop3A_689 = vector.broadcast %parallel_loop3A_688 : i32 to vector<16xi32>
        %parallel_loop3A_690 = arith.addi %parallel_loop3A_684, %parallel_loop3A_689 : vector<16xi32>
        %parallel_loop3A_691 = arith.select %parallel_loop3A_687, %parallel_loop3A_690, %parallel_loop3A_684 : vector<16xi1>, vector<16xi32>
        %parallel_loop3A_692 = vector.shape_cast %parallel_loop3A_691 : vector<16xi32> to vector<16x1xi32>
        %parallel_loop3A_693 = vector.shape_cast %parallel_loop3A_692 : vector<16x1xi32> to vector<16xi32>
        %parallel_loop3A_694 = tpu.dynamic_gather %parallel_loop3A_681[%parallel_loop3A_693] in [0] : vector<16xf32>, vector<16xi32> -> vector<16xf32>
        %parallel_loop3A_695 = arith.addf %parallel_loop3A_681, %parallel_loop3A_694 : vector<16xf32>
        %parallel_loop3A_696 = arith.constant 2 : i32
        %parallel_loop3A_697 = vector.broadcast %parallel_loop3A_696 : i32 to vector<16xi32>
        %parallel_loop3A_698 = arith.xori %parallel_loop3A_667, %parallel_loop3A_697 : vector<16xi32>
        %parallel_loop3A_699 = arith.constant 0 : i32
        %parallel_loop3A_700 = vector.broadcast %parallel_loop3A_699 : i32 to vector<16xi32>
        %parallel_loop3A_701 = arith.cmpi slt, %parallel_loop3A_698, %parallel_loop3A_700 : vector<16xi32>
        %parallel_loop3A_702 = arith.constant 16 : i32
        %parallel_loop3A_703 = vector.broadcast %parallel_loop3A_702 : i32 to vector<16xi32>
        %parallel_loop3A_704 = arith.addi %parallel_loop3A_698, %parallel_loop3A_703 : vector<16xi32>
        %parallel_loop3A_705 = arith.select %parallel_loop3A_701, %parallel_loop3A_704, %parallel_loop3A_698 : vector<16xi1>, vector<16xi32>
        %parallel_loop3A_706 = vector.shape_cast %parallel_loop3A_705 : vector<16xi32> to vector<16x1xi32>
        %parallel_loop3A_707 = vector.shape_cast %parallel_loop3A_706 : vector<16x1xi32> to vector<16xi32>
        %parallel_loop3A_708 = tpu.dynamic_gather %parallel_loop3A_695[%parallel_loop3A_707] in [0] : vector<16xf32>, vector<16xi32> -> vector<16xf32>
        %parallel_loop3A_709 = arith.addf %parallel_loop3A_695, %parallel_loop3A_708 : vector<16xf32>
        %parallel_loop3A_710 = arith.constant 1 : i32
        %parallel_loop3A_711 = vector.broadcast %parallel_loop3A_710 : i32 to vector<16xi32>
        %parallel_loop3A_712 = arith.xori %parallel_loop3A_667, %parallel_loop3A_711 : vector<16xi32>
        %parallel_loop3A_713 = arith.constant 0 : i32
        %parallel_loop3A_714 = vector.broadcast %parallel_loop3A_713 : i32 to vector<16xi32>
        %parallel_loop3A_715 = arith.cmpi slt, %parallel_loop3A_712, %parallel_loop3A_714 : vector<16xi32>
        %parallel_loop3A_716 = arith.constant 16 : i32
        %parallel_loop3A_717 = vector.broadcast %parallel_loop3A_716 : i32 to vector<16xi32>
        %parallel_loop3A_718 = arith.addi %parallel_loop3A_712, %parallel_loop3A_717 : vector<16xi32>
        %parallel_loop3A_719 = arith.select %parallel_loop3A_715, %parallel_loop3A_718, %parallel_loop3A_712 : vector<16xi1>, vector<16xi32>
        %parallel_loop3A_720 = vector.shape_cast %parallel_loop3A_719 : vector<16xi32> to vector<16x1xi32>
        %parallel_loop3A_721 = vector.shape_cast %parallel_loop3A_720 : vector<16x1xi32> to vector<16xi32>
        %parallel_loop3A_722 = tpu.dynamic_gather %parallel_loop3A_709[%parallel_loop3A_721] in [0] : vector<16xf32>, vector<16xi32> -> vector<16xf32>
        %parallel_loop3A_723 = arith.addf %parallel_loop3A_709, %parallel_loop3A_722 : vector<16xf32>
        %parallel_loop3A_724 = arith.constant 0.00130208337 : f32
        %parallel_loop3A_725 = vector.broadcast %parallel_loop3A_724 : f32 to vector<16xf32>
        %parallel_loop3A_726 = arith.mulf %parallel_loop3A_723, %parallel_loop3A_725 : vector<16xf32>
        %parallel_loop3A_727 = tpu.iota {dimensions = array<i32: 0>} : vector<16xi32>
        %parallel_loop3A_728 = arith.constant 8 : i32
        %parallel_loop3A_729 = vector.broadcast %parallel_loop3A_728 : i32 to vector<16xi32>
        %parallel_loop3A_730 = arith.xori %parallel_loop3A_727, %parallel_loop3A_729 : vector<16xi32>
        %parallel_loop3A_731 = arith.constant 0 : i32
        %parallel_loop3A_732 = vector.broadcast %parallel_loop3A_731 : i32 to vector<16xi32>
        %parallel_loop3A_733 = arith.cmpi slt, %parallel_loop3A_730, %parallel_loop3A_732 : vector<16xi32>
        %parallel_loop3A_734 = arith.constant 16 : i32
        %parallel_loop3A_735 = vector.broadcast %parallel_loop3A_734 : i32 to vector<16xi32>
        %parallel_loop3A_736 = arith.addi %parallel_loop3A_730, %parallel_loop3A_735 : vector<16xi32>
        %parallel_loop3A_737 = arith.select %parallel_loop3A_733, %parallel_loop3A_736, %parallel_loop3A_730 : vector<16xi1>, vector<16xi32>
        %parallel_loop3A_738 = vector.shape_cast %parallel_loop3A_737 : vector<16xi32> to vector<16x1xi32>
        %parallel_loop3A_739 = vector.shape_cast %parallel_loop3A_738 : vector<16x1xi32> to vector<16xi32>
        %parallel_loop3A_740 = tpu.dynamic_gather %parallel_loop3A_186#7[%parallel_loop3A_739] in [0] : vector<16xf32>, vector<16xi32> -> vector<16xf32>
        %parallel_loop3A_741 = arith.addf %parallel_loop3A_186#7, %parallel_loop3A_740 : vector<16xf32>
        %parallel_loop3A_742 = arith.constant 4 : i32
        %parallel_loop3A_743 = vector.broadcast %parallel_loop3A_742 : i32 to vector<16xi32>
        %parallel_loop3A_744 = arith.xori %parallel_loop3A_727, %parallel_loop3A_743 : vector<16xi32>
        %parallel_loop3A_745 = arith.constant 0 : i32
        %parallel_loop3A_746 = vector.broadcast %parallel_loop3A_745 : i32 to vector<16xi32>
        %parallel_loop3A_747 = arith.cmpi slt, %parallel_loop3A_744, %parallel_loop3A_746 : vector<16xi32>
        %parallel_loop3A_748 = arith.constant 16 : i32
        %parallel_loop3A_749 = vector.broadcast %parallel_loop3A_748 : i32 to vector<16xi32>
        %parallel_loop3A_750 = arith.addi %parallel_loop3A_744, %parallel_loop3A_749 : vector<16xi32>
        %parallel_loop3A_751 = arith.select %parallel_loop3A_747, %parallel_loop3A_750, %parallel_loop3A_744 : vector<16xi1>, vector<16xi32>
        %parallel_loop3A_752 = vector.shape_cast %parallel_loop3A_751 : vector<16xi32> to vector<16x1xi32>
        %parallel_loop3A_753 = vector.shape_cast %parallel_loop3A_752 : vector<16x1xi32> to vector<16xi32>
        %parallel_loop3A_754 = tpu.dynamic_gather %parallel_loop3A_741[%parallel_loop3A_753] in [0] : vector<16xf32>, vector<16xi32> -> vector<16xf32>
        %parallel_loop3A_755 = arith.addf %parallel_loop3A_741, %parallel_loop3A_754 : vector<16xf32>
        %parallel_loop3A_756 = arith.constant 2 : i32
        %parallel_loop3A_757 = vector.broadcast %parallel_loop3A_756 : i32 to vector<16xi32>
        %parallel_loop3A_758 = arith.xori %parallel_loop3A_727, %parallel_loop3A_757 : vector<16xi32>
        %parallel_loop3A_759 = arith.constant 0 : i32
        %parallel_loop3A_760 = vector.broadcast %parallel_loop3A_759 : i32 to vector<16xi32>
        %parallel_loop3A_761 = arith.cmpi slt, %parallel_loop3A_758, %parallel_loop3A_760 : vector<16xi32>
        %parallel_loop3A_762 = arith.constant 16 : i32
        %parallel_loop3A_763 = vector.broadcast %parallel_loop3A_762 : i32 to vector<16xi32>
        %parallel_loop3A_764 = arith.addi %parallel_loop3A_758, %parallel_loop3A_763 : vector<16xi32>
        %parallel_loop3A_765 = arith.select %parallel_loop3A_761, %parallel_loop3A_764, %parallel_loop3A_758 : vector<16xi1>, vector<16xi32>
        %parallel_loop3A_766 = vector.shape_cast %parallel_loop3A_765 : vector<16xi32> to vector<16x1xi32>
        %parallel_loop3A_767 = vector.shape_cast %parallel_loop3A_766 : vector<16x1xi32> to vector<16xi32>
        %parallel_loop3A_768 = tpu.dynamic_gather %parallel_loop3A_755[%parallel_loop3A_767] in [0] : vector<16xf32>, vector<16xi32> -> vector<16xf32>
        %parallel_loop3A_769 = arith.addf %parallel_loop3A_755, %parallel_loop3A_768 : vector<16xf32>
        %parallel_loop3A_770 = arith.constant 1 : i32
        %parallel_loop3A_771 = vector.broadcast %parallel_loop3A_770 : i32 to vector<16xi32>
        %parallel_loop3A_772 = arith.xori %parallel_loop3A_727, %parallel_loop3A_771 : vector<16xi32>
        %parallel_loop3A_773 = arith.constant 0 : i32
        %parallel_loop3A_774 = vector.broadcast %parallel_loop3A_773 : i32 to vector<16xi32>
        %parallel_loop3A_775 = arith.cmpi slt, %parallel_loop3A_772, %parallel_loop3A_774 : vector<16xi32>
        %parallel_loop3A_776 = arith.constant 16 : i32
        %parallel_loop3A_777 = vector.broadcast %parallel_loop3A_776 : i32 to vector<16xi32>
        %parallel_loop3A_778 = arith.addi %parallel_loop3A_772, %parallel_loop3A_777 : vector<16xi32>
        %parallel_loop3A_779 = arith.select %parallel_loop3A_775, %parallel_loop3A_778, %parallel_loop3A_772 : vector<16xi1>, vector<16xi32>
        %parallel_loop3A_780 = vector.shape_cast %parallel_loop3A_779 : vector<16xi32> to vector<16x1xi32>
        %parallel_loop3A_781 = vector.shape_cast %parallel_loop3A_780 : vector<16x1xi32> to vector<16xi32>
        %parallel_loop3A_782 = tpu.dynamic_gather %parallel_loop3A_769[%parallel_loop3A_781] in [0] : vector<16xf32>, vector<16xi32> -> vector<16xf32>
        %parallel_loop3A_783 = arith.addf %parallel_loop3A_769, %parallel_loop3A_782 : vector<16xf32>
        %parallel_loop3A_784 = arith.constant 0.00130208337 : f32
        %parallel_loop3A_785 = vector.broadcast %parallel_loop3A_784 : f32 to vector<16xf32>
        %parallel_loop3A_786 = arith.mulf %parallel_loop3A_783, %parallel_loop3A_785 : vector<16xf32>
        %parallel_loop3A_787 = arith.mulf %parallel_loop3A_726, %parallel_loop3A_726 : vector<16xf32>
        %parallel_loop3A_788 = arith.subf %parallel_loop3A_786, %parallel_loop3A_787 : vector<16xf32>
        %parallel_loop3A_789 = arith.constant 9.99999996E-13 : f32
        %parallel_loop3A_790 = vector.broadcast %parallel_loop3A_789 : f32 to vector<16xf32>
        %parallel_loop3A_791 = arith.addf %parallel_loop3A_788, %parallel_loop3A_790 : vector<16xf32>
        %parallel_loop3A_792 = tpu.bitcast %parallel_loop3A_791 : vector<16xf32> -> vector<16xi32>
        %parallel_loop3A_793 = arith.constant 1 : i32
        %parallel_loop3A_794 = vector.broadcast %parallel_loop3A_793 : i32 to vector<16xi32>
        %parallel_loop3A_795 = arith.shrui %parallel_loop3A_792, %parallel_loop3A_794 : vector<16xi32>
        %parallel_loop3A_796 = arith.constant 1597463007 : i32
        %parallel_loop3A_797 = vector.broadcast %parallel_loop3A_796 : i32 to vector<16xi32>
        %parallel_loop3A_798 = arith.subi %parallel_loop3A_797, %parallel_loop3A_795 : vector<16xi32>
        %parallel_loop3A_799 = tpu.bitcast %parallel_loop3A_798 : vector<16xi32> -> vector<16xf32>
        %parallel_loop3A_800 = arith.constant 5.000000e-01 : f32
        %parallel_loop3A_801 = vector.broadcast %parallel_loop3A_800 : f32 to vector<16xf32>
        %parallel_loop3A_802 = arith.mulf %parallel_loop3A_801, %parallel_loop3A_791 : vector<16xf32>
        %parallel_loop3A_803 = arith.mulf %parallel_loop3A_802, %parallel_loop3A_799 : vector<16xf32>
        %parallel_loop3A_804 = arith.mulf %parallel_loop3A_803, %parallel_loop3A_799 : vector<16xf32>
        %parallel_loop3A_805 = arith.constant 1.500000e+00 : f32
        %parallel_loop3A_806 = vector.broadcast %parallel_loop3A_805 : f32 to vector<16xf32>
        %parallel_loop3A_807 = arith.subf %parallel_loop3A_806, %parallel_loop3A_804 : vector<16xf32>
        %parallel_loop3A_808 = arith.mulf %parallel_loop3A_799, %parallel_loop3A_807 : vector<16xf32>
        %parallel_loop3A_809 = arith.constant 5.000000e-01 : f32
        %parallel_loop3A_810 = vector.broadcast %parallel_loop3A_809 : f32 to vector<16xf32>
        %parallel_loop3A_811 = arith.mulf %parallel_loop3A_810, %parallel_loop3A_791 : vector<16xf32>
        %parallel_loop3A_812 = arith.mulf %parallel_loop3A_811, %parallel_loop3A_808 : vector<16xf32>
        %parallel_loop3A_813 = arith.mulf %parallel_loop3A_812, %parallel_loop3A_808 : vector<16xf32>
        %parallel_loop3A_814 = arith.constant 1.500000e+00 : f32
        %parallel_loop3A_815 = vector.broadcast %parallel_loop3A_814 : f32 to vector<16xf32>
        %parallel_loop3A_816 = arith.subf %parallel_loop3A_815, %parallel_loop3A_813 : vector<16xf32>
        %parallel_loop3A_817 = arith.mulf %parallel_loop3A_808, %parallel_loop3A_816 : vector<16xf32>
        %parallel_loop3A_818 = arith.constant 5.000000e-01 : f32
        %parallel_loop3A_819 = vector.broadcast %parallel_loop3A_818 : f32 to vector<16xf32>
        %parallel_loop3A_820 = arith.mulf %parallel_loop3A_819, %parallel_loop3A_791 : vector<16xf32>
        %parallel_loop3A_821 = arith.mulf %parallel_loop3A_820, %parallel_loop3A_817 : vector<16xf32>
        %parallel_loop3A_822 = arith.mulf %parallel_loop3A_821, %parallel_loop3A_817 : vector<16xf32>
        %parallel_loop3A_823 = arith.constant 1.500000e+00 : f32
        %parallel_loop3A_824 = vector.broadcast %parallel_loop3A_823 : f32 to vector<16xf32>
        %parallel_loop3A_825 = arith.subf %parallel_loop3A_824, %parallel_loop3A_822 : vector<16xf32>
        %parallel_loop3A_826 = arith.mulf %parallel_loop3A_817, %parallel_loop3A_825 : vector<16xf32>
        %parallel_loop3A_827 = arith.constant 0 : i32
        %parallel_loop3A_828 = arith.constant 768 : i32
        %parallel_loop3A_829 = arith.constant 32 : i32
        scf.for %parallel_loop3A_830 = %parallel_loop3A_827 to %parallel_loop3A_828 step %parallel_loop3A_829  : i32 {
          %parallel_loop3A_831 = arith.constant 0 : i32
          %parallel_loop3A_832 = arith.addi %parallel_loop3A_830, %parallel_loop3A_831 : i32
          %parallel_loop3A_833 = arith.index_cast %parallel_loop3A_832 : i32 to index
          %parallel_loop3A_834 = tpu.vector_load %arg16[%parallel_loop3A_833] {strides = array<i32>} : memref<768xf32, #tpu.memory_space<vmem>>, vector<16xf32>,
          %parallel_loop3A_835 = vector.shape_cast %parallel_loop3A_834 : vector<16xf32> to vector<16xf32>
          %parallel_loop3A_836 = arith.index_cast %parallel_loop3A_832 : i32 to index
          %parallel_loop3A_837 = tpu.vector_load %arg17[%parallel_loop3A_836] {strides = array<i32>} : memref<768xf32, #tpu.memory_space<vmem>>, vector<16xf32>,
          %parallel_loop3A_838 = vector.shape_cast %parallel_loop3A_837 : vector<16xf32> to vector<16xf32>
          %parallel_loop3A_839 = arith.index_cast %parallel_loop3A_164 : i32 to index
          %parallel_loop3A_840 = arith.index_cast %parallel_loop3A_832 : i32 to index
          %parallel_loop3A_841 = tpu.vector_load %arg12[%parallel_loop3A_839, %parallel_loop3A_840] {strides = array<i32>} : memref<8x768xf32, #tpu.memory_space<vmem>>, vector<1x16xf32>,
          %parallel_loop3A_842 = vector.shape_cast %parallel_loop3A_841 : vector<1x16xf32> to vector<16xf32>
          %parallel_loop3A_843 = arith.constant 0 : i32
          %parallel_loop3A_844 = arith.addi %parallel_loop3A_166, %parallel_loop3A_843 : i32
          %parallel_loop3A_845 = arith.index_cast %parallel_loop3A_844 : i32 to index
          %parallel_loop3A_846 = arith.index_cast %parallel_loop3A_832 : i32 to index
          %parallel_loop3A_847 = tpu.vector_load %arg10[%parallel_loop3A_845, %parallel_loop3A_846] {strides = array<i32>} : memref<32x768xf32, #tpu.memory_space<vmem>>, vector<1x16xf32>,
          %parallel_loop3A_848 = vector.shape_cast %parallel_loop3A_847 : vector<1x16xf32> to vector<16xf32>
          %parallel_loop3A_849 = arith.addf %parallel_loop3A_848, %parallel_loop3A_842 : vector<16xf32>
          %parallel_loop3A_850 = arith.subf %parallel_loop3A_849, %parallel_loop3A_246 : vector<16xf32>
          %parallel_loop3A_851 = arith.mulf %parallel_loop3A_850, %parallel_loop3A_346 : vector<16xf32>
          %parallel_loop3A_852 = arith.mulf %parallel_loop3A_851, %parallel_loop3A_835 : vector<16xf32>
          %parallel_loop3A_853 = arith.addf %parallel_loop3A_852, %parallel_loop3A_838 : vector<16xf32>
          %parallel_loop3A_854 = arith.constant 0 : i32
          %parallel_loop3A_855 = arith.addi %parallel_loop3A_166, %parallel_loop3A_854 : i32
          %parallel_loop3A_856 = arith.index_cast %parallel_loop3A_855 : i32 to index
          %parallel_loop3A_857 = arith.index_cast %parallel_loop3A_832 : i32 to index
          %parallel_loop3A_858 = tpu.vector_load %arg10[%parallel_loop3A_856, %parallel_loop3A_857] {strides = array<i32>} : memref<32x768xf32, #tpu.memory_space<vmem>>, vector<1x16xf32>,
          %parallel_loop3A_859 = vector.shape_cast %parallel_loop3A_858 : vector<1x16xf32> to vector<16xf32>
          %parallel_loop3A_860 = vector.shape_cast %parallel_loop3A_853 : vector<16xf32> to vector<1x16xf32>
          tpu.vector_store %arg10[%parallel_loop3A_856, %parallel_loop3A_857], %parallel_loop3A_860 {strides = array<i32>} : memref<32x768xf32, #tpu.memory_space<vmem>>, vector<1x16xf32>,
          %parallel_loop3A_861 = arith.constant 1 : i32
          %parallel_loop3A_862 = arith.addi %parallel_loop3A_166, %parallel_loop3A_861 : i32
          %parallel_loop3A_863 = arith.index_cast %parallel_loop3A_862 : i32 to index
          %parallel_loop3A_864 = arith.index_cast %parallel_loop3A_832 : i32 to index
          %parallel_loop3A_865 = tpu.vector_load %arg10[%parallel_loop3A_863, %parallel_loop3A_864] {strides = array<i32>} : memref<32x768xf32, #tpu.memory_space<vmem>>, vector<1x16xf32>,
          %parallel_loop3A_866 = vector.shape_cast %parallel_loop3A_865 : vector<1x16xf32> to vector<16xf32>
          %parallel_loop3A_867 = arith.addf %parallel_loop3A_866, %parallel_loop3A_842 : vector<16xf32>
          %parallel_loop3A_868 = arith.subf %parallel_loop3A_867, %parallel_loop3A_406 : vector<16xf32>
          %parallel_loop3A_869 = arith.mulf %parallel_loop3A_868, %parallel_loop3A_506 : vector<16xf32>
          %parallel_loop3A_870 = arith.mulf %parallel_loop3A_869, %parallel_loop3A_835 : vector<16xf32>
          %parallel_loop3A_871 = arith.addf %parallel_loop3A_870, %parallel_loop3A_838 : vector<16xf32>
          %parallel_loop3A_872 = arith.constant 1 : i32
          %parallel_loop3A_873 = arith.addi %parallel_loop3A_166, %parallel_loop3A_872 : i32
          %parallel_loop3A_874 = arith.index_cast %parallel_loop3A_873 : i32 to index
          %parallel_loop3A_875 = arith.index_cast %parallel_loop3A_832 : i32 to index
          %parallel_loop3A_876 = tpu.vector_load %arg10[%parallel_loop3A_874, %parallel_loop3A_875] {strides = array<i32>} : memref<32x768xf32, #tpu.memory_space<vmem>>, vector<1x16xf32>,
          %parallel_loop3A_877 = vector.shape_cast %parallel_loop3A_876 : vector<1x16xf32> to vector<16xf32>
          %parallel_loop3A_878 = vector.shape_cast %parallel_loop3A_871 : vector<16xf32> to vector<1x16xf32>
          tpu.vector_store %arg10[%parallel_loop3A_874, %parallel_loop3A_875], %parallel_loop3A_878 {strides = array<i32>} : memref<32x768xf32, #tpu.memory_space<vmem>>, vector<1x16xf32>,
          %parallel_loop3A_879 = arith.constant 2 : i32
          %parallel_loop3A_880 = arith.addi %parallel_loop3A_166, %parallel_loop3A_879 : i32
          %parallel_loop3A_881 = arith.index_cast %parallel_loop3A_880 : i32 to index
          %parallel_loop3A_882 = arith.index_cast %parallel_loop3A_832 : i32 to index
          %parallel_loop3A_883 = tpu.vector_load %arg10[%parallel_loop3A_881, %parallel_loop3A_882] {strides = array<i32>} : memref<32x768xf32, #tpu.memory_space<vmem>>, vector<1x16xf32>,
          %parallel_loop3A_884 = vector.shape_cast %parallel_loop3A_883 : vector<1x16xf32> to vector<16xf32>
          %parallel_loop3A_885 = arith.addf %parallel_loop3A_884, %parallel_loop3A_842 : vector<16xf32>
          %parallel_loop3A_886 = arith.subf %parallel_loop3A_885, %parallel_loop3A_566 : vector<16xf32>
          %parallel_loop3A_887 = arith.mulf %parallel_loop3A_886, %parallel_loop3A_666 : vector<16xf32>
          %parallel_loop3A_888 = arith.mulf %parallel_loop3A_887, %parallel_loop3A_835 : vector<16xf32>
          %parallel_loop3A_889 = arith.addf %parallel_loop3A_888, %parallel_loop3A_838 : vector<16xf32>
          %parallel_loop3A_890 = arith.constant 2 : i32
          %parallel_loop3A_891 = arith.addi %parallel_loop3A_166, %parallel_loop3A_890 : i32
          %parallel_loop3A_892 = arith.index_cast %parallel_loop3A_891 : i32 to index
          %parallel_loop3A_893 = arith.index_cast %parallel_loop3A_832 : i32 to index
          %parallel_loop3A_894 = tpu.vector_load %arg10[%parallel_loop3A_892, %parallel_loop3A_893] {strides = array<i32>} : memref<32x768xf32, #tpu.memory_space<vmem>>, vector<1x16xf32>,
          %parallel_loop3A_895 = vector.shape_cast %parallel_loop3A_894 : vector<1x16xf32> to vector<16xf32>
          %parallel_loop3A_896 = vector.shape_cast %parallel_loop3A_889 : vector<16xf32> to vector<1x16xf32>
          tpu.vector_store %arg10[%parallel_loop3A_892, %parallel_loop3A_893], %parallel_loop3A_896 {strides = array<i32>} : memref<32x768xf32, #tpu.memory_space<vmem>>, vector<1x16xf32>,
          %parallel_loop3A_897 = arith.constant 3 : i32
          %parallel_loop3A_898 = arith.addi %parallel_loop3A_166, %parallel_loop3A_897 : i32
          %parallel_loop3A_899 = arith.index_cast %parallel_loop3A_898 : i32 to index
          %parallel_loop3A_900 = arith.index_cast %parallel_loop3A_832 : i32 to index
          %parallel_loop3A_901 = tpu.vector_load %arg10[%parallel_loop3A_899, %parallel_loop3A_900] {strides = array<i32>} : memref<32x768xf32, #tpu.memory_space<vmem>>, vector<1x16xf32>,
          %parallel_loop3A_902 = vector.shape_cast %parallel_loop3A_901 : vector<1x16xf32> to vector<16xf32>
          %parallel_loop3A_903 = arith.addf %parallel_loop3A_902, %parallel_loop3A_842 : vector<16xf32>
          %parallel_loop3A_904 = arith.subf %parallel_loop3A_903, %parallel_loop3A_726 : vector<16xf32>
          %parallel_loop3A_905 = arith.mulf %parallel_loop3A_904, %parallel_loop3A_826 : vector<16xf32>
          %parallel_loop3A_906 = arith.mulf %parallel_loop3A_905, %parallel_loop3A_835 : vector<16xf32>
          %parallel_loop3A_907 = arith.addf %parallel_loop3A_906, %parallel_loop3A_838 : vector<16xf32>
          %parallel_loop3A_908 = arith.constant 3 : i32
          %parallel_loop3A_909 = arith.addi %parallel_loop3A_166, %parallel_loop3A_908 : i32
          %parallel_loop3A_910 = arith.index_cast %parallel_loop3A_909 : i32 to index
          %parallel_loop3A_911 = arith.index_cast %parallel_loop3A_832 : i32 to index
          %parallel_loop3A_912 = tpu.vector_load %arg10[%parallel_loop3A_910, %parallel_loop3A_911] {strides = array<i32>} : memref<32x768xf32, #tpu.memory_space<vmem>>, vector<1x16xf32>,
          %parallel_loop3A_913 = vector.shape_cast %parallel_loop3A_912 : vector<1x16xf32> to vector<16xf32>
          %parallel_loop3A_914 = vector.shape_cast %parallel_loop3A_907 : vector<16xf32> to vector<1x16xf32>
          tpu.vector_store %arg10[%parallel_loop3A_910, %parallel_loop3A_911], %parallel_loop3A_914 {strides = array<i32>} : memref<32x768xf32, #tpu.memory_space<vmem>>, vector<1x16xf32>,
          %parallel_loop3A_915 = arith.constant 16 : i32
          %parallel_loop3A_916 = arith.addi %parallel_loop3A_830, %parallel_loop3A_915 : i32
          %parallel_loop3A_917 = arith.index_cast %parallel_loop3A_916 : i32 to index
          %parallel_loop3A_918 = tpu.vector_load %arg16[%parallel_loop3A_917] {strides = array<i32>} : memref<768xf32, #tpu.memory_space<vmem>>, vector<16xf32>,
          %parallel_loop3A_919 = vector.shape_cast %parallel_loop3A_918 : vector<16xf32> to vector<16xf32>
          %parallel_loop3A_920 = arith.index_cast %parallel_loop3A_916 : i32 to index
          %parallel_loop3A_921 = tpu.vector_load %arg17[%parallel_loop3A_920] {strides = array<i32>} : memref<768xf32, #tpu.memory_space<vmem>>, vector<16xf32>,
          %parallel_loop3A_922 = vector.shape_cast %parallel_loop3A_921 : vector<16xf32> to vector<16xf32>
          %parallel_loop3A_923 = arith.index_cast %parallel_loop3A_164 : i32 to index
          %parallel_loop3A_924 = arith.index_cast %parallel_loop3A_916 : i32 to index
          %parallel_loop3A_925 = tpu.vector_load %arg12[%parallel_loop3A_923, %parallel_loop3A_924] {strides = array<i32>} : memref<8x768xf32, #tpu.memory_space<vmem>>, vector<1x16xf32>,
          %parallel_loop3A_926 = vector.shape_cast %parallel_loop3A_925 : vector<1x16xf32> to vector<16xf32>
          %parallel_loop3A_927 = arith.constant 0 : i32
          %parallel_loop3A_928 = arith.addi %parallel_loop3A_166, %parallel_loop3A_927 : i32
          %parallel_loop3A_929 = arith.index_cast %parallel_loop3A_928 : i32 to index
          %parallel_loop3A_930 = arith.index_cast %parallel_loop3A_916 : i32 to index
          %parallel_loop3A_931 = tpu.vector_load %arg10[%parallel_loop3A_929, %parallel_loop3A_930] {strides = array<i32>} : memref<32x768xf32, #tpu.memory_space<vmem>>, vector<1x16xf32>,
          %parallel_loop3A_932 = vector.shape_cast %parallel_loop3A_931 : vector<1x16xf32> to vector<16xf32>
          %parallel_loop3A_933 = arith.addf %parallel_loop3A_932, %parallel_loop3A_926 : vector<16xf32>
          %parallel_loop3A_934 = arith.subf %parallel_loop3A_933, %parallel_loop3A_246 : vector<16xf32>
          %parallel_loop3A_935 = arith.mulf %parallel_loop3A_934, %parallel_loop3A_346 : vector<16xf32>
          %parallel_loop3A_936 = arith.mulf %parallel_loop3A_935, %parallel_loop3A_919 : vector<16xf32>
          %parallel_loop3A_937 = arith.addf %parallel_loop3A_936, %parallel_loop3A_922 : vector<16xf32>
          %parallel_loop3A_938 = arith.constant 0 : i32
          %parallel_loop3A_939 = arith.addi %parallel_loop3A_166, %parallel_loop3A_938 : i32
          %parallel_loop3A_940 = arith.index_cast %parallel_loop3A_939 : i32 to index
          %parallel_loop3A_941 = arith.index_cast %parallel_loop3A_916 : i32 to index
          %parallel_loop3A_942 = tpu.vector_load %arg10[%parallel_loop3A_940, %parallel_loop3A_941] {strides = array<i32>} : memref<32x768xf32, #tpu.memory_space<vmem>>, vector<1x16xf32>,
          %parallel_loop3A_943 = vector.shape_cast %parallel_loop3A_942 : vector<1x16xf32> to vector<16xf32>
          %parallel_loop3A_944 = vector.shape_cast %parallel_loop3A_937 : vector<16xf32> to vector<1x16xf32>
          tpu.vector_store %arg10[%parallel_loop3A_940, %parallel_loop3A_941], %parallel_loop3A_944 {strides = array<i32>} : memref<32x768xf32, #tpu.memory_space<vmem>>, vector<1x16xf32>,
          %parallel_loop3A_945 = arith.constant 1 : i32
          %parallel_loop3A_946 = arith.addi %parallel_loop3A_166, %parallel_loop3A_945 : i32
          %parallel_loop3A_947 = arith.index_cast %parallel_loop3A_946 : i32 to index
          %parallel_loop3A_948 = arith.index_cast %parallel_loop3A_916 : i32 to index
          %parallel_loop3A_949 = tpu.vector_load %arg10[%parallel_loop3A_947, %parallel_loop3A_948] {strides = array<i32>} : memref<32x768xf32, #tpu.memory_space<vmem>>, vector<1x16xf32>,
          %parallel_loop3A_950 = vector.shape_cast %parallel_loop3A_949 : vector<1x16xf32> to vector<16xf32>
          %parallel_loop3A_951 = arith.addf %parallel_loop3A_950, %parallel_loop3A_926 : vector<16xf32>
          %parallel_loop3A_952 = arith.subf %parallel_loop3A_951, %parallel_loop3A_406 : vector<16xf32>
          %parallel_loop3A_953 = arith.mulf %parallel_loop3A_952, %parallel_loop3A_506 : vector<16xf32>
          %parallel_loop3A_954 = arith.mulf %parallel_loop3A_953, %parallel_loop3A_919 : vector<16xf32>
          %parallel_loop3A_955 = arith.addf %parallel_loop3A_954, %parallel_loop3A_922 : vector<16xf32>
          %parallel_loop3A_956 = arith.constant 1 : i32
          %parallel_loop3A_957 = arith.addi %parallel_loop3A_166, %parallel_loop3A_956 : i32
          %parallel_loop3A_958 = arith.index_cast %parallel_loop3A_957 : i32 to index
          %parallel_loop3A_959 = arith.index_cast %parallel_loop3A_916 : i32 to index
          %parallel_loop3A_960 = tpu.vector_load %arg10[%parallel_loop3A_958, %parallel_loop3A_959] {strides = array<i32>} : memref<32x768xf32, #tpu.memory_space<vmem>>, vector<1x16xf32>,
          %parallel_loop3A_961 = vector.shape_cast %parallel_loop3A_960 : vector<1x16xf32> to vector<16xf32>
          %parallel_loop3A_962 = vector.shape_cast %parallel_loop3A_955 : vector<16xf32> to vector<1x16xf32>
          tpu.vector_store %arg10[%parallel_loop3A_958, %parallel_loop3A_959], %parallel_loop3A_962 {strides = array<i32>} : memref<32x768xf32, #tpu.memory_space<vmem>>, vector<1x16xf32>,
          %parallel_loop3A_963 = arith.constant 2 : i32
          %parallel_loop3A_964 = arith.addi %parallel_loop3A_166, %parallel_loop3A_963 : i32
          %parallel_loop3A_965 = arith.index_cast %parallel_loop3A_964 : i32 to index
          %parallel_loop3A_966 = arith.index_cast %parallel_loop3A_916 : i32 to index
          %parallel_loop3A_967 = tpu.vector_load %arg10[%parallel_loop3A_965, %parallel_loop3A_966] {strides = array<i32>} : memref<32x768xf32, #tpu.memory_space<vmem>>, vector<1x16xf32>,
          %parallel_loop3A_968 = vector.shape_cast %parallel_loop3A_967 : vector<1x16xf32> to vector<16xf32>
          %parallel_loop3A_969 = arith.addf %parallel_loop3A_968, %parallel_loop3A_926 : vector<16xf32>
          %parallel_loop3A_970 = arith.subf %parallel_loop3A_969, %parallel_loop3A_566 : vector<16xf32>
          %parallel_loop3A_971 = arith.mulf %parallel_loop3A_970, %parallel_loop3A_666 : vector<16xf32>
          %parallel_loop3A_972 = arith.mulf %parallel_loop3A_971, %parallel_loop3A_919 : vector<16xf32>
          %parallel_loop3A_973 = arith.addf %parallel_loop3A_972, %parallel_loop3A_922 : vector<16xf32>
          %parallel_loop3A_974 = arith.constant 2 : i32
          %parallel_loop3A_975 = arith.addi %parallel_loop3A_166, %parallel_loop3A_974 : i32
          %parallel_loop3A_976 = arith.index_cast %parallel_loop3A_975 : i32 to index
          %parallel_loop3A_977 = arith.index_cast %parallel_loop3A_916 : i32 to index
          %parallel_loop3A_978 = tpu.vector_load %arg10[%parallel_loop3A_976, %parallel_loop3A_977] {strides = array<i32>} : memref<32x768xf32, #tpu.memory_space<vmem>>, vector<1x16xf32>,
          %parallel_loop3A_979 = vector.shape_cast %parallel_loop3A_978 : vector<1x16xf32> to vector<16xf32>
          %parallel_loop3A_980 = vector.shape_cast %parallel_loop3A_973 : vector<16xf32> to vector<1x16xf32>
          tpu.vector_store %arg10[%parallel_loop3A_976, %parallel_loop3A_977], %parallel_loop3A_980 {strides = array<i32>} : memref<32x768xf32, #tpu.memory_space<vmem>>, vector<1x16xf32>,
          %parallel_loop3A_981 = arith.constant 3 : i32
          %parallel_loop3A_982 = arith.addi %parallel_loop3A_166, %parallel_loop3A_981 : i32
          %parallel_loop3A_983 = arith.index_cast %parallel_loop3A_982 : i32 to index
          %parallel_loop3A_984 = arith.index_cast %parallel_loop3A_916 : i32 to index
          %parallel_loop3A_985 = tpu.vector_load %arg10[%parallel_loop3A_983, %parallel_loop3A_984] {strides = array<i32>} : memref<32x768xf32, #tpu.memory_space<vmem>>, vector<1x16xf32>,
          %parallel_loop3A_986 = vector.shape_cast %parallel_loop3A_985 : vector<1x16xf32> to vector<16xf32>
          %parallel_loop3A_987 = arith.addf %parallel_loop3A_986, %parallel_loop3A_926 : vector<16xf32>
          %parallel_loop3A_988 = arith.subf %parallel_loop3A_987, %parallel_loop3A_726 : vector<16xf32>
          %parallel_loop3A_989 = arith.mulf %parallel_loop3A_988, %parallel_loop3A_826 : vector<16xf32>
          %parallel_loop3A_990 = arith.mulf %parallel_loop3A_989, %parallel_loop3A_919 : vector<16xf32>
          %parallel_loop3A_991 = arith.addf %parallel_loop3A_990, %parallel_loop3A_922 : vector<16xf32>
          %parallel_loop3A_992 = arith.constant 3 : i32
          %parallel_loop3A_993 = arith.addi %parallel_loop3A_166, %parallel_loop3A_992 : i32
          %parallel_loop3A_994 = arith.index_cast %parallel_loop3A_993 : i32 to index
          %parallel_loop3A_995 = arith.index_cast %parallel_loop3A_916 : i32 to index
          %parallel_loop3A_996 = tpu.vector_load %arg10[%parallel_loop3A_994, %parallel_loop3A_995] {strides = array<i32>} : memref<32x768xf32, #tpu.memory_space<vmem>>, vector<1x16xf32>,
          %parallel_loop3A_997 = vector.shape_cast %parallel_loop3A_996 : vector<1x16xf32> to vector<16xf32>
          %parallel_loop3A_998 = vector.shape_cast %parallel_loop3A_991 : vector<16xf32> to vector<1x16xf32>
          tpu.vector_store %arg10[%parallel_loop3A_994, %parallel_loop3A_995], %parallel_loop3A_998 {strides = array<i32>} : memref<32x768xf32, #tpu.memory_space<vmem>>, vector<1x16xf32>,
        } {sc.loop_unroll_factor = 1 : i64, sc.parallel_access}
      } {sc.loop_unroll_factor = 1 : i64, sc.parallel_access}
      %dma_start3A_160 = arith.constant 0 : i32
      %dma_start3A_161 = arith.constant 0 : i32
      %dma_start3A_162 = tpu.memref_slice %arg7[%dma_start3A_160, %dma_start3A_161] : memref<32768x768xf32, #tpu.memory_space<hbm>> -> memref<32768x768xf32, #tpu.memory_space<hbm>>
      tpu.enqueue_indirect_dma source(%arg10 : memref<32x768xf32, #tpu.memory_space<vmem>>) target(%dma_start3A_162 : memref<32768x768xf32, #tpu.memory_space<hbm>>) offsets(%arg14 : memref<32xi32, #tpu.memory_space<vmem>>) semaphore(%arg23 : memref<!tpu.dma_semaphore, #tpu.memory_space<semaphore_mem>>)
      %scan3A_163 = arith.constant 0 : i32
      scf.yield %scan3A_163 : i32
    }
    %scan3A_70 = arith.constant 16 : i32
    %dma_wait3A = arith.constant 0 : i32
    %dma_wait3A_71 = arith.constant 0 : i32
    %dma_wait3A_72 = tpu.memref_slice %arg7[%dma_wait3A, %dma_wait3A_71] : memref<32768x768xf32, #tpu.memory_space<hbm>> -> memref<32768x768xf32, #tpu.memory_space<hbm>>
    tpu.wait_indirect_dma semaphore(%arg22 : memref<!tpu.dma_semaphore, #tpu.memory_space<semaphore_mem>>) src(%arg9 : memref<32x768xf32, #tpu.memory_space<vmem>>) dst(%dma_wait3A_72 : memref<32768x768xf32, #tpu.memory_space<hbm>>)
    %dma_wait3A_73 = arith.constant 0 : i32
    %dma_wait3A_74 = arith.constant 0 : i32
    %dma_wait3A_75 = tpu.memref_slice %arg7[%dma_wait3A_73, %dma_wait3A_74] : memref<32768x768xf32, #tpu.memory_space<hbm>> -> memref<32768x768xf32, #tpu.memory_space<hbm>>
    tpu.wait_indirect_dma semaphore(%arg23 : memref<!tpu.dma_semaphore, #tpu.memory_space<semaphore_mem>>) src(%arg10 : memref<32x768xf32, #tpu.memory_space<vmem>>) dst(%dma_wait3A_75 : memref<32768x768xf32, #tpu.memory_space<hbm>>)
    return
  }
}

</mosaic_0001>

<sc_bundles>
// kernel: kernel.3.cloned.1.call-start
scs
__scs_entry_jumppad:
0x0: {  	(pc) =	sbr.rel $0x88, $3  }
0x1: {  	(tag) =	ssettag $0x0;
	lr =	simm.s32 $0x1  }
0x2: {  	[smem:$0x3F9C] =	sst lr;
	_ =	strace $0xD0000000  }
0x3: {  	_ = 	snop  }
0x4: {  	_ = 	snop  }
0x5: {  	_ = 	snop  }
0x6: {  	_ = 	snop  }
0x7: {  	_ = 	snop  }
__scs_overlays_trampoline_lowered:
0x8: {  	[smem:$0x3FAB] =	sst s0  }
0x9: {  	[smem:$0x3FAC] =	sst s1  }
0xa: {  	[smem:$0x3FAD] =	sst s2  }
0xb: {  	[smem:$0x3FAE] =	sst s3  }
0xc: {  	[smem:$0x3FAF] =	sst s4  }
0xd: {  	[smem:$0x3FB0] =	sst s5  }
0xe: {  	[smem:$0x3FB1] =	sst s6  }
0xf: {  	[smem:$0x3FB2] =	sst s7  }
0x10: {  	[smem:$0x3FB3] =	sst s8  }
0x11: {  	[smem:$0x3FB4] =	sst s9;
	s0 =	simm.s32 @!p0 $0x0  }
0x12: {  	s1 =	sld [smem:$0x3F9A];
	s0 =	simm.s32 @p0 $0x1  }
0x13: {  	[smem:$0x3FB5] =	sst s0;
	s0 =	simm.s32 @!p1 $0x0  }
0x14: {  	s2 =	sld [smem:$0x3F99];
	s0 =	simm.s32 @p1 $0x1  }
0x15: {  	[smem:$0x3FB6] =	sst s0;
	s0 =	simm.s32 @!p2 $0x0  }
0x16: {  	s3 =	sld [smem:$0x3FDB];
	s0 =	simm.s32 @p2 $0x1  }
0x17: {  	s4 =	simm.s32 $0x1BF5;
	[smem:$0x3FB8] =	sst s0  }
0x18: {  	s0 =	sld [smem:$0x3F9B];
	_ =	swait.ge [sflag:s4], $0x0  }
0x19: {  	s7 =	sld [smem:$0x3F9C]  }
0x1a: {  	s8 =	sadd.s32 $0xFFFFE003, lr  }
0x1b: {  	s9 =	sadd.s32 $0xFFFFFEF7, lr;
	s5 =	simm.s32 $0xFFFFFFFF;
	p2 =	slt.u32 s8, $0xFFFFF086  }
0x1c: {  	p1 =	slt.u32 s9, $0xF7A;
	s5 =	simm.s32 @!p2 $0x0  }
0x1d: {  	s5 =	simm.s32 @p1 $0x1;
	p0 =	seq.s32 s7, s2  }
0x1e: {  	s7 =	smul.u32 @!p0 $0xF7A, s2;
	p2 =	seq.s32 @!p0 s5, $0x0  }
0x1f: {  	s9 =	smul.u32 $0xF7A, s1;
	s8 =	simm.s32 @!p0 $0x1BF5;
	p2 =	por !p2, p0  }
0x20: {  	[sflag:s8] =	ssyncset.s32 @!p0 $0xFFFFF086;
	s6 =	sadd.s32 @!p0 s3, s7;
	s7 =	simm.s32 @!p0 $0x108  }
0x21: {  	s3 =	sadd.s32 s3, s9;
	s6 =	sadd.s32 @!p0 $0x88, s6;
	s7 =	simm.s32 @p2 $0x1082  }
0x22: {  	[simem:s7], [sflag:s8] =	dma.local @!p0 [hbm:s6], $0xF7A  }
0x23: {  	s9 =	sor.u32 $0xD0000000, s2;
	s6 =	simm.s32 $0x108;
	_ =	swait.ge @!p0 [sflag:s8], $0x0  }
0x24: {  	s3 =	sadd.s32 $0x88, s3;
	s6 =	simm.s32 @!p1 $0x1082;
	[sflag:s4] =	ssyncset.s32 $0xFFFFF086  }
0x25: {  	[simem:s6], [sflag:s4] =	dma.local [hbm:s3], $0xF7A  }
0x26: {  	[smem:$0x3F9C] =	sst s1;
	(tag) =	ssettag s2;
	_ =	strace s9  }
0x27: {  	s1 =	sld [smem:$0x3FAC]  }
0x28: {  	s2 =	sld [smem:$0x3FAD]  }
0x29: {  	s4 =	sld [smem:$0x3FAF]  }
0x2a: {  	p0 =	seq.s32 s5, $0x0;
	s5 =	sld [smem:$0x3FB0]  }
0x2b: {  	s6 =	sld [smem:$0x3FB1]  }
0x2c: {  	s7 =	sld [smem:$0x3FB2]  }
0x2d: {  	s3 =	simm.s32 $0x108;
	s8 =	sld [smem:$0x3FB3]  }
0x2e: {  	s3 =	simm.s32 @!p0 $0x1082;
	s9 =	sld [smem:$0x3FB4]  }
0x2f: {  	lr =	sadd.s32 s0, s3;
	s0 =	sld [smem:$0x3FAB]  }
0x30: {  	s3 =	sld [smem:$0x3FAE]  }
0x31: {  	[smem:$0x3FB7] =	sst s10  }
0x32: {  	s10 =	sld [smem:$0x3FB5];
	_ =	sdelay $0x3  }
0x33: {  	p0 =	seq.s32 s10, $0x1;
	s10 =	sld [smem:$0x3FB7];
	_ =	sdelay $0x3  }
0x34: {  	[smem:$0x3FB7] =	sst s10  }
0x35: {  	s10 =	sld [smem:$0x3FB6];
	_ =	sdelay $0x3  }
0x36: {  	p1 =	seq.s32 s10, $0x1;
	s10 =	sld [smem:$0x3FB7];
	_ =	sdelay $0x3  }
0x37: {  	[smem:$0x3FB7] =	sst s10  }
0x38: {  	s10 =	sld [smem:$0x3FB8]  }
0x39: {  	_ = 	snop;
	(pc) =	sbr.ind lr, $3  }
0x3a: {  	_ = 	snop  }
0x3b: {  	_ = 	snop  }
0x3c: {  	p2 =	seq.s32 s10, $0x1;
	s10 =	sld [smem:$0x3FB7]  }
0x3d: {  	_ =	shalt  }
0x3e: {  	_ =	shalt  }
0x3f: {  	_ =	shalt  }
0x40: {  	_ =	shalt  }
0x41: {  	_ =	shalt  }
0x42: {  	_ =	shalt  }
0x43: {  	_ =	shalt  }
0x44: {  	_ =	shalt  }
0x45: {  	_ =	shalt  }
0x46: {  	_ =	shalt  }
0x47: {  	_ =	shalt  }
0x48: {  	_ =	shalt  }
0x49: {  	_ =	shalt  }
0x4a: {  	_ =	shalt  }
0x4b: {  	_ =	shalt  }
0x4c: {  	_ =	shalt  }
0x4d: {  	_ =	shalt  }
0x4e: {  	_ =	shalt  }
0x4f: {  	_ =	shalt  }
0x50: {  	_ =	shalt  }
0x51: {  	_ =	shalt  }
0x52: {  	_ =	shalt  }
0x53: {  	_ =	shalt  }
0x54: {  	_ =	shalt  }
0x55: {  	_ =	shalt  }
0x56: {  	_ =	shalt  }
0x57: {  	_ =	shalt  }
0x58: {  	_ =	shalt  }
0x59: {  	_ =	shalt  }
0x5a: {  	_ =	shalt  }
0x5b: {  	_ =	shalt  }
0x5c: {  	_ =	shalt  }
0x5d: {  	_ =	shalt  }
0x5e: {  	_ =	shalt  }
0x5f: {  	_ =	shalt  }
0x60: {  	_ =	shalt  }
0x61: {  	_ =	shalt  }
0x62: {  	_ =	shalt  }
0x63: {  	_ =	shalt  }
0x64: {  	_ =	shalt  }
0x65: {  	_ =	shalt  }
0x66: {  	_ =	shalt  }
0x67: {  	_ =	shalt  }
0x68: {  	_ =	shalt  }
0x69: {  	_ =	shalt  }
0x6a: {  	_ =	shalt  }
0x6b: {  	_ =	shalt  }
0x6c: {  	_ =	shalt  }
0x6d: {  	_ =	shalt  }
0x6e: {  	_ =	shalt  }
0x6f: {  	_ =	shalt  }
0x70: {  	_ =	shalt  }
0x71: {  	_ =	shalt  }
0x72: {  	_ =	shalt  }
0x73: {  	_ =	shalt  }
0x74: {  	_ =	shalt  }
0x75: {  	_ =	shalt  }
0x76: {  	_ =	shalt  }
0x77: {  	_ =	shalt  }
0x78: {  	_ =	shalt  }
0x79: {  	_ =	shalt  }
0x7a: {  	_ =	shalt  }
0x7b: {  	_ =	shalt  }
0x7c: {  	_ =	shalt  }
0x7d: {  	_ =	shalt  }
0x7e: {  	_ =	shalt  }
0x7f: {  	_ =	shalt  }
0x80: {  	_ =	shalt  }
0x81: {  	_ =	shalt  }
0x82: {  	_ =	shalt  }
0x83: {  	_ =	shalt  }
0x84: {  	_ =	shalt  }
0x85: {  	_ =	shalt  }
0x86: {  	_ =	shalt  }
0x87: {  	_ =	shalt  }
.Lfunc_end0:
.L_simem_size_0:
called_computation_lowered:
.L_overlay_start_0:
0x88: {  	s2 =	sld [smem:$0x3FD9]  }
0x89: {  	s3 =	sld [smem:$0x3FFE];
	_ =	sdelay $0x1  }
0x8a: {  	s1 =	srdreg.scid  }
0x8b: {  	s0 =	sand.u32 $0x1, s1  }
0x8c: {  	s17 =	sshll.u32 s0, $0xA;
	s2 =	sadd.s32 s3, s2  }
0x8d: {  	s2 =	sadd.s32 s2, s17  }
0x8e: {  	[smem:$0x3FC3] =	sst s2  }
0x8f: {  	_ = 	snop  }
0x90: {  	s2 =	sld [smem:$0x3FC8]  }
0x91: {  	s18 =	sld [smem:$0x3FC7]  }
0x92: {  	s4 =	sld [smem:$0x3FC6]  }
0x93: {  	s5 =	sld [smem:$0x3FC5]  }
0x94: {  	s6 =	sld [smem:$0x3FD0];
	(tm) =	ssettm $0x1  }
0x95: {  	s7 =	sld [smem:$0x3FFB];
	_ =	sdelay $0x3  }
0x96: {  	_ =	strace s7  }
0x97: {  	s7 =	sld [smem:$0x3FFC];
	_ =	sdelay $0x3  }
0x98: {  	_ =	strace s7  }
0x99: {  	s7 =	sld [smem:$0x3FFD];
	_ =	sdelay $0x3  }
0x9a: {  	_ =	strace s7  }
0x9b: {  	_ =	strace $0x8FFFFFFF  }
0x9c: {  	s19 =	sld [smem:$0x3FDB];
	_ =	sdelay $0x1  }
0x9d: {  	s8 =	simm.s32 $_scs_section_size  }
0x9e: {  	s9 =	simm.s32 $_size__tile_overlayer_lowered;
	s10 =	simm.s32 $_tile_overlayer_lowered  }
0x9f: {  	s22 =	simm.s32 $0x1BFF;
	s21 =	sshll.u32 s10, $0x1;
	s7 =	sadd.s32 s8, s19  }
0xa0: {  	s11 =	simm.s32 $0x0;
	s20 =	sshll.u32 s9, $0x1;
	s9 =	sadd.s32 s21, s7  }
0xa1: {  	[timem:s11], [sflag:s22] =	dma.local [hbm:s9], s20  }
0xa2: {  	_ =	swait.ge [sflag:s22], s20  }
0xa3: {  	s8 =	ssub.s32 $0x0, s20;
	[sflag:s22] =	ssyncset.done $0x0  }
0xa4: {  	[sflag:s22] =	ssyncadd.s32 s8;
	_ =	sdelay $0x1  }
0xa5: {  	s23 =	simm.s32 $0x1B8B  }
0xa6: {  	_ =	swait.ge [sflag:s23], $0x1  }
0xa7: {  	[sflag:s23] =	ssyncset.done $0x0  }
0xa8: {  	s25 =	simm.s32 $0x1B8E;
	s24 =	sld [smem:$0x3FFE];
	[sflag:s23] =	ssyncadd.s32 $0xFFFFFFFF  }
0xa9: {  	s26 =	simm.s32 $execute0_lowered;
	[smem:$0x3FD2] =	sst s25  }
0xaa: {  	s9 =	sshll.u32 s26, $0x1;
	_ =	strace $0x80000046;
	[dreg:$0x1] =	wrdreg $0xFFFFFFFF  }
0xab: {  	s28 =	simm.s32 $_size_execute0_lowered;
	s7 =	sadd.s32 s7, s9;
	[dreg:$0x0] =	wrdreg $0x0  }
0xac: {  	s9 =	sshll.u32 s28, $0x1;
	[dreg:$0x2] =	wrdreg s7  }
0xad: {  	[dreg:$0x3] =	wrdreg s9  }
0xae: {  	[dreg:$0x4] =	wrdreg $0xC0  }
0xaf: {  	_ =	task [dreg:s11], $0x5FFFF  }
0xb0: {  	[dreg:$0x1] =	wrdreg $0xFFFFFFFF  }
0xb1: {  	[dreg:$0x0] =	wrdreg $0x60  }
0xb2: {  	[dreg:$0x2] =	wrdreg s24  }
0xb3: {  	[dreg:$0x3] =	wrdreg s2  }
0xb4: {  	[dreg:$0x4] =	wrdreg s18  }
0xb5: {  	[dreg:$0x5] =	wrdreg s4  }
0xb6: {  	[dreg:$0x6] =	wrdreg s5  }
0xb7: {  	[dreg:$0x7] =	wrdreg s6  }
0xb8: {  	[dreg:$0x8] =	wrdreg $0x9  }
0xb9: {  	_ =	task.clear_ibuf [dreg:s11], $0x9FFFF;
	_ =	strace $0x90000046  }
0xba: {  	s29 =	simm.s32 $0x9;
	_ =	strace $0x80000048  }
0xbb: {  	_ =	swait.ge [sflag:s29], $0x1  }
0xbc: {  	[sflag:s29] =	ssyncadd.s32 $0xFFFFFFFF  }
0xbd: {  	_ =	strace $0x90000048  }
0xbe: {  	_ =	sfence  }
0xbf: {  	s30 =	sld [smem:$0x0];
	_ =	sdelay $0x2  }
0xc0: {  	s31 =	sshll.u32 s1, $0xD;
	s1 =	sshrl.u32 s1, $0x2  }
0xc1: {  	s3 =	sand.u32 $0x4000, s31;
	s1 =	sadd.s32 s1, s30  }
0xc2: {  	s0 =	sor.u32 s3, s0;
	s1 =	sshll.u32 s1, $0x11  }
0xc3: {  	s0 =	sor.u32 s1, s0  }
0xc4: {  	s0 =	sadd.s32 $0x8F2B, s0  }
0xc5: {  	[sflag:s0] =	ssyncadd.remote.s32 $0x1  }
0xc6: {  	_ =	sfence.sel $0xFFFF  }
0xc7: {  	[dreg:$0x0] =	wrdreg $0xFFFFFFFF;
	(pc) =	sbr.abs _section_cstart, $3  }
0xc8: {  	[dreg:$0x1] =	wrdreg $0xFFFFFFFF  }
0xc9: {  	_ =	task.clear_ibuf [dreg:s11], $0x2FFFF;
	_ =	strace $0x9FFFFFFF  }
0xca: {  	(tm) =	ssettm $0x7FFFFFFF  }
0xcb: {  	_ =	shalt  }
tec
execute0_lowered:
.L_overlay_start_1:
0x0: {  	(tag) =	ssettag $0x1  }
0x1: {  	v0 =	vimm.s32 $0x6003;
	vm0 =	vcmask $0x300;
	vm1 =	vcmask $0x704  }
0x2: {  	vm2 =	vcmask $0xB08;
	vm3 =	vcmask $0xF0C;
	v1 =	vimm.s32 $0x6007  }
0x3: {  	vm4 =	vcmask $0x1310;
	vm14 =	vcmask $0x2724;
	vm15 =	vcmask $0x3B38  }
0x4: {  	v4 =	vimm.s32 $0xBA98FEDC;
	v5 =	vimm.s32 $0x76543210;
	v6 =	vimm.s32 $0xFEDCBA98  }
0x5: {  	v7 =	vimm.s32 $0x32107654;
	v8 =	vimm.s32 $0xDCFE98BA;
	v9 =	vimm.s32 $0x54761032  }
0x6: {  	v10 =	vimm.s32 $0xEFCDAB89;
	v11 =	vimm.s32 $0x67452301;
	v0 =	vsel vm0, $0x0, v0  }
0x7: {  	v1 =	vsel vm0, $0x4, v1;
	vm0 =	vcmask $0x1714;
	v4 =	vunpack.c.l.s4.s8 v4  }
0x8: {  	v5 =	vunpack.c.l.s4.s8 v5;
	v7 =	vunpack.c.l.s4.s8 v7;
	v8 =	vunpack.c.l.s4.s8 v8  }
0x9: {  	v9 =	vunpack.c.l.s4.s8 v9;
	v10 =	vunpack.c.l.s4.s8 v10;
	v11 =	vunpack.c.l.s4.s8 v11  }
0xa: {  	v6 =	vunpack.c.l.s4.s8 v6;
	v0 =	vsel vm1, $0x2000, v0;
	v1 =	vsel vm1, $0x2004, v1  }
0xb: {  	vm1 =	vcmask $0x1B18;
	v0 =	vsel vm2, $0x4000, v0;
	v1 =	vsel vm2, $0x4004, v1  }
0xc: {  	s0 =	rddreg [dreg:$0x0];
	vm2 =	vcmask $0x1F1C;
	v4 =	vunpack.c.0.s8.s32 v4;
	v7 =	vunpack.c.0.s8.s32 v7  }
0xd: {  	s4 =	rddreg [dreg:$0x1];
	v8 =	vunpack.c.0.s8.s32 v8;
	v9 =	vunpack.c.0.s8.s32 v9;
	v6 =	vunpack.c.0.s8.s32 v6  }
0xe: {  	s5 =	rddreg [dreg:$0x2];
	v0 =	vsel vm3, $0x6000, v0;
	v1 =	vsel vm3, $0x6004, v1;
	vm3 =	vcmask $0x2320  }
0xf: {  	s1 =	srdreg.scid;
	s2 =	stileid.u32;
	v0 =	vsel vm4, $0x1, v0;
	v1 =	vsel vm4, $0x5, v1;
	v12 =	vcombine.low v7, v4  }
0x10: {  	s6 =	rddreg [dreg:$0x5];
	s7 =	simm.s32 $0x0;
	s8 =	simm.s32 $0x7C00;
	v4 =	vunpack.c.0.s8.s32 v10;
	v7 =	vunpack.c.0.s8.s32 v11;
	v10 =	vlaneseq.u32  }
0x11: {  	s9 =	simm.s32 $0x8400;
	s10 =	simm.s32 $0x8C00;
	s11 =	simm.s32 $0x9400;
	v9 =	vcombine.low v9, v8;
	v11 =	vunpack.c.0.s8.s32 v5;
	v0 =	vsel vm0, $0x2001, v0  }
0x12: {  	s12 =	simm.s32 $0x9C00;
	s13 =	simm.s32 $0xA400;
	s14 =	simm.s32 $0xAC00;
	v1 =	vsel vm0, $0x2005, v1;
	vm0 =	vcmask $0x2B28;
	v8 =	vshrl.u32 v10, $0x3  }
0x13: {  	s15 =	simm.s32 $0xB400;
	s16 =	simm.s32 $0xBC00;
	s1 =	sand.u32 $0x1, s1;
	v0 =	vsel vm1, $0x4001, v0;
	v1 =	vsel vm1, $0x4005, v1;
	vm1 =	vcmask $0x2F2C  }
0x14: {  	s2 =	sshll.u32 s2, $0x1;
	[smem:$0x7FF] =	sst s7;
	s25 =	sadd.s32 $0x100, s4;
	v13 =	vcombine.low v7, v4;
	v4 =	vand.u32 $0x7, v10;
	v5 =	vmul.u32 $0x8, v8  }
0x15: {  	s26 =	sadd.s32 $0x200, s4;
	_ =	strace $0x80000047;
	[dreg:$0x13] =	wrdreg s25;
	v7 =	vand.u32 $0xF, v6;
	v6 =	vor.u32 $0x8, v10;
	v0 =	vsel vm2, $0x6001, v0  }
0x16: {  	s29 =	sadd.s32 $0x100, s6;
	s30 =	sadd.s32 $0x200, s6;
	[dreg:$0x14] =	wrdreg s26;
	v8 =	vand.u32 $0xF, v12;
	v1 =	vsel vm2, $0x6005, v1;
	v0 =	vsel vm3, $0x2, v0  }
0x17: {  	s6 =	simm.s32 $0x6C00;
	s2 =	sor.u32 s1, s2;
	[dreg:$0x16] =	wrdreg s29;
	v9 =	vand.u32 $0xF, v9;
	v1 =	vsel vm3, $0x6, v1;
	v0 =	vsel vm14, $0x2002, v0  }
0x18: {  	s1 =	ssub.s32 $0x2, s1;
	[dreg:$0x17] =	wrdreg s30;
	s3 =	sshll.u32 s2, $0x7;
	vm2 =	vcmask $0x3330;
	v1 =	vsel vm14, $0x2006, v1;
	v0 =	vsel vm0, $0x4002, v0  }
0x19: {  	s24 =	sshll.u32 s2, $0x8;
	s2 =	smul.u32 $0x6000, s2;
	s0 =	sadd.s32 s3, s0;
	v7 =	vcombine.low v7, v11;
	v3 =	vsel vm0, $0x4006, v1;
	v0 =	vsel vm1, $0x6002, v0  }
0x1a: {  	s23 =	sshrl.u32 s1, $0x1;
	[dreg:$0x11] =	wrdreg s24;
	s0 =	sadd.s32 $0x400, s0;
	vm3 =	vcmask $0x3734;
	v3 =	vsel vm1, $0x6006, v3;
	v0 =	vsel vm2, $0x3, v0  }
0x1b: {  	s1 =	ssub.s32 s1, s23;
	s28 =	sadd.s32 s5, s2;
	[dreg:$0x12] =	wrdreg s0;
	v10 =	vand.u32 $0xF, v13;
	v3 =	vsel vm2, $0x7, v3;
	v2 =	vsel vm3, $0x2003, v0  }
0x1c: {  	s7 =	simm.s32 $0x7400;
	s31 =	smax.u32 s1, $0x1;
	[dreg:$0x15] =	wrdreg s28;
	vm0 =	vmmov $0xffff;
	v3 =	vsel vm3, $0x2007, v3;
	v1 =	vsel vm15, $0x4003, v2  }
0x1d: {  	s5 =	simm.s32 $0x6400;
	s2 =	simm.s32 $0x0;
	[dreg:$0x18] =	wrdreg s31;
	v0 =	vmov s24;
	v3 =	vsel vm15, $0x4007, v3;
	v2 =	vor.u32 s24, v1  }
.LBB2_1:
0x1e: {  	[dreg:$0x19] =	wrdreg s2  }
0x1f: {  	s0 =	rddreg [dreg:$0x3]  }
0x20: {  	s1 =	simm.s32 $0x0;
	s26 =	simm.s32 $0xF580;
	s3 =	simm.s32 $0x7  }
0x21: {  	[tilespmem:s26], [sflag:$0x7] =	stream.linear.gather [hbm4b:s0+s1], $0x300, $0x38;
	[tilespmem:$0xFB80] =	vst v63  }
0x22: {  	_ =	swait.ge [sflag:s3], $0x300  }
0x23: {  	[sflag:s3] =	ssyncset.done $0x0  }
0x24: {  	[sflag:s3] =	ssyncadd.s32 $0xFFFFFD00  }
0x25: {  	s29 =	simm.s32 $0xF880;
	s28 =	rddreg [dreg:$0x4]  }
0x26: {  	[tilespmem:s29], [sflag:$0x7] =	stream.linear.gather [hbm4b:s28+s1], $0x300, $0x38;
	[tilespmem:$0xFB80] =	vst v63  }
0x27: {  	_ =	swait.ge [sflag:s3], $0x300  }
0x28: {  	[sflag:s3] =	ssyncset.done $0x0  }
0x29: {  	s30 =	rddreg [dreg:$0x12];
	[sflag:s3] =	ssyncadd.s32 $0xFFFFFD00  }
0x2a: {  	[tilespmem:s1], [sflag:$0x7] =	stream.linear.gather [hbm4b:s30+s1], $0x400, $0x38;
	[tilespmem:$0xFB80] =	vst v63  }
0x2b: {  	_ =	swait.ge [sflag:s3], $0x400  }
0x2c: {  	[sflag:s3] =	ssyncset.done $0x0  }
0x2d: {  	[sflag:s3] =	ssyncadd.s32 $0xFFFFFC00  }
0x2e: {  	v11 =	vld [tilespmem:$0x0];
	_ =	sdelay $0x4  }
0x2f: {  	v12 =	vshrl.u32 v11, $0x3  }
0x30: {  	v12 =	vmul.u32 $0x30, v12  }
0x31: {  	v11 =	vand.u32 $0x7, v11  }
0x32: {  	[tilespmem:$0xF510] =	vst v3;
	v11 =	vor.u32 v11, v12  }
0x33: {  	v13 =	vld [tilespmem:$0xF510];
	v12 =	vperm.xlane v11, v4;
	_ =	sdelay $0x1  }
0x34: {  	v12 =	vadd.s32 v5, v12;
	_ =	sdelay $0x1  }
0x35: {  	[tilespmem:$0xF500] =	vst v1  }
0x36: {  	[tilespmem:$0xF400] =	vst v2;
	v13 =	vadd.s32 v0, v13  }
0x37: {  	s4 =	simm.s32 $0x400;
	s31 =	rddreg [dreg:$0x1];
	[tilespmem:$0xF410] =	vst v13;
	v11 =	vperm.xlane v11, v6  }
0x38: {  	[tilespmem:s4], [sflag:$0x1] =	stream.indirect_vreg.gather [hbm4b:s31+s1], $0x80, v12, vm0, $0xb8;
	[tilespmem:$0xFB80] =	vst v63  }
0x39: {  	s18 =	simm.s32 $0xC00;
	s17 =	rddreg [dreg:$0x13];
	v11 =	vadd.s32 v5, v11  }
0x3a: {  	[tilespmem:s18], [sflag:$0x1] =	stream.indirect_vreg.gather [hbm4b:s17+s1], $0x80, v12, vm0, $0xb8;
	[tilespmem:$0xFB80] =	vst v63  }
0x3b: {  	s19 =	rddreg [dreg:$0x14];
	s4 =	simm.s32 $0x1400  }
0x3c: {  	[tilespmem:s4], [sflag:$0x1] =	stream.indirect_vreg.gather [hbm4b:s19+s1], $0x80, v12, vm0, $0xb8;
	[tilespmem:$0xFB80] =	vst v63  }
0x3d: {  	s20 =	simm.s32 $0x1C00  }
0x3e: {  	[tilespmem:s20], [sflag:$0x1] =	stream.indirect_vreg.gather [hbm4b:s31+s1], $0x80, v11, vm0, $0xb8;
	[tilespmem:$0xFB80] =	vst v63  }
0x3f: {  	s21 =	simm.s32 $0x2400  }
0x40: {  	[tilespmem:s21], [sflag:$0x1] =	stream.indirect_vreg.gather [hbm4b:s17+s1], $0x80, v11, vm0, $0xb8;
	[tilespmem:$0xFB80] =	vst v63  }
0x41: {  	s22 =	simm.s32 $0x2C00  }
0x42: {  	[tilespmem:s22], [sflag:$0x1] =	stream.indirect_vreg.gather [hbm4b:s19+s1], $0x80, v11, vm0, $0xb8;
	[tilespmem:$0xFB80] =	vst v63  }
0x43: {  	v11 =	vld [tilespmem:$0x10];
	_ =	sdelay $0x4  }
0x44: {  	v63 =	vshrl.u32 v11, $0x3  }
0x45: {  	v12 =	vmul.u32 $0x30, v63  }
0x46: {  	v11 =	vand.u32 $0x7, v11  }
0x47: {  	v11 =	vor.u32 v11, v12  }
0x48: {  	v12 =	vperm.xlane v11, v4;
	_ =	sdelay $0x1  }
0x49: {  	v12 =	vadd.s32 v5, v12;
	_ =	sdelay $0x3  }
0x4a: {  	s23 =	simm.s32 $0x3400;
	v11 =	vperm.xlane v11, v6  }
0x4b: {  	[tilespmem:s23], [sflag:$0x1] =	stream.indirect_vreg.gather [hbm4b:s31+s1], $0x80, v12, vm0, $0xb8;
	[tilespmem:$0xFB80] =	vst v63  }
0x4c: {  	s24 =	simm.s32 $0x3C00;
	v11 =	vadd.s32 v5, v11  }
0x4d: {  	[tilespmem:s24], [sflag:$0x1] =	stream.indirect_vreg.gather [hbm4b:s17+s1], $0x80, v12, vm0, $0xb8;
	[tilespmem:$0xFB80] =	vst v63  }
0x4e: {  	s25 =	simm.s32 $0x4400  }
0x4f: {  	[tilespmem:s25], [sflag:$0x1] =	stream.indirect_vreg.gather [hbm4b:s19+s1], $0x80, v12, vm0, $0xb8;
	[tilespmem:$0xFB80] =	vst v63  }
0x50: {  	s26 =	simm.s32 $0x4C00  }
0x51: {  	[tilespmem:s26], [sflag:$0x1] =	stream.indirect_vreg.gather [hbm4b:s31+s1], $0x80, v11, vm0, $0xb8;
	[tilespmem:$0xFB80] =	vst v63  }
0x52: {  	s28 =	simm.s32 $0x5400  }
0x53: {  	[tilespmem:s28], [sflag:$0x1] =	stream.indirect_vreg.gather [hbm4b:s17+s1], $0x80, v11, vm0, $0xb8;
	[tilespmem:$0xFB80] =	vst v63  }
0x54: {  	s29 =	simm.s32 $0x5C00  }
0x55: {  	[tilespmem:s29], [sflag:$0x1] =	stream.indirect_vreg.gather [hbm4b:s19+s1], $0x80, v11, vm0, $0xb8;
	[tilespmem:$0xFB80] =	vst v63  }
0x56: {  	s30 =	rddreg [dreg:$0x15];
	s31 =	simm.s32 $0xC400  }
0x57: {  	[tilespmem:s31], [sflag:$0x3] =	stream.linear.gather [hbm4b:s30+s1], $0x1800, $0x38;
	[tilespmem:$0xFB80] =	vst v63  }
0x58: {  	s1 =	simm.s32 $0x0  }
.LBB2_2:
0x59: {  	p0 =	seq.s32 s1, $0x0  }
0x5a: {  	s0 =	simm.s32 @!p0 $0x6  }
0x5b: {  	_ =	swait.ge @!p0 [sflag:s0], $0x6000  }
0x5c: {  	[sflag:s0] =	ssyncset.done @!p0 $0x0  }
0x5d: {  	[sflag:s0] =	ssyncadd.s32 @!p0 $0xFFFFA000  }
0x5e: {  	v11 =	vld [tilespmem:$0xF500]  }
0x5f: {  	s23 =	sshll.u32 s1, $0x1;
	v12 =	vld [tilespmem:$0xF510]  }
0x60: {  	s0 =	sor.u32 $0x1, s23  }
0x61: {  	s2 =	rddreg [dreg:$0x11];
	s24 =	sshll.u32 s0, $0x3  }
0x62: {  	[dreg:$0x1a] =	wrdreg s1;
	s1 =	sadd.s32 s2, s24  }
0x63: {  	v11 =	vadd.s32 s1, v11  }
0x64: {  	s0 =	sshll.u32 s0, $0x5;
	[tilespmem:$0xF480] =	vst v11;
	v11 =	vadd.s32 s1, v12  }
0x65: {  	s0 =	sand.u32 $0x3FFFFFE0, s0;
	[tilespmem:$0xF490] =	vst v11  }
0x66: {  	v11 =	vld [tilespmem:s0+$0x0];
	_ =	sdelay $0x4  }
0x67: {  	v62 =	vshrl.u32 v11, $0x3  }
0x68: {  	v12 =	vmul.u32 $0x30, v62  }
0x69: {  	v11 =	vand.u32 $0x7, v11  }
0x6a: {  	v11 =	vor.u32 v11, v12  }
0x6b: {  	v12 =	vperm.xlane v11, v4;
	_ =	sdelay $0x1  }
0x6c: {  	v12 =	vadd.s32 v5, v12;
	_ =	sdelay $0x3  }
0x6d: {  	s17 =	simm.s32 $0x0;
	s25 =	rddreg [dreg:$0x1];
	v11 =	vperm.xlane v11, v6  }
0x6e: {  	[tilespmem:s5], [sflag:$0x2] =	stream.indirect_vreg.gather [hbm4b:s25+s17], $0x80, v12, vm0, $0xb8;
	[tilespmem:$0xFB80] =	vst v63  }
0x6f: {  	s3 =	rddreg [dreg:$0x13];
	v11 =	vadd.s32 v5, v11  }
0x70: {  	[tilespmem:s6], [sflag:$0x2] =	stream.indirect_vreg.gather [hbm4b:s3+s17], $0x80, v12, vm0, $0xb8;
	[tilespmem:$0xFB80] =	vst v63  }
0x71: {  	s4 =	rddreg [dreg:$0x14]  }
0x72: {  	[tilespmem:s7], [sflag:$0x2] =	stream.indirect_vreg.gather [hbm4b:s4+s17], $0x80, v12, vm0, $0xb8;
	[tilespmem:$0xFB80] =	vst v63  }
0x73: {  	_ = 	snop  }
0x74: {  	[tilespmem:s8], [sflag:$0x2] =	stream.indirect_vreg.gather [hbm4b:s25+s17], $0x80, v11, vm0, $0xb8;
	[tilespmem:$0xFB80] =	vst v63  }
0x75: {  	_ = 	snop  }
0x76: {  	[tilespmem:s9], [sflag:$0x2] =	stream.indirect_vreg.gather [hbm4b:s3+s17], $0x80, v11, vm0, $0xb8;
	[tilespmem:$0xFB80] =	vst v63  }
0x77: {  	_ = 	snop  }
0x78: {  	[tilespmem:s10], [sflag:$0x2] =	stream.indirect_vreg.gather [hbm4b:s4+s17], $0x80, v11, vm0, $0xb8;
	[tilespmem:$0xFB80] =	vst v63  }
0x79: {  	v11 =	vld [tilespmem:s0+$0x10];
	_ =	sdelay $0x4  }
0x7a: {  	v63 =	vshrl.u32 v11, $0x3  }
0x7b: {  	v12 =	vmul.u32 $0x30, v63  }
0x7c: {  	v11 =	vand.u32 $0x7, v11  }
0x7d: {  	v11 =	vor.u32 v11, v12  }
0x7e: {  	v12 =	vperm.xlane v11, v4;
	_ =	sdelay $0x1  }
0x7f: {  	v12 =	vadd.s32 v5, v12;
	_ =	sdelay $0x3  }
0x80: {  	v11 =	vperm.xlane v11, v6  }
0x81: {  	[tilespmem:s11], [sflag:$0x2] =	stream.indirect_vreg.gather [hbm4b:s25+s17], $0x80, v12, vm0, $0xb8;
	[tilespmem:$0xFB80] =	vst v63  }
0x82: {  	v11 =	vadd.s32 v5, v11  }
0x83: {  	[tilespmem:s12], [sflag:$0x2] =	stream.indirect_vreg.gather [hbm4b:s3+s17], $0x80, v12, vm0, $0xb8;
	[tilespmem:$0xFB80] =	vst v63  }
0x84: {  	_ = 	snop  }
0x85: {  	[tilespmem:s13], [sflag:$0x2] =	stream.indirect_vreg.gather [hbm4b:s4+s17], $0x80, v12, vm0, $0xb8;
	[tilespmem:$0xFB80] =	vst v63  }
0x86: {  	_ = 	snop  }
0x87: {  	[tilespmem:s14], [sflag:$0x2] =	stream.indirect_vreg.gather [hbm4b:s25+s17], $0x80, v11, vm0, $0xb8;
	[tilespmem:$0xFB80] =	vst v63  }
0x88: {  	s26 =	sshrl.u32 s1, $0x3  }
0x89: {  	[tilespmem:s15], [sflag:$0x2] =	stream.indirect_vreg.gather [hbm4b:s3+s17], $0x80, v11, vm0, $0xb8;
	[tilespmem:$0xFB80] =	vst v63  }
0x8a: {  	s29 =	simm.s32 $0xDC00;
	s28 =	rddreg [dreg:$0x2];
	s0 =	smul.u32 $0x300, s26  }
0x8b: {  	[tilespmem:s16], [sflag:$0x2] =	stream.indirect_vreg.gather [hbm4b:s4+s17], $0x80, v11, vm0, $0xb8;
	[tilespmem:$0xFB80] =	vst v63  }
0x8c: {  	s30 =	simm.s32 $0x1;
	[dreg:$0x1b] =	wrdreg s23;
	s0 =	sadd.s32 s28, s0  }
0x8d: {  	[tilespmem:s29], [sflag:$0x4] =	stream.linear.gather [hbm4b:s0+s17], $0x1800, $0x38;
	[tilespmem:$0xFB80] =	vst v63  }
0x8e: {  	_ =	swait.ge [sflag:s30], $0x6000  }
0x8f: {  	[sflag:s30] =	ssyncset.done $0x0  }
0x90: {  	s31 =	simm.s32 $0x3;
	[sflag:s30] =	ssyncadd.s32 $0xFFFFA000  }
0x91: {  	_ =	swait.ge [sflag:s31], $0x1800  }
0x92: {  	[sflag:s31] =	ssyncset.done $0x0  }
0x93: {  	s1 =	simm.s32 $0x0;
	[sflag:s31] =	ssyncadd.s32 $0xFFFFE800  }
.LBB2_3:
0x94: {  	s0 =	sshll.u32 s1, $0x9;
	[dreg:$0x1c] =	wrdreg s1;
	s8 =	sshrl.u32 s1, $0x1  }
0x95: {  	s9 =	simm.s32 $0x0;
	s11 =	simm.s32 $0x0;
	s1 =	smul.u32 $0x6000, s8  }
0x96: {  	s2 =	sshrl.u32 s0, $0x2;
	s0 =	sand.u32 $0x200, s0;
	s10 =	sand.u32 $0x60, s9  }
0x97: {  	s23 =	sadd.s32 $0xC400, s2;
	s2 =	sand.u32 $0x1C00, s11;
	s1 =	sshra.s32 s1, $0x2  }
0x98: {  	s3 =	sor.u32 $0x10, s10;
	s12 =	sadd.s32 s2, s23;
	s0 =	sor.u32 s0, s1  }
0x99: {  	s4 =	sadd.s32 s3, s12;
	s29 =	sor.u32 $0x400, s0  }
0x9a: {  	v11 =	vld [tilespmem:s4+$0x0];
	s0 =	sadd.s32 s10, s12;
	s2 =	sadd.s32 s2, s29  }
0x9b: {  	v16 =	vld [tilespmem:s0+$0x0];
	s13 =	sadd.s32 s3, s2  }
0x9c: {  	s14 =	sadd.s32 s10, s2;
	s15 =	sadd.s32 $0x80, s2;
	v12 =	vld [tilespmem:s13+$0x0]  }
0x9d: {  	s16 =	sadd.s32 $0x100, s2;
	v13 =	vld [tilespmem:s14+$0x0];
	s5 =	sadd.s32 s3, s15  }
0x9e: {  	s17 =	sadd.s32 s3, s16;
	v14 =	vld [tilespmem:s5+$0x0]  }
0x9f: {  	s2 =	sadd.s32 $0x180, s2;
	s4 =	sadd.s32 s10, s15;
	v15 =	vld [tilespmem:s17+$0x0]  }
0xa0: {  	s3 =	sadd.s32 s3, s2;
	v17 =	vld [tilespmem:s4+$0x0]  }
0xa1: {  	s18 =	sadd.s32 s10, s16;
	v18 =	vld [tilespmem:s3+$0x0]  }
0xa2: {  	s19 =	sadd.s32 s10, s2;
	v19 =	vld [tilespmem:s18+$0x0]  }
0xa3: {  	s0 =	simm.s32 $0x20;
	s2 =	simm.s32 $0x100;
	v20 =	vld [tilespmem:s19+$0x0]  }
0xa4: {  	s1 =	sand.u32 $0x60, s0;
	s20 =	sand.u32 $0x1C00, s2  }
0xa5: {  	s22 =	sor.u32 $0x10, s1;
	s21 =	sadd.s32 s20, s23;
	v21 =	vadd.f32 v13, v16;
	v22 =	vadd.f32 v12, v11  }
0xa6: {  	s4 =	sadd.s32 s20, s29;
	s6 =	sadd.s32 s22, s21;
	v23 =	vadd.f32 v17, v16;
	v26 =	vadd.f32 v14, v11  }
0xa7: {  	s24 =	sadd.s32 s22, s4;
	v12 =	vld [tilespmem:s6+$0x0];
	v15 =	vadd.f32 v15, v11;
	v14 =	vadd.f32 v18, v11  }
0xa8: {  	s3 =	sadd.s32 s1, s21;
	s26 =	sadd.s32 $0x80, s4;
	v13 =	vimm.f32 $0.0e+00;
	v17 =	vld [tilespmem:s24+$0x0];
	v27 =	vadd.f32 v19, v16;
	v24 =	vadd.f32 v20, v16  }
0xa9: {  	s7 =	sadd.s32 $0x100, s4;
	s8 =	sadd.s32 s22, s26;
	v11 =	vld [tilespmem:s3+$0x0];
	v25 =	vmul.f32 v21, v21;
	v16 =	vadd.f32 v21, v13;
	v28 =	vmul.f32 v22, v22  }
0xaa: {  	s28 =	sadd.s32 s22, s7;
	v19 =	vld [tilespmem:s8+$0x0];
	v18 =	vmul.f32 v23, v23;
	v29 =	vadd.f32 v23, v13;
	v30 =	vmul.f32 v26, v26  }
0xab: {  	s25 =	sadd.s32 s1, s4;
	s3 =	sadd.s32 $0x180, s4;
	v20 =	vld [tilespmem:s28+$0x0];
	v32 =	vmul.f32 v27, v27;
	v25 =	vadd.f32 v25, v13;
	v23 =	vadd.f32 v22, v16  }
0xac: {  	v21 =	vld [tilespmem:s25+$0x0];
	s30 =	sadd.s32 s22, s3;
	v31 =	vmul.f32 v24, v24;
	v18 =	vadd.f32 v18, v13;
	v16 =	vadd.f32 v26, v29  }
0xad: {  	s31 =	sadd.s32 s1, s26;
	v22 =	vld [tilespmem:s30+$0x0];
	v29 =	vadd.f32 v27, v13;
	v26 =	vimm.f32 $0.0e+00;
	v25 =	vadd.f32 v28, v25  }
0xae: {  	s4 =	sadd.s32 s1, s7;
	v27 =	vld [tilespmem:s31+$0x0];
	v28 =	vadd.f32 v32, v13;
	v18 =	vadd.f32 v30, v18;
	v30 =	vmul.f32 v15, v15  }
.LBB2_4:
0xaf: {  	s0 =	sadd.s32 $0x20, s0;
	v32 =	vld [tilespmem:s4+$0x0];
	s3 =	sadd.s32 s1, s3;
	s2 =	sadd.s32 $0x100, s2;
	v13 =	vadd.f32 v24, v13;
	v24 =	vadd.f32 v31, v26;
	v26 =	vmul.f32 v14, v14  }
0xb0: {  	s1 =	sand.u32 $0x60, s0;
	s4 =	sand.u32 $0x1C00, s2;
	p0 =	slt.u32 s0, $0x2E0;
	v31 =	vld [tilespmem:s3+$0x0];
	v29 =	vadd.f32 v15, v29;
	v28 =	vadd.f32 v30, v28  }
0xb1: {  	s3 =	sadd.s32 s4, s23;
	s5 =	sor.u32 $0x10, s1;
	v13 =	vadd.f32 v14, v13;
	v26 =	vadd.f32 v26, v24  }
0xb2: {  	v33 =	vadd.f32 v17, v12;
	v30 =	vadd.f32 v21, v11;
	s4 =	sadd.s32 s4, s29;
	s6 =	sadd.s32 s5, s3  }
0xb3: {  	v35 =	vadd.f32 v19, v12;
	v34 =	vld [tilespmem:s6+$0x0];
	s6 =	sadd.s32 s5, s4;
	v27 =	vadd.f32 v27, v11  }
0xb4: {  	v15 =	vadd.f32 v20, v12;
	s3 =	sadd.s32 s1, s3;
	v19 =	vmul.f32 v30, v30;
	v14 =	vadd.f32 v22, v12;
	v17 =	vld [tilespmem:s6+$0x0]  }
0xb5: {  	s7 =	sadd.s32 $0x80, s4;
	s6 =	sadd.s32 s1, s4;
	v32 =	vadd.f32 v32, v11;
	v37 =	vmul.f32 v27, v27;
	v24 =	vadd.f32 v31, v11;
	v11 =	vld [tilespmem:s3+$0x0]  }
.Ltmp0:
0xb6: {  	v22 =	vadd.f32 v30, v23;
	v30 =	vmul.f32 v33, v33;
	s8 =	sadd.s32 s5, s7;
	v25 =	vadd.f32 v19, v25;
	v21 =	vld [tilespmem:s6+$0x0];
	s6 =	sadd.s32 $0x100, s4;
	(pc) =	sbr.rel @p0 .LBB2_4-.Ltmp0, $4  }
0xb7: {  	s3 =	sadd.s32 $0x180, s4;
	v16 =	vadd.f32 v27, v16;
	v27 =	vmul.f32 v35, v35;
	v19 =	vld [tilespmem:s8+$0x0];
	s4 =	sadd.s32 s5, s6;
	v18 =	vadd.f32 v37, v18  }
0xb8: {  	v23 =	vadd.f32 v33, v22;
	v36 =	vmul.f32 v32, v32;
	v25 =	vadd.f32 v30, v25;
	v20 =	vld [tilespmem:s4+$0x0];
	s4 =	sadd.s32 s5, s3;
	v12 =	vmovc v34  }
0xb9: {  	v31 =	vmul.f32 v24, v24;
	v16 =	vadd.f32 v35, v16;
	s5 =	sadd.s32 s1, s7;
	v22 =	vld [tilespmem:s4+$0x0];
	v18 =	vadd.f32 v27, v18  }
0xba: {  	v29 =	vadd.f32 v32, v29;
	v30 =	vmul.f32 v15, v15;
	v28 =	vadd.f32 v36, v28;
	s4 =	sadd.s32 s1, s6;
	v27 =	vld [tilespmem:s5+$0x0]  }
0xbb: {  	v21 =	vadd.f32 v21, v11;
	_ =	sdelay $0x1  }
0xbc: {  	v17 =	vadd.f32 v17, v12;
	v32 =	vmul.f32 v21, v21;
	v21 =	vadd.f32 v21, v23;
	_ =	sdelay $0x1  }
0xbd: {  	v23 =	vadd.f32 v32, v25;
	v25 =	vmul.f32 v17, v17;
	v17 =	vadd.f32 v17, v21;
	_ =	sdelay $0x1  }
0xbe: {  	v21 =	vadd.f32 v25, v23;
	v23 =	vperm.xlane v17, v7  }
0xbf: {  	v13 =	vadd.f32 v24, v13;
	v24 =	vadd.f32 v31, v26  }
0xc0: {  	v26 =	vmul.f32 v14, v14;
	v25 =	vperm.xlane v21, v7;
	v17 =	vadd.f32 v23, v17  }
0xc1: {  	v15 =	vadd.f32 v15, v29;
	v13 =	vadd.f32 v14, v13  }
0xc2: {  	s0 =	sadd.s32 s1, s3;
	v14 =	vadd.f32 v26, v24;
	v23 =	vld [tilespmem:s4+$0x0];
	v21 =	vadd.f32 v25, v21;
	v24 =	vperm.xlane v17, v8  }
0xc3: {  	v28 =	vadd.f32 v30, v28;
	v26 =	vadd.f32 v27, v11;
	v25 =	vld [tilespmem:s0+$0x0]  }
0xc4: {  	v19 =	vadd.f32 v19, v12;
	v27 =	vperm.xlane v21, v8;
	v17 =	vadd.f32 v24, v17  }
0xc5: {  	v20 =	vadd.f32 v20, v12;
	v12 =	vadd.f32 v22, v12;
	v22 =	vmul.f32 v26, v26  }
0xc6: {  	v16 =	vadd.f32 v26, v16;
	v21 =	vadd.f32 v27, v21;
	v24 =	vperm.xlane v17, v9  }
0xc7: {  	v18 =	vadd.f32 v22, v18;
	v22 =	vmul.f32 v19, v19;
	v23 =	vadd.f32 v23, v11  }
0xc8: {  	v11 =	vadd.f32 v25, v11;
	v25 =	vperm.xlane v21, v9;
	v17 =	vadd.f32 v24, v17  }
0xc9: {  	v16 =	vadd.f32 v19, v16;
	v18 =	vadd.f32 v22, v18  }
0xca: {  	v15 =	vadd.f32 v23, v15;
	v21 =	vadd.f32 v25, v21;
	v19 =	vperm.xlane v17, v10  }
0xcb: {  	v24 =	vmul.f32 v23, v23;
	v26 =	vmul.f32 v11, v11;
	v13 =	vadd.f32 v11, v13  }
0xcc: {  	v15 =	vadd.f32 v20, v15;
	v23 =	vperm.xlane v21, v10;
	v11 =	vadd.f32 v19, v17  }
0xcd: {  	v22 =	vadd.f32 v24, v28;
	v14 =	vadd.f32 v26, v14;
	v17 =	vmul.f32 v20, v20  }
0xce: {  	v20 =	vperm.xlane v16, v7;
	v19 =	vadd.f32 v23, v21;
	v11 =	vmul.f32 $1.302083370e-03, v11  }
0xcf: {  	v21 =	vmul.f32 v12, v12;
	v17 =	vadd.f32 v17, v22;
	v22 =	vperm.xlane v18, v7  }
0xd0: {  	v12 =	vadd.f32 v12, v13;
	v19 =	vmul.f32 $1.302083370e-03, v19;
	v13 =	vmul.f32 v11, v11  }
0xd1: {  	v16 =	vadd.f32 v20, v16;
	v20 =	vperm.xlane v15, v7;
	v14 =	vadd.f32 v21, v14  }
0xd2: {  	v19 =	vsub.f32 v19, v13;
	v13 =	vadd.f32 v22, v18;
	v18 =	vperm.xlane v12, v7  }
0xd3: {  	v21 =	vperm.xlane v16, v8;
	v15 =	vadd.f32 v20, v15;
	v20 =	vperm.xlane v17, v7  }
0xd4: {  	v22 =	vperm.xlane v13, v8;
	v12 =	vadd.f32 v18, v12;
	v18 =	vperm.xlane v14, v7  }
0xd5: {  	v16 =	vadd.f32 v21, v16;
	v21 =	vperm.xlane v15, v8;
	v17 =	vadd.f32 v20, v17  }
0xd6: {  	v13 =	vadd.f32 v22, v13;
	v20 =	vperm.xlane v12, v8;
	v14 =	vadd.f32 v18, v14  }
0xd7: {  	v15 =	vadd.f32 v21, v15;
	v21 =	vperm.xlane v17, v8;
	v18 =	vperm.xlane v16, v9  }
0xd8: {  	v22 =	vperm.xlane v13, v9;
	v12 =	vadd.f32 v20, v12;
	v20 =	vperm.xlane v14, v8  }
0xd9: {  	v17 =	vadd.f32 v21, v17;
	v16 =	vadd.f32 v18, v16;
	v18 =	vperm.xlane v15, v9  }
0xda: {  	v13 =	vadd.f32 v22, v13;
	v21 =	vperm.xlane v12, v9;
	v14 =	vadd.f32 v20, v14  }
0xdb: {  	v20 =	vperm.xlane v16, v10;
	v15 =	vadd.f32 v18, v15;
	v18 =	vperm.xlane v17, v9  }
0xdc: {  	v22 =	vperm.xlane v13, v10;
	v21 =	vadd.f32 v21, v12;
	v12 =	vperm.xlane v14, v9  }
0xdd: {  	v16 =	vadd.f32 v20, v16;
	v20 =	vperm.xlane v15, v10;
	v17 =	vadd.f32 v18, v17  }
0xde: {  	v13 =	vadd.f32 v22, v13;
	v18 =	vperm.xlane v21, v10;
	v22 =	vadd.f32 v12, v14  }
0xdf: {  	v12 =	vmul.f32 $1.302083370e-03, v16;
	v14 =	vadd.f32 v20, v15;
	v15 =	vperm.xlane v17, v10  }
0xe0: {  	v16 =	vmul.f32 $1.302083370e-03, v13;
	v18 =	vadd.f32 v18, v21;
	v20 =	vperm.xlane v22, v10  }
0xe1: {  	v21 =	vmul.f32 v12, v12;
	v13 =	vmul.f32 $1.302083370e-03, v14;
	v15 =	vadd.f32 v15, v17  }
0xe2: {  	v17 =	vadd.f32 $9.999999960e-13, v19;
	v14 =	vmul.f32 $1.302083370e-03, v18;
	v18 =	vadd.f32 v20, v22  }
0xe3: {  	v16 =	vsub.f32 v16, v21;
	v15 =	vmul.f32 $1.302083370e-03, v15;
	v19 =	vmul.f32 v13, v13  }
0xe4: {  	v18 =	vmul.f32 $1.302083370e-03, v18;
	v20 =	vmul.f32 v14, v14  }
0xe5: {  	v21 =	vshrl.u32 v17, $0x1;
	v16 =	vadd.f32 $9.999999960e-13, v16;
	v15 =	vsub.f32 v15, v19  }
0xe6: {  	v17 =	vmul.f32 $5.000000000e-01, v17;
	v19 =	vsub.s32 $0x5F3759DF, v21;
	v18 =	vsub.f32 v18, v20  }
0xe7: {  	v20 =	vshrl.u32 v16, $0x1;
	v16 =	vmul.f32 $5.000000000e-01, v16;
	v15 =	vadd.f32 $9.999999960e-13, v15  }
0xe8: {  	v21 =	vmul.f32 v19, v17;
	v20 =	vsub.s32 $0x5F3759DF, v20;
	v18 =	vadd.f32 $9.999999960e-13, v18  }
0xe9: {  	v22 =	vmul.f32 v20, v16;
	v23 =	vshrl.u32 v15, $0x1;
	v15 =	vmul.f32 $5.000000000e-01, v15  }
0xea: {  	v23 =	vsub.s32 $0x5F3759DF, v23;
	v24 =	vshrl.u32 v18, $0x1;
	v18 =	vmul.f32 $5.000000000e-01, v18  }
0xeb: {  	v21 =	vmul.f32 v19, v21;
	v25 =	vmul.f32 v23, v15;
	v24 =	vsub.s32 $0x5F3759DF, v24  }
0xec: {  	v22 =	vmul.f32 v20, v22;
	v26 =	vmul.f32 v24, v18  }
0xed: {  	v21 =	vsub.f32 $1.500000000e+00, v21;
	v25 =	vmul.f32 v23, v25  }
0xee: {  	v22 =	vsub.f32 $1.500000000e+00, v22;
	v26 =	vmul.f32 v24, v26  }
0xef: {  	v19 =	vmul.f32 v19, v21;
	v21 =	vsub.f32 $1.500000000e+00, v25  }
0xf0: {  	v20 =	vmul.f32 v20, v22;
	v22 =	vsub.f32 $1.500000000e+00, v26  }
0xf1: {  	v25 =	vmul.f32 v19, v17;
	v21 =	vmul.f32 v23, v21  }
0xf2: {  	v23 =	vmul.f32 v20, v16;
	v22 =	vmul.f32 v24, v22  }
0xf3: {  	s13 =	simm.s32 $0x0;
	v24 =	vmul.f32 v25, v19;
	v25 =	vmul.f32 v21, v15  }
0xf4: {  	s1 =	sand.u32 $0x1C00, s13;
	v23 =	vmul.f32 v23, v20;
	v26 =	vmul.f32 v22, v18  }
0xf5: {  	s14 =	sadd.s32 s1, s23;
	s1 =	sadd.s32 s1, s29;
	s0 =	simm.s32 $0x0;
	v24 =	vsub.f32 $1.500000000e+00, v24;
	v25 =	vmul.f32 v25, v21  }
0xf6: {  	s6 =	sadd.s32 $0x80, s1;
	s5 =	sand.u32 $0x60, s0;
	v23 =	vsub.f32 $1.500000000e+00, v23;
	v26 =	vmul.f32 v26, v22  }
0xf7: {  	s12 =	sadd.s32 s5, s6;
	v19 =	vmul.f32 v24, v19;
	v24 =	vsub.f32 $1.500000000e+00, v25  }
0xf8: {  	s2 =	sadd.s32 s5, s14;
	v20 =	vmul.f32 v23, v20;
	v25 =	vld [tilespmem:s12+$0x0];
	v23 =	vsub.f32 $1.500000000e+00, v26  }
0xf9: {  	s7 =	sadd.s32 s5, s1;
	v21 =	vmul.f32 v24, v21;
	v24 =	vld [tilespmem:s2+$0x0]  }
0xfa: {  	s19 =	sadd.s32 $0x100, s1;
	v17 =	vmul.f32 v19, v17;
	v22 =	vmul.f32 v23, v22;
	v23 =	vld [tilespmem:s7+$0x0]  }
0xfb: {  	s9 =	sadd.s32 $0x180, s1;
	s15 =	sadd.s32 s5, s19;
	v16 =	vmul.f32 v20, v16  }
0xfc: {  	s16 =	sadd.s32 s5, s9;
	v26 =	vld [tilespmem:s15+$0x0];
	v17 =	vmul.f32 v17, v19;
	v15 =	vmul.f32 v21, v15  }
0xfd: {  	v27 =	vld [tilespmem:s16+$0x0];
	v16 =	vmul.f32 v16, v20;
	v18 =	vmul.f32 v22, v18  }
0xfe: {  	v15 =	vmul.f32 v15, v21;
	v17 =	vsub.f32 $1.500000000e+00, v17;
	v25 =	vadd.f32 v25, v24  }
0xff: {  	s26 =	simm.s32 $0xF580;
	v16 =	vsub.f32 $1.500000000e+00, v16;
	v23 =	vadd.f32 v23, v24  }
0x100: {  	v29 =	vld [tilespmem:s26+$0x0];
	v18 =	vmul.f32 v18, v22;
	v28 =	vsub.f32 $1.500000000e+00, v15;
	v25 =	vsub.f32 v25, v12  }
0x101: {  	s28 =	simm.s32 $0xF880;
	v15 =	vmul.f32 v17, v19;
	v19 =	vsub.f32 v23, v11;
	v23 =	vadd.f32 v26, v24  }
0x102: {  	s8 =	simm.s32 $0x100;
	v16 =	vmul.f32 v16, v20;
	v20 =	vld [tilespmem:s28+$0x0];
	v18 =	vsub.f32 $1.500000000e+00, v18;
	v24 =	vadd.f32 v27, v24  }
0x103: {  	s10 =	simm.s32 $0x20;
	s8 =	sand.u32 $0x1C00, s8;
	v17 =	vmul.f32 v28, v21;
	v19 =	vmul.f32 v19, v15;
	v21 =	vsub.f32 v23, v13  }
0x104: {  	s11 =	sand.u32 $0x60, s10;
	s10 =	sadd.s32 s8, s23;
	s8 =	sadd.s32 s8, s29;
	v18 =	vmul.f32 v18, v22;
	v22 =	vmul.f32 v25, v16;
	v23 =	vsub.f32 v24, v14  }
0x105: {  	s30 =	simm.s32 $0x20;
	s17 =	sadd.s32 $0x80, s8;
	v19 =	vmul.f32 v19, v29;
	v21 =	vmul.f32 v21, v17  }
0x106: {  	s31 =	sadd.s32 s11, s17;
	[dreg:$0x9] =	wrdreg s30;
	v22 =	vmul.f32 v22, v29;
	v23 =	vmul.f32 v23, v18  }
0x107: {  	s21 =	sadd.s32 s11, s8;
	v26 =	vld [tilespmem:s31+$0x0];
	v19 =	vadd.f32 v19, v20;
	v21 =	vmul.f32 v21, v29  }
0x108: {  	s13 =	sadd.s32 s11, s10;
	s20 =	sadd.s32 $0x100, s8;
	v25 =	vld [tilespmem:s21+$0x0];
	v22 =	vadd.f32 v22, v20;
	v23 =	vmul.f32 v23, v29  }
0x109: {  	s18 =	sadd.s32 s11, s20;
	s2 =	sadd.s32 $0x180, s8;
	v24 =	vld [tilespmem:s13+$0x0];
	[tilespmem:s7+$0x0] =	vst v19;
	v19 =	vadd.f32 v21, v20  }
0x10a: {  	s22 =	sadd.s32 s11, s2;
	v21 =	vld [tilespmem:s18+$0x0];
	v20 =	vadd.f32 v23, v20;
	[tilespmem:s12+$0x0] =	vst v22  }
0x10b: {  	s24 =	simm.s32 $0xF5A0;
	s5 =	sor.u32 $0x10, s5;
	v22 =	vld [tilespmem:s22+$0x0];
	[tilespmem:s15+$0x0] =	vst v19  }
0x10c: {  	s3 =	sadd.s32 s5, s14;
	v19 =	vld [tilespmem:s24+$0x0];
	[tilespmem:s16+$0x0] =	vst v20  }
0x10d: {  	s6 =	sadd.s32 s5, s6;
	s24 =	sadd.s32 s5, s9;
	v23 =	vld [tilespmem:s3+$0x0]  }
0x10e: {  	v20 =	vadd.f32 v25, v24;
	v25 =	vadd.f32 v26, v24;
	v26 =	vld [tilespmem:s24+$0x0];
	[dreg:$0x7] =	wrdreg s6  }
0x10f: {  	s25 =	simm.s32 $0x200;
	s26 =	simm.s32 $0xF8A0;
	s4 =	sadd.s32 s5, s19;
	v27 =	vld [tilespmem:s6+$0x0]  }
0x110: {  	s28 =	sadd.s32 s5, s1;
	s16 =	simm.s32 $0x40;
	s3 =	sand.u32 $0x1C00, s25;
	v20 =	vsub.f32 v20, v11;
	v21 =	vadd.f32 v21, v24;
	v28 =	vld [tilespmem:s26+$0x0]  }
0x111: {  	s9 =	sand.u32 $0x60, s16;
	v25 =	vsub.f32 v25, v12;
	s14 =	sadd.s32 s3, s23;
	v29 =	vld [tilespmem:s4+$0x0];
	[dreg:$0xb] =	wrdreg s28;
	v22 =	vadd.f32 v22, v24  }
0x112: {  	s12 =	sadd.s32 s3, s29;
	s30 =	sadd.s32 s9, s14;
	v30 =	vld [tilespmem:s28+$0x0];
	v20 =	vmul.f32 v20, v15;
	v24 =	vsub.f32 v21, v13  }
0x113: {  	s0 =	sand.u32 $0x380, s0;
	s19 =	sadd.s32 s9, s12;
	v25 =	vmul.f32 v25, v16;
	v21 =	vld [tilespmem:s30+$0x0];
	v22 =	vsub.f32 v22, v14  }
0x114: {  	s0 =	sor.u32 s0, s5;
	s25 =	sadd.s32 $0x80, s12;
	v63 =	vld [tilespmem:s19+$0x0];
	v31 =	vmul.f32 v20, v19;
	v24 =	vmul.f32 v24, v17;
	v26 =	vadd.f32 v26, v23  }
0x115: {  	s1 =	sadd.s32 s9, s25;
	v25 =	vmul.f32 v25, v19;
	v20 =	vld [tilespmem:s0+$0xF580];
	v22 =	vmul.f32 v22, v18;
	v27 =	vadd.f32 v27, v23  }
0x116: {  	s5 =	sadd.s32 $0x100, s12;
	v33 =	vld [tilespmem:s1+$0x0];
	v31 =	vadd.f32 v31, v28;
	v24 =	vmul.f32 v24, v19;
	v26 =	vsub.f32 v26, v14  }
0x117: {  	s6 =	sadd.s32 s9, s5;
	v29 =	vadd.f32 v29, v23;
	v25 =	vadd.f32 v25, v28;
	v22 =	vmul.f32 v22, v19;
	v19 =	vld [tilespmem:s0+$0xF880]  }
0x118: {  	v34 =	vld [tilespmem:s6+$0x0];
	v23 =	vadd.f32 v30, v23;
	s0 =	sadd.s32 $0x180, s12;
	[tilespmem:s21+$0x0] =	vst v31;
	v24 =	vadd.f32 v24, v28;
	v26 =	vmul.f32 v26, v18  }
0x119: {  	s13 =	sadd.s32 s9, s0;
	[tilespmem:s31+$0x0] =	vst v25;
	v22 =	vadd.f32 v22, v28  }
0x11a: {  	s11 =	sor.u32 $0x10, s11;
	s21 =	simm.s32 $0xF5C0;
	v25 =	vsub.f32 v27, v12;
	v27 =	vld [tilespmem:s13+$0x0];
	[tilespmem:s18+$0x0] =	vst v24;
	v24 =	vsub.f32 v23, v11;
	v26 =	vmul.f32 v26, v20  }
0x11b: {  	v31 =	vadd.f32 v63, v21;
	v28 =	vsub.f32 v29, v13;
	s31 =	sadd.s32 s11, s10;
	v23 =	vld [tilespmem:s21+$0x0];
	[tilespmem:s22+$0x0] =	vst v22  }
0x11c: {  	s18 =	sadd.s32 s11, s2;
	v29 =	vmul.f32 v25, v16;
	v22 =	vld [tilespmem:s31+$0x0];
	v35 =	vmul.f32 v24, v15;
	v36 =	vadd.f32 v26, v19  }
0x11d: {  	s8 =	sadd.s32 s11, s8;
	s17 =	sadd.s32 s11, s17;
	s26 =	simm.s32 $0x300;
	v30 =	vadd.f32 v33, v21;
	v32 =	vadd.f32 v34, v21;
	v28 =	vmul.f32 v28, v17;
	v25 =	vld [tilespmem:s18+$0x0]  }
0x11e: {  	s10 =	simm.s32 $0xF8C0;
	v31 =	vsub.f32 v31, v11;
	s22 =	sadd.s32 s11, s20;
	s20 =	simm.s32 $0x40;
	v26 =	vld [tilespmem:s17+$0x0];
	v24 =	vmul.f32 v29, v20;
	v29 =	vmul.f32 v35, v20;
	[tilespmem:s24+$0x0] =	vst v36  }
.LBB2_6:
0x11f: {  	s16 =	sadd.s32 $0x20, s16;
	s3 =	sand.u32 $0x1C00, s26;
	s31 =	smov.u32 s6  }
0x120: {  	s7 =	smov.u32 s0;
	s30 =	smov.u32 s13;
	s2 =	smov.u32 s4  }
0x121: {  	s4 =	smov.u32 s22;
	s15 =	smov.u32 s29;
	[dreg:$0xf] =	wrdreg s2  }
0x122: {  	s21 =	sadd.s32 $0x20, s21;
	s26 =	sadd.s32 $0x100, s26;
	[dreg:$0xd] =	wrdreg s4  }
0x123: {  	v33 =	vld [tilespmem:s10+$0x0];
	s10 =	sadd.s32 $0x20, s10;
	v30 =	vsub.f32 v30, v12;
	v28 =	vmul.f32 v28, v20;
	s28 =	sand.u32 $0x60, s16;
	s2 =	rddreg [dreg:$0x9]  }
0x124: {  	s24 =	sadd.s32 s3, s23;
	v20 =	vmul.f32 v31, v15;
	v31 =	vld [tilespmem:s22+$0x0];
	v29 =	vadd.f32 v29, v19;
	s29 =	sadd.s32 s3, s29;
	s3 =	rddreg [dreg:$0xb];
	v21 =	vadd.f32 v27, v21  }
0x125: {  	v34 =	vld [tilespmem:s8+$0x0];
	v24 =	vadd.f32 v24, v19;
	s22 =	smov.u32 s20;
	s20 =	smov.u32 s16;
	s4 =	rddreg [dreg:$0x7];
	v27 =	vsub.f32 v32, v13  }
0x126: {  	p0 =	slt.u32 s16, $0x2E0;
	s6 =	sadd.s32 s28, s24;
	s13 =	sand.u32 $0x380, s2;
	v30 =	vmul.f32 v30, v16;
	v35 =	vmul.f32 v20, v23;
	v57 =	vsub.f32 v21, v14  }
0x127: {  	[dreg:$0x9] =	wrdreg s22;
	s2 =	sadd.s32 $0x80, s29;
	s0 =	sor.u32 s13, s11;
	v21 =	vld [tilespmem:s6+$0x0];
	v27 =	vmul.f32 v27, v17;
	v25 =	vadd.f32 v25, v22;
	[tilespmem:s3+$0x0] =	vst v29;
	v26 =	vadd.f32 v26, v22  }
0x128: {  	s11 =	sadd.s32 s28, s29;
	s13 =	smov.u32 s17;
	s22 =	sadd.s32 s28, s2;
	v29 =	vmul.f32 v30, v23;
	v20 =	vld [tilespmem:s0+$0xF580];
	v58 =	vadd.f32 v35, v33;
	v30 =	vmul.f32 v57, v18  }
0x129: {  	s6 =	smov.u32 s8;
	[dreg:$0x7] =	wrdreg s13;
	s3 =	sadd.s32 $0x100, s29;
	[tilespmem:s4+$0x0] =	vst v24;
	v24 =	vld [tilespmem:s11+$0x0];
	v27 =	vmul.f32 v27, v23;
	v25 =	vsub.f32 v25, v14;
	v31 =	vadd.f32 v31, v22  }
0x12a: {  	[dreg:$0xb] =	wrdreg s6;
	s4 =	smov.u32 s23;
	s6 =	sadd.s32 s28, s3;
	v22 =	vadd.f32 v34, v22;
	v29 =	vadd.f32 v29, v33;
	v23 =	vmul.f32 v30, v23;
	v30 =	vld [tilespmem:s0+$0xF880]  }
0x12b: {  	s23 =	smov.u32 s18;
	v61 =	vld [tilespmem:s6+$0x0];
	v26 =	vsub.f32 v26, v12;
	s0 =	sadd.s32 $0x180, s29;
	[tilespmem:s19+$0x0] =	vst v58;
	v60 =	vadd.f32 v27, v33;
	v25 =	vmul.f32 v25, v18;
	s19 =	smov.u32 s11  }
0x12c: {  	v59 =	vld [tilespmem:s22+$0x0];
	s11 =	sor.u32 $0x10, s9;
	v62 =	vsub.f32 v22, v11;
	s13 =	sadd.s32 s28, s0;
	[tilespmem:s1+$0x0] =	vst v29;
	s1 =	smov.u32 s22;
	v29 =	vadd.f32 v23, v33  }
.Ltmp1:
0x12d: {  	v31 =	vsub.f32 v31, v13;
	v26 =	vmul.f32 v26, v16;
	s9 =	sadd.s32 s11, s14;
	s8 =	sadd.s32 s11, s12;
	v27 =	vld [tilespmem:s13+$0x0];
	[tilespmem:s31+$0x0] =	vst v60;
	v25 =	vmul.f32 v25, v20;
	(pc) =	sbr.rel @p0 .LBB2_6-.Ltmp1, $4  }
0x12e: {  	s17 =	sadd.s32 s11, s25;
	s22 =	sadd.s32 s11, s5;
	s18 =	sadd.s32 s11, s7;
	v63 =	vadd.f32 v24, v21;
	v23 =	vld [tilespmem:s21+$0x0];
	[tilespmem:s30+$0x0] =	vst v29;
	v29 =	vadd.f32 v28, v19  }
0x12f: {  	s14 =	smov.u32 s24;
	s12 =	smov.u32 s29;
	v36 =	vmul.f32 v62, v15;
	v24 =	vmul.f32 v26, v20;
	s31 =	rddreg [dreg:$0xf];
	v26 =	vld [tilespmem:s17+$0x0];
	v37 =	vadd.f32 v25, v30  }
0x130: {  	s29 =	smov.u32 s15;
	s25 =	smov.u32 s2;
	s5 =	smov.u32 s3;
	v32 =	vadd.f32 v61, v21;
	v28 =	vmul.f32 v31, v17;
	v31 =	vsub.f32 v63, v11;
	v22 =	vld [tilespmem:s9+$0x0];
	[tilespmem:s31+$0x0] =	vst v29  }
0x131: {  	v19 =	vmov v30;
	s9 =	smov.u32 s28;
	v30 =	vadd.f32 v59, v21;
	v25 =	vld [tilespmem:s18+$0x0];
	v29 =	vmul.f32 v36, v20;
	[tilespmem:s23+$0x0] =	vst v37;
	s23 =	smov.u32 s4;
	s4 =	rddreg [dreg:$0xd]  }
0x132: {  	_ = 	snop  }
0x133: {  	v33 =	vld [tilespmem:s10+$0x0];
	v21 =	vadd.f32 v27, v21;
	v30 =	vsub.f32 v30, v12  }
0x134: {  	v38 =	vmul.f32 v31, v15;
	v39 =	vsub.f32 v32, v13  }
0x135: {  	v21 =	vsub.f32 v21, v14;
	v30 =	vmul.f32 v30, v16  }
0x136: {  	v27 =	vmul.f32 v38, v23;
	v31 =	vmul.f32 v39, v17  }
0x137: {  	v21 =	vmul.f32 v21, v18;
	v30 =	vmul.f32 v30, v23  }
0x138: {  	v31 =	vmul.f32 v31, v23;
	v27 =	vadd.f32 v27, v33  }
0x139: {  	v21 =	vmul.f32 v21, v23;
	v30 =	vadd.f32 v30, v33  }
0x13a: {  	s2 =	rddreg [dreg:$0x9];
	v41 =	vadd.f32 v31, v33;
	[tilespmem:s19+$0x0] =	vst v27  }
0x13b: {  	v40 =	vld [tilespmem:s22+$0x0];
	s2 =	sand.u32 $0x380, s2;
	v21 =	vadd.f32 v21, v33;
	[tilespmem:s1+$0x0] =	vst v30  }
0x13c: {  	v42 =	vld [tilespmem:s8+$0x0];
	s24 =	sor.u32 $0x10, s9;
	s2 =	sor.u32 s2, s11;
	[tilespmem:s6+$0x0] =	vst v41  }
0x13d: {  	s26 =	sadd.s32 s24, s14;
	v43 =	vld [tilespmem:s2+$0xF580];
	[tilespmem:s13+$0x0] =	vst v21  }
0x13e: {  	s0 =	sadd.s32 s24, s0;
	v25 =	vadd.f32 v25, v22;
	v21 =	vld [tilespmem:s26+$0x0]  }
0x13f: {  	s28 =	sadd.s32 s24, s12;
	v45 =	vld [tilespmem:s0+$0x0]  }
0x140: {  	v20 =	vmul.f32 v28, v20;
	v24 =	vadd.f32 v24, v19;
	v25 =	vsub.f32 v25, v14;
	v46 =	vld [tilespmem:s28+$0x0]  }
0x141: {  	v29 =	vadd.f32 v29, v19;
	v44 =	vld [tilespmem:s2+$0xF880];
	v31 =	vadd.f32 v42, v22  }
0x142: {  	v53 =	vadd.f32 v20, v19;
	v26 =	vadd.f32 v26, v22;
	v48 =	vmul.f32 v25, v18  }
0x143: {  	s29 =	sand.u32 $0x380, s20;
	v47 =	vadd.f32 v40, v22;
	v51 =	vsub.f32 v31, v11  }
0x144: {  	v49 =	vsub.f32 v26, v12;
	s1 =	sor.u32 s29, s24;
	v23 =	vmul.f32 v48, v43;
	v55 =	vadd.f32 v45, v21  }
0x145: {  	s3 =	sadd.s32 s24, s25;
	v22 =	vsub.f32 v47, v13;
	v54 =	vmul.f32 v51, v15;
	v56 =	vld [tilespmem:s1+$0xF580];
	v33 =	vadd.f32 v46, v21  }
0x146: {  	v25 =	vmul.f32 v49, v16;
	v50 =	vld [tilespmem:s3+$0x0];
	v23 =	vadd.f32 v23, v44;
	s30 =	rddreg [dreg:$0xb];
	v57 =	vsub.f32 v55, v14  }
0x147: {  	s5 =	sadd.s32 s24, s5;
	v22 =	vmul.f32 v22, v17;
	v20 =	vmul.f32 v54, v43;
	v58 =	vld [tilespmem:s1+$0xF880];
	[tilespmem:s30+$0x0] =	vst v29;
	v11 =	vsub.f32 v33, v11  }
0x148: {  	v25 =	vmul.f32 v25, v43;
	v52 =	vld [tilespmem:s5+$0x0];
	s31 =	rddreg [dreg:$0x7];
	[tilespmem:s18+$0x0] =	vst v23;
	v14 =	vmul.f32 v57, v18  }
0x149: {  	v22 =	vmul.f32 v22, v43;
	v60 =	vadd.f32 v20, v44;
	[tilespmem:s31+$0x0] =	vst v24;
	v11 =	vmul.f32 v11, v15  }
0x14a: {  	v62 =	vadd.f32 v25, v44;
	[tilespmem:s4+$0x0] =	vst v53;
	v14 =	vmul.f32 v14, v56  }
0x14b: {  	v63 =	vadd.f32 v22, v44;
	[tilespmem:s8+$0x0] =	vst v60;
	v11 =	vmul.f32 v11, v56  }
0x14c: {  	v26 =	vadd.f32 v50, v21;
	[tilespmem:s17+$0x0] =	vst v62;
	v14 =	vadd.f32 v14, v58  }
0x14d: {  	v21 =	vadd.f32 v52, v21;
	[tilespmem:s22+$0x0] =	vst v63;
	v11 =	vadd.f32 v11, v58  }
0x14e: {  	v59 =	vsub.f32 v26, v12;
	[tilespmem:s0+$0x0] =	vst v14  }
0x14f: {  	v61 =	vsub.f32 v21, v13;
	[tilespmem:s28+$0x0] =	vst v11  }
0x150: {  	v12 =	vmul.f32 v59, v16;
	s1 =	rddreg [dreg:$0x1c]  }
0x151: {  	v13 =	vmul.f32 v61, v17;
	s1 =	sadd.s32 $0x1, s1  }
0x152: {  	v12 =	vmul.f32 v12, v56;
	p0 =	sne.s32 s1, $0x8  }
.Ltmp2:
0x153: {  	v13 =	vmul.f32 v13, v56;
	(pc) =	sbr.rel @p0 .LBB2_3-.Ltmp2, $4  }
0x154: {  	v12 =	vadd.f32 v12, v58  }
0x155: {  	v11 =	vadd.f32 v13, v58  }
0x156: {  	[tilespmem:s3+$0x0] =	vst v12  }
0x157: {  	[tilespmem:s5+$0x0] =	vst v11  }
0x158: {  	v11 =	vld [tilespmem:$0xF400];
	_ =	sdelay $0x4  }
0x159: {  	v12 =	vshrl.u32 v11, $0x3  }
0x15a: {  	v12 =	vmul.u32 $0x30, v12  }
0x15b: {  	v11 =	vand.u32 $0x7, v11  }
0x15c: {  	v11 =	vor.u32 v11, v12  }
0x15d: {  	v12 =	vperm.xlane v11, v4;
	_ =	sdelay $0x1  }
0x15e: {  	v12 =	vadd.s32 v5, v12;
	_ =	sdelay $0x3  }
0x15f: {  	s0 =	rddreg [dreg:$0x5];
	s1 =	simm.s32 $0x0;
	s2 =	simm.s32 $0x400;
	v11 =	vperm.xlane v11, v6  }
0x160: {  	[hbm4b:s0+s1] =	stream.indirect_vreg.scatter [tilespmem:s2], [sflag:$0x5], $0x80, v12, vm0, $0xb8;
	[tilespmem:$0xFB80] =	vst v63  }
0x161: {  	s19 =	rddreg [dreg:$0x16];
	s3 =	simm.s32 $0xC00;
	v11 =	vadd.s32 v5, v11  }
0x162: {  	[hbm4b:s19+s1] =	stream.indirect_vreg.scatter [tilespmem:s3], [sflag:$0x5], $0x80, v12, vm0, $0xb8;
	[tilespmem:$0xFB80] =	vst v63  }
0x163: {  	s20 =	rddreg [dreg:$0x17];
	s4 =	simm.s32 $0x1400  }
0x164: {  	[hbm4b:s20+s1] =	stream.indirect_vreg.scatter [tilespmem:s4], [sflag:$0x5], $0x80, v12, vm0, $0xb8;
	[tilespmem:$0xFB80] =	vst v63  }
0x165: {  	s21 =	simm.s32 $0x1C00  }
0x166: {  	[hbm4b:s0+s1] =	stream.indirect_vreg.scatter [tilespmem:s21], [sflag:$0x5], $0x80, v11, vm0, $0xb8;
	[tilespmem:$0xFB80] =	vst v63  }
0x167: {  	s22 =	simm.s32 $0x2400  }
0x168: {  	[hbm4b:s19+s1] =	stream.indirect_vreg.scatter [tilespmem:s22], [sflag:$0x5], $0x80, v11, vm0, $0xb8;
	[tilespmem:$0xFB80] =	vst v63  }
0x169: {  	s23 =	simm.s32 $0x2C00  }
0x16a: {  	[hbm4b:s20+s1] =	stream.indirect_vreg.scatter [tilespmem:s23], [sflag:$0x5], $0x80, v11, vm0, $0xb8;
	[tilespmem:$0xFB80] =	vst v63  }
0x16b: {  	v11 =	vld [tilespmem:$0xF410];
	_ =	sdelay $0x4  }
0x16c: {  	v63 =	vshrl.u32 v11, $0x3  }
0x16d: {  	v12 =	vmul.u32 $0x30, v63  }
0x16e: {  	v11 =	vand.u32 $0x7, v11  }
0x16f: {  	v11 =	vor.u32 v11, v12  }
0x170: {  	v12 =	vperm.xlane v11, v4;
	_ =	sdelay $0x1  }
0x171: {  	v12 =	vadd.s32 v5, v12;
	_ =	sdelay $0x3  }
0x172: {  	s24 =	simm.s32 $0x3400;
	v11 =	vperm.xlane v11, v6  }
0x173: {  	[hbm4b:s0+s1] =	stream.indirect_vreg.scatter [tilespmem:s24], [sflag:$0x5], $0x80, v12, vm0, $0xb8;
	[tilespmem:$0xFB80] =	vst v63  }
0x174: {  	s25 =	simm.s32 $0x3C00;
	v11 =	vadd.s32 v5, v11  }
0x175: {  	[hbm4b:s19+s1] =	stream.indirect_vreg.scatter [tilespmem:s25], [sflag:$0x5], $0x80, v12, vm0, $0xb8;
	[tilespmem:$0xFB80] =	vst v63  }
0x176: {  	s26 =	simm.s32 $0x4400;
	s31 =	rddreg [dreg:$0x1a]  }
0x177: {  	[hbm4b:s20+s1] =	stream.indirect_vreg.scatter [tilespmem:s26], [sflag:$0x5], $0x80, v12, vm0, $0xb8;
	[tilespmem:$0xFB80] =	vst v63  }
0x178: {  	s28 =	simm.s32 $0x4C00;
	p0 =	seq.s32 s31, $0xF  }
0x179: {  	[hbm4b:s0+s1] =	stream.indirect_vreg.scatter [tilespmem:s28], [sflag:$0x5], $0x80, v11, vm0, $0xb8;
	[tilespmem:$0xFB80] =	vst v63  }
.Ltmp3:
0x17a: {  	_ = 	snop;
	(pc) =	sbr.rel @p0 .LBB2_10-.Ltmp3, $4  }
0x17b: {  	s29 =	simm.s32 $0x5400  }
0x17c: {  	[hbm4b:s19+s1] =	stream.indirect_vreg.scatter [tilespmem:s29], [sflag:$0x5], $0x80, v11, vm0, $0xb8;
	[tilespmem:$0xFB80] =	vst v63  }
0x17d: {  	s30 =	simm.s32 $0x5C00  }
0x17e: {  	[hbm4b:s20+s1] =	stream.indirect_vreg.scatter [tilespmem:s30], [sflag:$0x5], $0x80, v11, vm0, $0xb8;
	[tilespmem:$0xFB80] =	vst v63  }
0x17f: {  	s0 =	simm.s32 $0x5  }
0x180: {  	_ =	swait.ge [sflag:s0], $0x6000  }
0x181: {  	[sflag:s0] =	ssyncset.done $0x0  }
0x182: {  	[sflag:s0] =	ssyncadd.s32 $0xFFFFA000  }
0x183: {  	v11 =	vld [tilespmem:$0xF500]  }
0x184: {  	s15 =	rddreg [dreg:$0x1b];
	v12 =	vld [tilespmem:$0xF510]  }
0x185: {  	s0 =	sadd.s32 $0x2, s15  }
0x186: {  	s2 =	rddreg [dreg:$0x11];
	s1 =	sshll.u32 s0, $0x3  }
0x187: {  	s1 =	sadd.s32 s2, s1  }
0x188: {  	v11 =	vadd.s32 s1, v11  }
0x189: {  	s0 =	sshll.u32 s0, $0x5;
	[tilespmem:$0xF400] =	vst v11;
	v11 =	vadd.s32 s1, v12  }
0x18a: {  	s0 =	sand.u32 $0x3FFFFFE0, s0;
	[tilespmem:$0xF410] =	vst v11  }
0x18b: {  	v11 =	vld [tilespmem:s0+$0x0];
	_ =	sdelay $0x4  }
0x18c: {  	v62 =	vshrl.u32 v11, $0x3  }
0x18d: {  	v12 =	vmul.u32 $0x30, v62  }
0x18e: {  	v11 =	vand.u32 $0x7, v11  }
0x18f: {  	v11 =	vor.u32 v11, v12  }
0x190: {  	v12 =	vperm.xlane v11, v4;
	_ =	sdelay $0x1  }
0x191: {  	v12 =	vadd.s32 v5, v12;
	_ =	sdelay $0x3  }
0x192: {  	s3 =	simm.s32 $0x0;
	s4 =	simm.s32 $0x400;
	s16 =	rddreg [dreg:$0x1];
	v11 =	vperm.xlane v11, v6  }
0x193: {  	[tilespmem:s4], [sflag:$0x1] =	stream.indirect_vreg.gather [hbm4b:s16+s3], $0x80, v12, vm0, $0xb8;
	[tilespmem:$0xFB80] =	vst v63  }
0x194: {  	s5 =	simm.s32 $0xC00;
	s17 =	rddreg [dreg:$0x13];
	v11 =	vadd.s32 v5, v11  }
0x195: {  	[tilespmem:s5], [sflag:$0x1] =	stream.indirect_vreg.gather [hbm4b:s17+s3], $0x80, v12, vm0, $0xb8;
	[tilespmem:$0xFB80] =	vst v63  }
0x196: {  	s6 =	simm.s32 $0x1400;
	s18 =	rddreg [dreg:$0x14]  }
0x197: {  	[tilespmem:s6], [sflag:$0x1] =	stream.indirect_vreg.gather [hbm4b:s18+s3], $0x80, v12, vm0, $0xb8;
	[tilespmem:$0xFB80] =	vst v63  }
0x198: {  	s19 =	simm.s32 $0x1C00  }
0x199: {  	[tilespmem:s19], [sflag:$0x1] =	stream.indirect_vreg.gather [hbm4b:s16+s3], $0x80, v11, vm0, $0xb8;
	[tilespmem:$0xFB80] =	vst v63  }
0x19a: {  	s20 =	simm.s32 $0x2400  }
0x19b: {  	[tilespmem:s20], [sflag:$0x1] =	stream.indirect_vreg.gather [hbm4b:s17+s3], $0x80, v11, vm0, $0xb8;
	[tilespmem:$0xFB80] =	vst v63  }
0x19c: {  	s21 =	simm.s32 $0x2C00  }
0x19d: {  	[tilespmem:s21], [sflag:$0x1] =	stream.indirect_vreg.gather [hbm4b:s18+s3], $0x80, v11, vm0, $0xb8;
	[tilespmem:$0xFB80] =	vst v63  }
0x19e: {  	v11 =	vld [tilespmem:s0+$0x10];
	_ =	sdelay $0x4  }
0x19f: {  	v63 =	vshrl.u32 v11, $0x3  }
0x1a0: {  	v12 =	vmul.u32 $0x30, v63  }
0x1a1: {  	v11 =	vand.u32 $0x7, v11  }
0x1a2: {  	v11 =	vor.u32 v11, v12  }
0x1a3: {  	v12 =	vperm.xlane v11, v4;
	_ =	sdelay $0x1  }
0x1a4: {  	v12 =	vadd.s32 v5, v12;
	_ =	sdelay $0x3  }
0x1a5: {  	s22 =	simm.s32 $0x3400;
	v11 =	vperm.xlane v11, v6  }
0x1a6: {  	[tilespmem:s22], [sflag:$0x1] =	stream.indirect_vreg.gather [hbm4b:s16+s3], $0x80, v12, vm0, $0xb8;
	[tilespmem:$0xFB80] =	vst v63  }
0x1a7: {  	s23 =	simm.s32 $0x3C00;
	v11 =	vadd.s32 v5, v11  }
0x1a8: {  	[tilespmem:s23], [sflag:$0x1] =	stream.indirect_vreg.gather [hbm4b:s17+s3], $0x80, v12, vm0, $0xb8;
	[tilespmem:$0xFB80] =	vst v63  }
0x1a9: {  	s24 =	simm.s32 $0x4400  }
0x1aa: {  	[tilespmem:s24], [sflag:$0x1] =	stream.indirect_vreg.gather [hbm4b:s18+s3], $0x80, v12, vm0, $0xb8;
	[tilespmem:$0xFB80] =	vst v63  }
0x1ab: {  	s25 =	simm.s32 $0x4C00  }
0x1ac: {  	[tilespmem:s25], [sflag:$0x1] =	stream.indirect_vreg.gather [hbm4b:s16+s3], $0x80, v11, vm0, $0xb8;
	[tilespmem:$0xFB80] =	vst v63  }
0x1ad: {  	s26 =	simm.s32 $0x5400;
	s28 =	sshrl.u32 s1, $0x3  }
0x1ae: {  	[tilespmem:s26], [sflag:$0x1] =	stream.indirect_vreg.gather [hbm4b:s17+s3], $0x80, v11, vm0, $0xb8;
	[tilespmem:$0xFB80] =	vst v63  }
0x1af: {  	s29 =	simm.s32 $0x5C00;
	s30 =	rddreg [dreg:$0x2];
	s0 =	smul.u32 $0x300, s28  }
0x1b0: {  	[tilespmem:s29], [sflag:$0x1] =	stream.indirect_vreg.gather [hbm4b:s18+s3], $0x80, v11, vm0, $0xb8;
	[tilespmem:$0xFB80] =	vst v63  }
0x1b1: {  	s31 =	simm.s32 $0xC400;
	s0 =	sadd.s32 s30, s0  }
0x1b2: {  	[tilespmem:s31], [sflag:$0x3] =	stream.linear.gather [hbm4b:s0+s3], $0x1800, $0x38;
	[tilespmem:$0xFB80] =	vst v63  }
.LBB2_10:
0x1b3: {  	s0 =	simm.s32 $0x2  }
0x1b4: {  	_ =	swait.ge [sflag:s0], $0x6000  }
0x1b5: {  	[sflag:s0] =	ssyncset.done $0x0  }
0x1b6: {  	s31 =	simm.s32 $0x4;
	[sflag:s0] =	ssyncadd.s32 $0xFFFFA000  }
0x1b7: {  	_ =	swait.ge [sflag:s31], $0x1800  }
0x1b8: {  	[sflag:s31] =	ssyncset.done $0x0  }
0x1b9: {  	s1 =	simm.s32 $0x0;
	[sflag:s31] =	ssyncadd.s32 $0xFFFFE800  }
.LBB2_11:
0x1ba: {  	s0 =	sshll.u32 s1, $0x9;
	[dreg:$0x1d] =	wrdreg s1;
	s8 =	sshrl.u32 s1, $0x1  }
0x1bb: {  	s9 =	simm.s32 $0x0;
	s11 =	simm.s32 $0x0;
	s1 =	smul.u32 $0x6000, s8  }
0x1bc: {  	s2 =	sshrl.u32 s0, $0x2;
	s0 =	sand.u32 $0x200, s0;
	s10 =	sand.u32 $0x60, s9  }
0x1bd: {  	s23 =	sadd.s32 $0xDC00, s2;
	s2 =	sand.u32 $0x1C00, s11;
	s1 =	sshra.s32 s1, $0x2  }
0x1be: {  	s3 =	sor.u32 $0x10, s10;
	s12 =	sadd.s32 s2, s23;
	s0 =	sor.u32 s0, s1  }
0x1bf: {  	s4 =	sadd.s32 s3, s12;
	s28 =	sadd.s32 $0x6400, s0  }
0x1c0: {  	v11 =	vld [tilespmem:s4+$0x0];
	s0 =	sadd.s32 s10, s12;
	s2 =	sadd.s32 s2, s28  }
0x1c1: {  	v16 =	vld [tilespmem:s0+$0x0];
	s13 =	sadd.s32 s3, s2  }
0x1c2: {  	s14 =	sadd.s32 s10, s2;
	s15 =	sadd.s32 $0x80, s2;
	v12 =	vld [tilespmem:s13+$0x0]  }
0x1c3: {  	s16 =	sadd.s32 $0x100, s2;
	v13 =	vld [tilespmem:s14+$0x0];
	s5 =	sadd.s32 s3, s15  }
0x1c4: {  	s17 =	sadd.s32 s3, s16;
	v14 =	vld [tilespmem:s5+$0x0]  }
0x1c5: {  	s2 =	sadd.s32 $0x180, s2;
	s4 =	sadd.s32 s10, s15;
	v15 =	vld [tilespmem:s17+$0x0]  }
0x1c6: {  	s3 =	sadd.s32 s3, s2;
	v17 =	vld [tilespmem:s4+$0x0]  }
0x1c7: {  	s18 =	sadd.s32 s10, s16;
	v18 =	vld [tilespmem:s3+$0x0]  }
0x1c8: {  	s19 =	sadd.s32 s10, s2;
	v19 =	vld [tilespmem:s18+$0x0]  }
0x1c9: {  	s0 =	simm.s32 $0x20;
	s2 =	simm.s32 $0x100;
	v20 =	vld [tilespmem:s19+$0x0]  }
0x1ca: {  	s1 =	sand.u32 $0x60, s0;
	s20 =	sand.u32 $0x1C00, s2  }
0x1cb: {  	s22 =	sor.u32 $0x10, s1;
	s21 =	sadd.s32 s20, s23;
	v21 =	vadd.f32 v13, v16;
	v22 =	vadd.f32 v12, v11  }
0x1cc: {  	s4 =	sadd.s32 s20, s28;
	s6 =	sadd.s32 s22, s21;
	v23 =	vadd.f32 v17, v16;
	v26 =	vadd.f32 v14, v11  }
0x1cd: {  	s24 =	sadd.s32 s22, s4;
	v12 =	vld [tilespmem:s6+$0x0];
	v15 =	vadd.f32 v15, v11;
	v14 =	vadd.f32 v18, v11  }
0x1ce: {  	s3 =	sadd.s32 s1, s21;
	s26 =	sadd.s32 $0x80, s4;
	v13 =	vimm.f32 $0.0e+00;
	v17 =	vld [tilespmem:s24+$0x0];
	v27 =	vadd.f32 v19, v16;
	v24 =	vadd.f32 v20, v16  }
0x1cf: {  	s7 =	sadd.s32 $0x100, s4;
	s8 =	sadd.s32 s22, s26;
	v11 =	vld [tilespmem:s3+$0x0];
	v25 =	vmul.f32 v21, v21;
	v16 =	vadd.f32 v21, v13;
	v28 =	vmul.f32 v22, v22  }
0x1d0: {  	s29 =	sadd.s32 s22, s7;
	v19 =	vld [tilespmem:s8+$0x0];
	v18 =	vmul.f32 v23, v23;
	v29 =	vadd.f32 v23, v13;
	v30 =	vmul.f32 v26, v26  }
0x1d1: {  	s25 =	sadd.s32 s1, s4;
	s3 =	sadd.s32 $0x180, s4;
	v20 =	vld [tilespmem:s29+$0x0];
	v32 =	vmul.f32 v27, v27;
	v25 =	vadd.f32 v25, v13;
	v23 =	vadd.f32 v22, v16  }
0x1d2: {  	v21 =	vld [tilespmem:s25+$0x0];
	s30 =	sadd.s32 s22, s3;
	v31 =	vmul.f32 v24, v24;
	v18 =	vadd.f32 v18, v13;
	v16 =	vadd.f32 v26, v29  }
0x1d3: {  	s31 =	sadd.s32 s1, s26;
	v22 =	vld [tilespmem:s30+$0x0];
	v29 =	vadd.f32 v27, v13;
	v26 =	vimm.f32 $0.0e+00;
	v25 =	vadd.f32 v28, v25  }
0x1d4: {  	s4 =	sadd.s32 s1, s7;
	v27 =	vld [tilespmem:s31+$0x0];
	v28 =	vadd.f32 v32, v13;
	v18 =	vadd.f32 v30, v18;
	v30 =	vmul.f32 v15, v15  }
.LBB2_12:
0x1d5: {  	s0 =	sadd.s32 $0x20, s0;
	v32 =	vld [tilespmem:s4+$0x0];
	s3 =	sadd.s32 s1, s3;
	s2 =	sadd.s32 $0x100, s2;
	v13 =	vadd.f32 v24, v13;
	v24 =	vadd.f32 v31, v26;
	v26 =	vmul.f32 v14, v14  }
0x1d6: {  	s1 =	sand.u32 $0x60, s0;
	s4 =	sand.u32 $0x1C00, s2;
	p0 =	slt.u32 s0, $0x2E0;
	v31 =	vld [tilespmem:s3+$0x0];
	v29 =	vadd.f32 v15, v29;
	v28 =	vadd.f32 v30, v28  }
0x1d7: {  	s3 =	sadd.s32 s4, s23;
	s5 =	sor.u32 $0x10, s1;
	v13 =	vadd.f32 v14, v13;
	v26 =	vadd.f32 v26, v24  }
0x1d8: {  	v33 =	vadd.f32 v17, v12;
	v30 =	vadd.f32 v21, v11;
	s4 =	sadd.s32 s4, s28;
	s6 =	sadd.s32 s5, s3  }
0x1d9: {  	v35 =	vadd.f32 v19, v12;
	v34 =	vld [tilespmem:s6+$0x0];
	s6 =	sadd.s32 s5, s4;
	v27 =	vadd.f32 v27, v11  }
0x1da: {  	v15 =	vadd.f32 v20, v12;
	s3 =	sadd.s32 s1, s3;
	v19 =	vmul.f32 v30, v30;
	v14 =	vadd.f32 v22, v12;
	v17 =	vld [tilespmem:s6+$0x0]  }
0x1db: {  	s7 =	sadd.s32 $0x80, s4;
	s6 =	sadd.s32 s1, s4;
	v32 =	vadd.f32 v32, v11;
	v37 =	vmul.f32 v27, v27;
	v24 =	vadd.f32 v31, v11;
	v11 =	vld [tilespmem:s3+$0x0]  }
.Ltmp4:
0x1dc: {  	v22 =	vadd.f32 v30, v23;
	v30 =	vmul.f32 v33, v33;
	s8 =	sadd.s32 s5, s7;
	v25 =	vadd.f32 v19, v25;
	v21 =	vld [tilespmem:s6+$0x0];
	s6 =	sadd.s32 $0x100, s4;
	(pc) =	sbr.rel @p0 .LBB2_12-.Ltmp4, $4  }
0x1dd: {  	s3 =	sadd.s32 $0x180, s4;
	v16 =	vadd.f32 v27, v16;
	v27 =	vmul.f32 v35, v35;
	v19 =	vld [tilespmem:s8+$0x0];
	s4 =	sadd.s32 s5, s6;
	v18 =	vadd.f32 v37, v18  }
0x1de: {  	v23 =	vadd.f32 v33, v22;
	v36 =	vmul.f32 v32, v32;
	v25 =	vadd.f32 v30, v25;
	v20 =	vld [tilespmem:s4+$0x0];
	s4 =	sadd.s32 s5, s3;
	v12 =	vmovc v34  }
0x1df: {  	v31 =	vmul.f32 v24, v24;
	v16 =	vadd.f32 v35, v16;
	s5 =	sadd.s32 s1, s7;
	v22 =	vld [tilespmem:s4+$0x0];
	v18 =	vadd.f32 v27, v18  }
0x1e0: {  	v29 =	vadd.f32 v32, v29;
	v30 =	vmul.f32 v15, v15;
	v28 =	vadd.f32 v36, v28;
	s4 =	sadd.s32 s1, s6;
	v27 =	vld [tilespmem:s5+$0x0]  }
0x1e1: {  	v21 =	vadd.f32 v21, v11;
	_ =	sdelay $0x1  }
0x1e2: {  	v17 =	vadd.f32 v17, v12;
	v32 =	vmul.f32 v21, v21;
	v21 =	vadd.f32 v21, v23;
	_ =	sdelay $0x1  }
0x1e3: {  	v23 =	vadd.f32 v32, v25;
	v25 =	vmul.f32 v17, v17;
	v17 =	vadd.f32 v17, v21;
	_ =	sdelay $0x1  }
0x1e4: {  	v21 =	vadd.f32 v25, v23;
	v23 =	vperm.xlane v17, v7  }
0x1e5: {  	v13 =	vadd.f32 v24, v13;
	v24 =	vadd.f32 v31, v26  }
0x1e6: {  	v26 =	vmul.f32 v14, v14;
	v25 =	vperm.xlane v21, v7;
	v17 =	vadd.f32 v23, v17  }
0x1e7: {  	v15 =	vadd.f32 v15, v29;
	v13 =	vadd.f32 v14, v13  }
0x1e8: {  	s0 =	sadd.s32 s1, s3;
	v14 =	vadd.f32 v26, v24;
	v23 =	vld [tilespmem:s4+$0x0];
	v21 =	vadd.f32 v25, v21;
	v24 =	vperm.xlane v17, v8  }
0x1e9: {  	v28 =	vadd.f32 v30, v28;
	v26 =	vadd.f32 v27, v11;
	v25 =	vld [tilespmem:s0+$0x0]  }
0x1ea: {  	v19 =	vadd.f32 v19, v12;
	v27 =	vperm.xlane v21, v8;
	v17 =	vadd.f32 v24, v17  }
0x1eb: {  	v20 =	vadd.f32 v20, v12;
	v12 =	vadd.f32 v22, v12;
	v22 =	vmul.f32 v26, v26  }
0x1ec: {  	v16 =	vadd.f32 v26, v16;
	v21 =	vadd.f32 v27, v21;
	v24 =	vperm.xlane v17, v9  }
0x1ed: {  	v18 =	vadd.f32 v22, v18;
	v22 =	vmul.f32 v19, v19;
	v23 =	vadd.f32 v23, v11  }
0x1ee: {  	v11 =	vadd.f32 v25, v11;
	v25 =	vperm.xlane v21, v9;
	v17 =	vadd.f32 v24, v17  }
0x1ef: {  	v16 =	vadd.f32 v19, v16;
	v18 =	vadd.f32 v22, v18  }
0x1f0: {  	v15 =	vadd.f32 v23, v15;
	v21 =	vadd.f32 v25, v21;
	v19 =	vperm.xlane v17, v10  }
0x1f1: {  	v24 =	vmul.f32 v23, v23;
	v26 =	vmul.f32 v11, v11;
	v13 =	vadd.f32 v11, v13  }
0x1f2: {  	v15 =	vadd.f32 v20, v15;
	v23 =	vperm.xlane v21, v10;
	v11 =	vadd.f32 v19, v17  }
0x1f3: {  	v22 =	vadd.f32 v24, v28;
	v14 =	vadd.f32 v26, v14;
	v17 =	vmul.f32 v20, v20  }
0x1f4: {  	v20 =	vperm.xlane v16, v7;
	v19 =	vadd.f32 v23, v21;
	v11 =	vmul.f32 $1.302083370e-03, v11  }
0x1f5: {  	v21 =	vmul.f32 v12, v12;
	v17 =	vadd.f32 v17, v22;
	v22 =	vperm.xlane v18, v7  }
0x1f6: {  	v12 =	vadd.f32 v12, v13;
	v19 =	vmul.f32 $1.302083370e-03, v19;
	v13 =	vmul.f32 v11, v11  }
0x1f7: {  	v16 =	vadd.f32 v20, v16;
	v20 =	vperm.xlane v15, v7;
	v14 =	vadd.f32 v21, v14  }
0x1f8: {  	v19 =	vsub.f32 v19, v13;
	v13 =	vadd.f32 v22, v18;
	v18 =	vperm.xlane v12, v7  }
0x1f9: {  	v21 =	vperm.xlane v16, v8;
	v15 =	vadd.f32 v20, v15;
	v20 =	vperm.xlane v17, v7  }
0x1fa: {  	v22 =	vperm.xlane v13, v8;
	v12 =	vadd.f32 v18, v12;
	v18 =	vperm.xlane v14, v7  }
0x1fb: {  	v16 =	vadd.f32 v21, v16;
	v21 =	vperm.xlane v15, v8;
	v17 =	vadd.f32 v20, v17  }
0x1fc: {  	v13 =	vadd.f32 v22, v13;
	v20 =	vperm.xlane v12, v8;
	v14 =	vadd.f32 v18, v14  }
0x1fd: {  	v15 =	vadd.f32 v21, v15;
	v21 =	vperm.xlane v17, v8;
	v18 =	vperm.xlane v16, v9  }
0x1fe: {  	v22 =	vperm.xlane v13, v9;
	v12 =	vadd.f32 v20, v12;
	v20 =	vperm.xlane v14, v8  }
0x1ff: {  	v17 =	vadd.f32 v21, v17;
	v16 =	vadd.f32 v18, v16;
	v18 =	vperm.xlane v15, v9  }
0x200: {  	v13 =	vadd.f32 v22, v13;
	v21 =	vperm.xlane v12, v9;
	v14 =	vadd.f32 v20, v14  }
0x201: {  	v20 =	vperm.xlane v16, v10;
	v15 =	vadd.f32 v18, v15;
	v18 =	vperm.xlane v17, v9  }
0x202: {  	v22 =	vperm.xlane v13, v10;
	v21 =	vadd.f32 v21, v12;
	v12 =	vperm.xlane v14, v9  }
0x203: {  	v16 =	vadd.f32 v20, v16;
	v20 =	vperm.xlane v15, v10;
	v17 =	vadd.f32 v18, v17  }
0x204: {  	v13 =	vadd.f32 v22, v13;
	v18 =	vperm.xlane v21, v10;
	v22 =	vadd.f32 v12, v14  }
0x205: {  	v12 =	vmul.f32 $1.302083370e-03, v16;
	v14 =	vadd.f32 v20, v15;
	v15 =	vperm.xlane v17, v10  }
0x206: {  	v16 =	vmul.f32 $1.302083370e-03, v13;
	v18 =	vadd.f32 v18, v21;
	v20 =	vperm.xlane v22, v10  }
0x207: {  	v21 =	vmul.f32 v12, v12;
	v13 =	vmul.f32 $1.302083370e-03, v14;
	v15 =	vadd.f32 v15, v17  }
0x208: {  	v17 =	vadd.f32 $9.999999960e-13, v19;
	v14 =	vmul.f32 $1.302083370e-03, v18;
	v18 =	vadd.f32 v20, v22  }
0x209: {  	v16 =	vsub.f32 v16, v21;
	v15 =	vmul.f32 $1.302083370e-03, v15;
	v19 =	vmul.f32 v13, v13  }
0x20a: {  	v18 =	vmul.f32 $1.302083370e-03, v18;
	v20 =	vmul.f32 v14, v14  }
0x20b: {  	v21 =	vshrl.u32 v17, $0x1;
	v16 =	vadd.f32 $9.999999960e-13, v16;
	v15 =	vsub.f32 v15, v19  }
0x20c: {  	v17 =	vmul.f32 $5.000000000e-01, v17;
	v19 =	vsub.s32 $0x5F3759DF, v21;
	v18 =	vsub.f32 v18, v20  }
0x20d: {  	v20 =	vshrl.u32 v16, $0x1;
	v16 =	vmul.f32 $5.000000000e-01, v16;
	v15 =	vadd.f32 $9.999999960e-13, v15  }
0x20e: {  	v21 =	vmul.f32 v19, v17;
	v20 =	vsub.s32 $0x5F3759DF, v20;
	v18 =	vadd.f32 $9.999999960e-13, v18  }
0x20f: {  	v22 =	vmul.f32 v20, v16;
	v23 =	vshrl.u32 v15, $0x1;
	v15 =	vmul.f32 $5.000000000e-01, v15  }
0x210: {  	v23 =	vsub.s32 $0x5F3759DF, v23;
	v24 =	vshrl.u32 v18, $0x1;
	v18 =	vmul.f32 $5.000000000e-01, v18  }
0x211: {  	v21 =	vmul.f32 v19, v21;
	v25 =	vmul.f32 v23, v15;
	v24 =	vsub.s32 $0x5F3759DF, v24  }
0x212: {  	v22 =	vmul.f32 v20, v22;
	v26 =	vmul.f32 v24, v18  }
0x213: {  	v21 =	vsub.f32 $1.500000000e+00, v21;
	v25 =	vmul.f32 v23, v25  }
0x214: {  	v22 =	vsub.f32 $1.500000000e+00, v22;
	v26 =	vmul.f32 v24, v26  }
0x215: {  	v19 =	vmul.f32 v19, v21;
	v21 =	vsub.f32 $1.500000000e+00, v25  }
0x216: {  	v20 =	vmul.f32 v20, v22;
	v22 =	vsub.f32 $1.500000000e+00, v26  }
0x217: {  	v25 =	vmul.f32 v19, v17;
	v21 =	vmul.f32 v23, v21  }
0x218: {  	v23 =	vmul.f32 v20, v16;
	v22 =	vmul.f32 v24, v22  }
0x219: {  	s3 =	simm.s32 $0x0;
	v24 =	vmul.f32 v25, v19;
	v25 =	vmul.f32 v21, v15  }
0x21a: {  	s1 =	sand.u32 $0x1C00, s3;
	v23 =	vmul.f32 v23, v20;
	v26 =	vmul.f32 v22, v18  }
0x21b: {  	s4 =	sadd.s32 s1, s23;
	s1 =	sadd.s32 s1, s28;
	s0 =	simm.s32 $0x0;
	v24 =	vsub.f32 $1.500000000e+00, v24;
	v25 =	vmul.f32 v25, v21  }
0x21c: {  	s6 =	sadd.s32 $0x80, s1;
	s5 =	sand.u32 $0x60, s0;
	v23 =	vsub.f32 $1.500000000e+00, v23;
	v26 =	vmul.f32 v26, v22  }
0x21d: {  	s12 =	sadd.s32 s5, s6;
	v19 =	vmul.f32 v24, v19;
	v24 =	vsub.f32 $1.500000000e+00, v25  }
0x21e: {  	s2 =	sadd.s32 s5, s4;
	v20 =	vmul.f32 v23, v20;
	v25 =	vld [tilespmem:s12+$0x0];
	v23 =	vsub.f32 $1.500000000e+00, v26  }
0x21f: {  	s7 =	sadd.s32 s5, s1;
	v21 =	vmul.f32 v24, v21;
	v24 =	vld [tilespmem:s2+$0x0]  }
0x220: {  	s14 =	sadd.s32 $0x100, s1;
	v17 =	vmul.f32 v19, v17;
	v22 =	vmul.f32 v23, v22;
	v23 =	vld [tilespmem:s7+$0x0]  }
0x221: {  	s9 =	sadd.s32 $0x180, s1;
	s15 =	sadd.s32 s5, s14;
	v16 =	vmul.f32 v20, v16  }
0x222: {  	s16 =	sadd.s32 s5, s9;
	v26 =	vld [tilespmem:s15+$0x0];
	v17 =	vmul.f32 v17, v19;
	v15 =	vmul.f32 v21, v15  }
0x223: {  	v27 =	vld [tilespmem:s16+$0x0];
	v16 =	vmul.f32 v16, v20;
	v18 =	vmul.f32 v22, v18  }
0x224: {  	v15 =	vmul.f32 v15, v21;
	v17 =	vsub.f32 $1.500000000e+00, v17;
	v25 =	vadd.f32 v25, v24  }
0x225: {  	s25 =	simm.s32 $0xF580;
	v16 =	vsub.f32 $1.500000000e+00, v16;
	v23 =	vadd.f32 v23, v24  }
0x226: {  	v29 =	vld [tilespmem:s25+$0x0];
	v18 =	vmul.f32 v18, v22;
	v28 =	vsub.f32 $1.500000000e+00, v15;
	v25 =	vsub.f32 v25, v12  }
0x227: {  	s26 =	simm.s32 $0xF880;
	v15 =	vmul.f32 v17, v19;
	v19 =	vsub.f32 v23, v11;
	v23 =	vadd.f32 v26, v24  }
0x228: {  	v16 =	vmul.f32 v16, v20;
	v20 =	vld [tilespmem:s26+$0x0];
	v18 =	vsub.f32 $1.500000000e+00, v18;
	v24 =	vadd.f32 v27, v24  }
0x229: {  	s8 =	simm.s32 $0x100;
	v17 =	vmul.f32 v28, v21;
	v19 =	vmul.f32 v19, v15;
	v21 =	vsub.f32 v23, v13  }
0x22a: {  	s10 =	simm.s32 $0x20;
	s29 =	simm.s32 $0x20;
	s8 =	sand.u32 $0x1C00, s8;
	v18 =	vmul.f32 v18, v22;
	v22 =	vmul.f32 v25, v16;
	v23 =	vsub.f32 v24, v14  }
0x22b: {  	s11 =	sand.u32 $0x60, s10;
	s10 =	sadd.s32 s8, s23;
	s8 =	sadd.s32 s8, s28;
	v19 =	vmul.f32 v19, v29;
	v21 =	vmul.f32 v21, v17  }
0x22c: {  	s21 =	sadd.s32 s11, s8;
	[dreg:$0xa] =	wrdreg s29;
	v22 =	vmul.f32 v22, v29;
	v23 =	vmul.f32 v23, v18  }
0x22d: {  	s13 =	sadd.s32 s11, s10;
	s17 =	sadd.s32 $0x80, s8;
	v25 =	vld [tilespmem:s21+$0x0];
	v19 =	vadd.f32 v19, v20;
	v21 =	vmul.f32 v21, v29  }
0x22e: {  	s20 =	sadd.s32 $0x100, s8;
	v24 =	vld [tilespmem:s13+$0x0];
	s13 =	sadd.s32 s11, s17;
	v22 =	vadd.f32 v22, v20;
	v23 =	vmul.f32 v23, v29  }
0x22f: {  	s18 =	sadd.s32 s11, s20;
	s2 =	sadd.s32 $0x180, s8;
	v26 =	vld [tilespmem:s13+$0x0];
	[tilespmem:s7+$0x0] =	vst v19;
	v19 =	vadd.f32 v21, v20  }
0x230: {  	s30 =	sadd.s32 s11, s2;
	v21 =	vld [tilespmem:s18+$0x0];
	v20 =	vadd.f32 v23, v20;
	[tilespmem:s12+$0x0] =	vst v22  }
0x231: {  	s19 =	simm.s32 $0xF5A0;
	s5 =	sor.u32 $0x10, s5;
	v22 =	vld [tilespmem:s30+$0x0];
	[tilespmem:s15+$0x0] =	vst v19  }
0x232: {  	s3 =	sadd.s32 s5, s4;
	v19 =	vld [tilespmem:s19+$0x0];
	[tilespmem:s16+$0x0] =	vst v20  }
0x233: {  	s24 =	sadd.s32 s5, s9;
	s6 =	sadd.s32 s5, s6;
	v23 =	vld [tilespmem:s3+$0x0]  }
0x234: {  	v20 =	vadd.f32 v25, v24;
	v25 =	vadd.f32 v26, v24;
	v26 =	vld [tilespmem:s24+$0x0];
	[dreg:$0x8] =	wrdreg s6  }
0x235: {  	s22 =	simm.s32 $0x200;
	s25 =	simm.s32 $0xF8A0;
	s4 =	sadd.s32 s5, s14;
	v27 =	vld [tilespmem:s6+$0x0]  }
0x236: {  	s26 =	sadd.s32 s5, s1;
	s16 =	simm.s32 $0x40;
	s3 =	sand.u32 $0x1C00, s22;
	v20 =	vsub.f32 v20, v11;
	v21 =	vadd.f32 v21, v24;
	v28 =	vld [tilespmem:s25+$0x0]  }
0x237: {  	s9 =	sand.u32 $0x60, s16;
	v25 =	vsub.f32 v25, v12;
	s14 =	sadd.s32 s3, s23;
	v29 =	vld [tilespmem:s4+$0x0];
	[dreg:$0xc] =	wrdreg s26;
	v22 =	vadd.f32 v22, v24  }
0x238: {  	s12 =	sadd.s32 s3, s28;
	s29 =	sadd.s32 s9, s14;
	v30 =	vld [tilespmem:s26+$0x0];
	v20 =	vmul.f32 v20, v15;
	v24 =	vsub.f32 v21, v13  }
0x239: {  	s0 =	sand.u32 $0x380, s0;
	s19 =	sadd.s32 s9, s12;
	v25 =	vmul.f32 v25, v16;
	v21 =	vld [tilespmem:s29+$0x0];
	v22 =	vsub.f32 v22, v14  }
0x23a: {  	s0 =	sor.u32 s0, s5;
	s25 =	sadd.s32 $0x80, s12;
	v63 =	vld [tilespmem:s19+$0x0];
	v31 =	vmul.f32 v20, v19;
	v24 =	vmul.f32 v24, v17;
	v26 =	vadd.f32 v26, v23  }
0x23b: {  	s1 =	sadd.s32 s9, s25;
	v25 =	vmul.f32 v25, v19;
	v20 =	vld [tilespmem:s0+$0xF580];
	v22 =	vmul.f32 v22, v18;
	v27 =	vadd.f32 v27, v23  }
0x23c: {  	s5 =	sadd.s32 $0x100, s12;
	v33 =	vld [tilespmem:s1+$0x0];
	v31 =	vadd.f32 v31, v28;
	v24 =	vmul.f32 v24, v19;
	v26 =	vsub.f32 v26, v14  }
0x23d: {  	s6 =	sadd.s32 s9, s5;
	v29 =	vadd.f32 v29, v23;
	v25 =	vadd.f32 v25, v28;
	v22 =	vmul.f32 v22, v19;
	v19 =	vld [tilespmem:s0+$0xF880]  }
0x23e: {  	v34 =	vld [tilespmem:s6+$0x0];
	v23 =	vadd.f32 v30, v23;
	s0 =	sadd.s32 $0x180, s12;
	[tilespmem:s21+$0x0] =	vst v31;
	v24 =	vadd.f32 v24, v28;
	v26 =	vmul.f32 v26, v18  }
0x23f: {  	[tilespmem:s13+$0x0] =	vst v25;
	s13 =	sadd.s32 s9, s0;
	v22 =	vadd.f32 v22, v28  }
0x240: {  	s11 =	sor.u32 $0x10, s11;
	s21 =	simm.s32 $0xF5C0;
	v25 =	vsub.f32 v27, v12;
	v27 =	vld [tilespmem:s13+$0x0];
	[tilespmem:s18+$0x0] =	vst v24;
	v24 =	vsub.f32 v23, v11;
	v26 =	vmul.f32 v26, v20  }
0x241: {  	v31 =	vadd.f32 v63, v21;
	v28 =	vsub.f32 v29, v13;
	v23 =	vld [tilespmem:s21+$0x0];
	[tilespmem:s30+$0x0] =	vst v22;
	s30 =	sadd.s32 s11, s10  }
0x242: {  	s18 =	sadd.s32 s11, s2;
	v29 =	vmul.f32 v25, v16;
	v22 =	vld [tilespmem:s30+$0x0];
	v35 =	vmul.f32 v24, v15;
	v36 =	vadd.f32 v26, v19  }
0x243: {  	s31 =	simm.s32 $0x300;
	s8 =	sadd.s32 s11, s8;
	s17 =	sadd.s32 s11, s17;
	v30 =	vadd.f32 v33, v21;
	v32 =	vadd.f32 v34, v21;
	v28 =	vmul.f32 v28, v17;
	v25 =	vld [tilespmem:s18+$0x0]  }
0x244: {  	s22 =	sadd.s32 s11, s20;
	s20 =	simm.s32 $0x40;
	v31 =	vsub.f32 v31, v11;
	s10 =	simm.s32 $0xF8C0;
	v26 =	vld [tilespmem:s17+$0x0];
	v24 =	vmul.f32 v29, v20;
	v29 =	vmul.f32 v35, v20;
	[tilespmem:s24+$0x0] =	vst v36  }
.LBB2_14:
0x245: {  	s16 =	sadd.s32 $0x20, s16;
	s3 =	sand.u32 $0x1C00, s31;
	s30 =	smov.u32 s6  }
0x246: {  	s7 =	smov.u32 s0;
	s29 =	smov.u32 s13;
	s2 =	smov.u32 s4  }
0x247: {  	s4 =	smov.u32 s22;
	s15 =	smov.u32 s28;
	[dreg:$0x10] =	wrdreg s2  }
0x248: {  	s21 =	sadd.s32 $0x20, s21;
	s31 =	sadd.s32 $0x100, s31;
	[dreg:$0xe] =	wrdreg s4  }
0x249: {  	v33 =	vld [tilespmem:s10+$0x0];
	s10 =	sadd.s32 $0x20, s10;
	v30 =	vsub.f32 v30, v12;
	v28 =	vmul.f32 v28, v20;
	s26 =	sand.u32 $0x60, s16;
	s2 =	rddreg [dreg:$0xa]  }
0x24a: {  	s24 =	sadd.s32 s3, s23;
	v20 =	vmul.f32 v31, v15;
	v31 =	vld [tilespmem:s22+$0x0];
	v29 =	vadd.f32 v29, v19;
	s28 =	sadd.s32 s3, s28;
	s3 =	rddreg [dreg:$0xc];
	v21 =	vadd.f32 v27, v21  }
0x24b: {  	v34 =	vld [tilespmem:s8+$0x0];
	v24 =	vadd.f32 v24, v19;
	s22 =	smov.u32 s20;
	s20 =	smov.u32 s16;
	s4 =	rddreg [dreg:$0x8];
	v27 =	vsub.f32 v32, v13  }
0x24c: {  	p0 =	slt.u32 s16, $0x2E0;
	s6 =	sadd.s32 s26, s24;
	s13 =	sand.u32 $0x380, s2;
	v30 =	vmul.f32 v30, v16;
	v35 =	vmul.f32 v20, v23;
	v57 =	vsub.f32 v21, v14  }
0x24d: {  	[dreg:$0xa] =	wrdreg s22;
	s2 =	sadd.s32 $0x80, s28;
	s0 =	sor.u32 s13, s11;
	v21 =	vld [tilespmem:s6+$0x0];
	v27 =	vmul.f32 v27, v17;
	v25 =	vadd.f32 v25, v22;
	[tilespmem:s3+$0x0] =	vst v29;
	v26 =	vadd.f32 v26, v22  }
0x24e: {  	s11 =	sadd.s32 s26, s28;
	s13 =	smov.u32 s17;
	s22 =	sadd.s32 s26, s2;
	v29 =	vmul.f32 v30, v23;
	v20 =	vld [tilespmem:s0+$0xF580];
	v58 =	vadd.f32 v35, v33;
	v30 =	vmul.f32 v57, v18  }
0x24f: {  	s6 =	smov.u32 s8;
	[dreg:$0x8] =	wrdreg s13;
	s3 =	sadd.s32 $0x100, s28;
	[tilespmem:s4+$0x0] =	vst v24;
	v24 =	vld [tilespmem:s11+$0x0];
	v27 =	vmul.f32 v27, v23;
	v25 =	vsub.f32 v25, v14;
	v31 =	vadd.f32 v31, v22  }
0x250: {  	[dreg:$0xc] =	wrdreg s6;
	s4 =	smov.u32 s23;
	s6 =	sadd.s32 s26, s3;
	v22 =	vadd.f32 v34, v22;
	v29 =	vadd.f32 v29, v33;
	v23 =	vmul.f32 v30, v23;
	v30 =	vld [tilespmem:s0+$0xF880]  }
0x251: {  	s23 =	smov.u32 s18;
	v61 =	vld [tilespmem:s6+$0x0];
	v26 =	vsub.f32 v26, v12;
	s0 =	sadd.s32 $0x180, s28;
	[tilespmem:s19+$0x0] =	vst v58;
	v60 =	vadd.f32 v27, v33;
	v25 =	vmul.f32 v25, v18;
	s19 =	smov.u32 s11  }
0x252: {  	v59 =	vld [tilespmem:s22+$0x0];
	s11 =	sor.u32 $0x10, s9;
	v62 =	vsub.f32 v22, v11;
	s13 =	sadd.s32 s26, s0;
	[tilespmem:s1+$0x0] =	vst v29;
	s1 =	smov.u32 s22;
	v29 =	vadd.f32 v23, v33  }
.Ltmp5:
0x253: {  	v31 =	vsub.f32 v31, v13;
	v26 =	vmul.f32 v26, v16;
	s9 =	sadd.s32 s11, s14;
	s8 =	sadd.s32 s11, s12;
	v27 =	vld [tilespmem:s13+$0x0];
	[tilespmem:s30+$0x0] =	vst v60;
	v25 =	vmul.f32 v25, v20;
	(pc) =	sbr.rel @p0 .LBB2_14-.Ltmp5, $4  }
0x254: {  	s17 =	sadd.s32 s11, s25;
	s22 =	sadd.s32 s11, s5;
	s18 =	sadd.s32 s11, s7;
	v63 =	vadd.f32 v24, v21;
	v23 =	vld [tilespmem:s21+$0x0];
	[tilespmem:s29+$0x0] =	vst v29;
	v29 =	vadd.f32 v28, v19  }
0x255: {  	s14 =	smov.u32 s24;
	s12 =	smov.u32 s28;
	v36 =	vmul.f32 v62, v15;
	v24 =	vmul.f32 v26, v20;
	s30 =	rddreg [dreg:$0x10];
	v26 =	vld [tilespmem:s17+$0x0];
	v37 =	vadd.f32 v25, v30  }
0x256: {  	s28 =	smov.u32 s15;
	s25 =	smov.u32 s2;
	s5 =	smov.u32 s3;
	v32 =	vadd.f32 v61, v21;
	v28 =	vmul.f32 v31, v17;
	v31 =	vsub.f32 v63, v11;
	v22 =	vld [tilespmem:s9+$0x0];
	[tilespmem:s30+$0x0] =	vst v29  }
0x257: {  	v19 =	vmov v30;
	s9 =	smov.u32 s26;
	v30 =	vadd.f32 v59, v21;
	v25 =	vld [tilespmem:s18+$0x0];
	v29 =	vmul.f32 v36, v20;
	[tilespmem:s23+$0x0] =	vst v37;
	s23 =	smov.u32 s4;
	s4 =	rddreg [dreg:$0xe]  }
0x258: {  	_ = 	snop  }
0x259: {  	v33 =	vld [tilespmem:s10+$0x0];
	v21 =	vadd.f32 v27, v21;
	v30 =	vsub.f32 v30, v12  }
0x25a: {  	v38 =	vmul.f32 v31, v15;
	v39 =	vsub.f32 v32, v13  }
0x25b: {  	v21 =	vsub.f32 v21, v14;
	v30 =	vmul.f32 v30, v16  }
0x25c: {  	v27 =	vmul.f32 v38, v23;
	v31 =	vmul.f32 v39, v17  }
0x25d: {  	v21 =	vmul.f32 v21, v18;
	v30 =	vmul.f32 v30, v23  }
0x25e: {  	v31 =	vmul.f32 v31, v23;
	v27 =	vadd.f32 v27, v33  }
0x25f: {  	v21 =	vmul.f32 v21, v23;
	v30 =	vadd.f32 v30, v33  }
0x260: {  	s2 =	rddreg [dreg:$0xa];
	v41 =	vadd.f32 v31, v33;
	[tilespmem:s19+$0x0] =	vst v27  }
0x261: {  	v40 =	vld [tilespmem:s22+$0x0];
	s2 =	sand.u32 $0x380, s2;
	v21 =	vadd.f32 v21, v33;
	[tilespmem:s1+$0x0] =	vst v30  }
0x262: {  	v42 =	vld [tilespmem:s8+$0x0];
	s24 =	sor.u32 $0x10, s9;
	s2 =	sor.u32 s2, s11;
	[tilespmem:s6+$0x0] =	vst v41  }
0x263: {  	s26 =	sadd.s32 s24, s14;
	v43 =	vld [tilespmem:s2+$0xF580];
	[tilespmem:s13+$0x0] =	vst v21  }
0x264: {  	s0 =	sadd.s32 s24, s0;
	v25 =	vadd.f32 v25, v22;
	v21 =	vld [tilespmem:s26+$0x0]  }
0x265: {  	s28 =	sadd.s32 s24, s12;
	v45 =	vld [tilespmem:s0+$0x0]  }
0x266: {  	v20 =	vmul.f32 v28, v20;
	v24 =	vadd.f32 v24, v19;
	v25 =	vsub.f32 v25, v14;
	v46 =	vld [tilespmem:s28+$0x0]  }
0x267: {  	v29 =	vadd.f32 v29, v19;
	v44 =	vld [tilespmem:s2+$0xF880];
	v31 =	vadd.f32 v42, v22  }
0x268: {  	v53 =	vadd.f32 v20, v19;
	v26 =	vadd.f32 v26, v22;
	v48 =	vmul.f32 v25, v18  }
0x269: {  	s29 =	sand.u32 $0x380, s20;
	v47 =	vadd.f32 v40, v22;
	v51 =	vsub.f32 v31, v11  }
0x26a: {  	v49 =	vsub.f32 v26, v12;
	s1 =	sor.u32 s29, s24;
	v23 =	vmul.f32 v48, v43;
	v55 =	vadd.f32 v45, v21  }
0x26b: {  	s3 =	sadd.s32 s24, s25;
	v22 =	vsub.f32 v47, v13;
	v54 =	vmul.f32 v51, v15;
	v56 =	vld [tilespmem:s1+$0xF580];
	v33 =	vadd.f32 v46, v21  }
0x26c: {  	v25 =	vmul.f32 v49, v16;
	v50 =	vld [tilespmem:s3+$0x0];
	v23 =	vadd.f32 v23, v44;
	s30 =	rddreg [dreg:$0xc];
	v57 =	vsub.f32 v55, v14  }
0x26d: {  	s5 =	sadd.s32 s24, s5;
	v22 =	vmul.f32 v22, v17;
	v20 =	vmul.f32 v54, v43;
	v58 =	vld [tilespmem:s1+$0xF880];
	[tilespmem:s30+$0x0] =	vst v29;
	v11 =	vsub.f32 v33, v11  }
0x26e: {  	v25 =	vmul.f32 v25, v43;
	v52 =	vld [tilespmem:s5+$0x0];
	s31 =	rddreg [dreg:$0x8];
	[tilespmem:s18+$0x0] =	vst v23;
	v14 =	vmul.f32 v57, v18  }
0x26f: {  	v22 =	vmul.f32 v22, v43;
	v60 =	vadd.f32 v20, v44;
	[tilespmem:s31+$0x0] =	vst v24;
	v11 =	vmul.f32 v11, v15  }
0x270: {  	v62 =	vadd.f32 v25, v44;
	[tilespmem:s4+$0x0] =	vst v53;
	v14 =	vmul.f32 v14, v56  }
0x271: {  	v63 =	vadd.f32 v22, v44;
	[tilespmem:s8+$0x0] =	vst v60;
	v11 =	vmul.f32 v11, v56  }
0x272: {  	v26 =	vadd.f32 v50, v21;
	[tilespmem:s17+$0x0] =	vst v62;
	v14 =	vadd.f32 v14, v58  }
0x273: {  	v21 =	vadd.f32 v52, v21;
	[tilespmem:s22+$0x0] =	vst v63;
	v11 =	vadd.f32 v11, v58  }
0x274: {  	v59 =	vsub.f32 v26, v12;
	[tilespmem:s0+$0x0] =	vst v14  }
0x275: {  	v61 =	vsub.f32 v21, v13;
	[tilespmem:s28+$0x0] =	vst v11  }
0x276: {  	v12 =	vmul.f32 v59, v16;
	s1 =	rddreg [dreg:$0x1d]  }
0x277: {  	v13 =	vmul.f32 v61, v17;
	s1 =	sadd.s32 $0x1, s1  }
0x278: {  	v12 =	vmul.f32 v12, v56;
	p0 =	sne.s32 s1, $0x8  }
.Ltmp6:
0x279: {  	v13 =	vmul.f32 v13, v56;
	(pc) =	sbr.rel @p0 .LBB2_11-.Ltmp6, $4  }
0x27a: {  	v12 =	vadd.f32 v12, v58  }
0x27b: {  	v11 =	vadd.f32 v13, v58  }
0x27c: {  	[tilespmem:s3+$0x0] =	vst v12  }
0x27d: {  	[tilespmem:s5+$0x0] =	vst v11  }
0x27e: {  	v11 =	vld [tilespmem:$0xF480];
	_ =	sdelay $0x4  }
0x27f: {  	v12 =	vshrl.u32 v11, $0x3  }
0x280: {  	v12 =	vmul.u32 $0x30, v12  }
0x281: {  	v11 =	vand.u32 $0x7, v11  }
0x282: {  	v11 =	vor.u32 v11, v12  }
0x283: {  	v12 =	vperm.xlane v11, v4;
	_ =	sdelay $0x1  }
0x284: {  	v12 =	vadd.s32 v5, v12;
	_ =	sdelay $0x3  }
0x285: {  	s0 =	rddreg [dreg:$0x5];
	s1 =	simm.s32 $0x0;
	s5 =	simm.s32 $0x6400;
	v11 =	vperm.xlane v11, v6  }
0x286: {  	[hbm4b:s0+s1] =	stream.indirect_vreg.scatter [tilespmem:s5], [sflag:$0x6], $0x80, v12, vm0, $0xb8;
	[tilespmem:$0xFB80] =	vst v63  }
0x287: {  	s2 =	rddreg [dreg:$0x16];
	s6 =	simm.s32 $0x6C00;
	v11 =	vadd.s32 v5, v11  }
0x288: {  	[hbm4b:s2+s1] =	stream.indirect_vreg.scatter [tilespmem:s6], [sflag:$0x6], $0x80, v12, vm0, $0xb8;
	[tilespmem:$0xFB80] =	vst v63  }
0x289: {  	s3 =	rddreg [dreg:$0x17];
	s7 =	simm.s32 $0x7400  }
0x28a: {  	[hbm4b:s3+s1] =	stream.indirect_vreg.scatter [tilespmem:s7], [sflag:$0x6], $0x80, v12, vm0, $0xb8;
	[tilespmem:$0xFB80] =	vst v63  }
0x28b: {  	s8 =	simm.s32 $0x7C00  }
0x28c: {  	[hbm4b:s0+s1] =	stream.indirect_vreg.scatter [tilespmem:s8], [sflag:$0x6], $0x80, v11, vm0, $0xb8;
	[tilespmem:$0xFB80] =	vst v63  }
0x28d: {  	s9 =	simm.s32 $0x8400  }
0x28e: {  	[hbm4b:s2+s1] =	stream.indirect_vreg.scatter [tilespmem:s9], [sflag:$0x6], $0x80, v11, vm0, $0xb8;
	[tilespmem:$0xFB80] =	vst v63  }
0x28f: {  	s10 =	simm.s32 $0x8C00  }
0x290: {  	[hbm4b:s3+s1] =	stream.indirect_vreg.scatter [tilespmem:s10], [sflag:$0x6], $0x80, v11, vm0, $0xb8;
	[tilespmem:$0xFB80] =	vst v63  }
0x291: {  	v11 =	vld [tilespmem:$0xF490];
	_ =	sdelay $0x4  }
0x292: {  	v63 =	vshrl.u32 v11, $0x3  }
0x293: {  	v12 =	vmul.u32 $0x30, v63  }
0x294: {  	v11 =	vand.u32 $0x7, v11  }
0x295: {  	v11 =	vor.u32 v11, v12  }
0x296: {  	v12 =	vperm.xlane v11, v4;
	_ =	sdelay $0x1  }
0x297: {  	v12 =	vadd.s32 v5, v12;
	_ =	sdelay $0x3  }
0x298: {  	s11 =	simm.s32 $0x9400;
	v11 =	vperm.xlane v11, v6  }
0x299: {  	[hbm4b:s0+s1] =	stream.indirect_vreg.scatter [tilespmem:s11], [sflag:$0x6], $0x80, v12, vm0, $0xb8;
	[tilespmem:$0xFB80] =	vst v63  }
0x29a: {  	s12 =	simm.s32 $0x9C00;
	v11 =	vadd.s32 v5, v11  }
0x29b: {  	[hbm4b:s2+s1] =	stream.indirect_vreg.scatter [tilespmem:s12], [sflag:$0x6], $0x80, v12, vm0, $0xb8;
	[tilespmem:$0xFB80] =	vst v63  }
0x29c: {  	s13 =	simm.s32 $0xA400  }
0x29d: {  	[hbm4b:s3+s1] =	stream.indirect_vreg.scatter [tilespmem:s13], [sflag:$0x6], $0x80, v12, vm0, $0xb8;
	[tilespmem:$0xFB80] =	vst v63  }
0x29e: {  	s14 =	simm.s32 $0xAC00  }
0x29f: {  	[hbm4b:s0+s1] =	stream.indirect_vreg.scatter [tilespmem:s14], [sflag:$0x6], $0x80, v11, vm0, $0xb8;
	[tilespmem:$0xFB80] =	vst v63  }
0x2a0: {  	s15 =	simm.s32 $0xB400  }
0x2a1: {  	[hbm4b:s2+s1] =	stream.indirect_vreg.scatter [tilespmem:s15], [sflag:$0x6], $0x80, v11, vm0, $0xb8;
	[tilespmem:$0xFB80] =	vst v63  }
0x2a2: {  	s16 =	simm.s32 $0xBC00;
	s31 =	rddreg [dreg:$0x1a]  }
0x2a3: {  	[hbm4b:s3+s1] =	stream.indirect_vreg.scatter [tilespmem:s16], [sflag:$0x6], $0x80, v11, vm0, $0xb8;
	[tilespmem:$0xFB80] =	vst v63  }
0x2a4: {  	s1 =	sadd.s32 $0x1, s31  }
0x2a5: {  	p0 =	sne.s32 s1, $0x10  }
.Ltmp7:
0x2a6: {  	_ = 	snop;
	(pc) =	sbr.rel @p0 .LBB2_2-.Ltmp7, $1  }
0x2a7: {  	_ =	sdelay $0x3  }
0x2a8: {  	s0 =	simm.s32 $0x5  }
0x2a9: {  	_ =	swait.ge [sflag:s0], $0x6000  }
0x2aa: {  	[sflag:s0] =	ssyncset.done $0x0  }
0x2ab: {  	s1 =	simm.s32 $0x6;
	[sflag:s0] =	ssyncadd.s32 $0xFFFFA000  }
0x2ac: {  	_ =	swait.ge [sflag:s1], $0x6000  }
0x2ad: {  	s2 =	rddreg [dreg:$0x19]  }
0x2ae: {  	s31 =	rddreg [dreg:$0x18];
	s2 =	sadd.s32 $0x1, s2  }
0x2af: {  	p0 =	sne.s32 s2, s31  }
.Ltmp8:
0x2b0: {  	_ = 	snop;
	(pc) =	sbr.rel @p0 .LBB2_1-.Ltmp8, $3  }
0x2b1: {  	_ =	sdelay $0x1  }
0x2b2: {  	[sflag:s1] =	ssyncset.done $0x0  }
0x2b3: {  	[sflag:s1] =	ssyncadd.s32 $0xFFFFA000  }
0x2b4: {  	_ =	sfence.sel $0x180000  }
0x2b5: {  	[bflag:$0x0] =	sbarrier.arrive $0xFFFF  }
0x2b6: {  	_ =	strace $0x90000047  }
0x2b7: {  	s0 =	stileid.u32;
	[bflag:$0x2] =	sbarrier.arrive $0xFFFF  }
0x2b8: {  	p0 =	sne.s32 s0, $0x0;
	s0 =	rddreg [dreg:$0x6]  }
0x2b9: {  	s0 =	sadd.s32 @!p0 $0x100000, s0  }
0x2ba: {  	[sflag:s0] =	ssyncadd.tile.s32 @!p0 $0x1;
	_ =	shalt  }
.Lfunc_end2:
_tile_overlayer_lowered:
.L_overlay_start_2:
0x2bb: {  	(tag) =	ssettag $0x2  }
0x2bc: {  	s0 =	rddreg [dreg:$0x0];
	s2 =	stileid.u32  }
0x2bd: {  	s1 =	rddreg [dreg:$0x1];
	p0 =	sne.s32 s2, $0x0  }
0x2be: {  	s3 =	rddreg [dreg:$0x2];
	[bflag:$0x3] =	sbarrier.arrive $0xFFFF;
	s2 =	simm.s32 @!p0 $0x1C07  }
0x2bf: {  	[timem:s3], [sflag:s2] =	dma.local @!p0 [hbm:s0], s1  }
0x2c0: {  	s0 =	simm.s32 @!p0 $0x7  }
0x2c1: {  	_ =	swait.ge @!p0 [sflag:s0], s1  }
0x2c2: {  	s1 =	ssub.s32 @!p0 $0x0, s1;
	[sflag:s0] =	ssyncset.done @!p0 $0x0  }
0x2c3: {  	[sflag:s0] =	ssyncadd.s32 @!p0 s1  }
0x2c4: {  	[bflag:$0x3] =	sbarrier.arrive $0xFFFF  }
0x2c5: {  	_ =	shalt  }

</sc_bundles>
